<compile_context>
chip_gen: v7x
topology: tpu7x:2x2x1
jax: 0.10.2.dev20260603
libtpu: 0.0.44.dev20260713+nightly
codegen_flags: <defaults>
</compile_context>

<pallas_src>
import functools

import jax
import jax.numpy as jnp
from jax import lax
from jax.experimental import pallas as pl
from jax.experimental.pallas import tpu as pltpu
from jax.experimental.pallas import tpu_sc as plsc

N = 50000
NS = 12500
C = 128
K = 8
SP = 12544
R_KNN = 200
W_FOLD = 256
R_ATT = 1000
R_MOM = 10000
B_PAD = 401408
GW = B_PAD // 32
GCHUNK = 128
TD = 256

def _knn_body(pos_ref, aux_ref, out_ref):
    t = pos_ref[...]
    a = aux_ref[...]
    dx = t[:, 0:1] - a[0:1, :]
    dy = t[:, 1:2] - a[1:2, :]
    dz = t[:, 2:3] - a[2:3, :]
    d = (dx * dx + dy * dy) + dz * dz
    b = lax.bitcast_convert_type(d, jnp.int32)
    nsl = SP // W_FOLD
    MAXI = 0x7FFFFFFF

    def tree_min(lst):
        while len(lst) > 1:
            nxt = [jnp.minimum(a, c) for a, c in zip(lst[::2], lst[1::2])]
            if len(lst) % 2:
                nxt.append(lst[-1])
            lst = nxt
        return lst[0]

    vs = [b[:, si * W_FOLD:(si + 1) * W_FOLD] for si in range(nsl)]
    tiers = []
    for _ in range(3):
        m = tree_min(vs)
        eqs = [v == m for v in vs]
        sid = tree_min([jnp.where(e, si, MAXI) for si, e in enumerate(eqs)])
        tiers.append((m, sid))
        vs = [jnp.where(e, MAXI, v) for v, e in zip(vs, eqs)]
    cand = jnp.concatenate([m for m, _ in tiers], axis=1)
    sids = jnp.concatenate([s for _, s in tiers], axis=1)
    col = lax.broadcasted_iota(jnp.int32, cand.shape, 1)
    cols = []
    for _ in range(K):
        m = jnp.min(cand, axis=1, keepdims=True)
        hit = cand == m
        p = jnp.min(jnp.where(hit, col, MAXI), axis=1, keepdims=True)
        sel = col == p
        sid = jnp.min(jnp.where(sel, sids, MAXI), axis=1, keepdims=True)
        cand = jnp.where(sel, MAXI, cand)
        cols.append(sid * W_FOLD + (p & (W_FOLD - 1)))
    out_ref[...] = jnp.concatenate(cols, axis=1)


def _knn_call(pos8, aux):
    return pl.pallas_call(
        _knn_body,
        grid=(N // R_KNN,),
        in_specs=[
            pl.BlockSpec((R_KNN, 8), lambda i: (i, 0)),
            pl.BlockSpec((8, SP), lambda i: (0, 0)),
        ],
        out_specs=pl.BlockSpec((R_KNN, K), lambda i: (i, 0)),
        out_shape=jax.ShapeDtypeStruct((N, K), jnp.int32),
    )(pos8, aux)


def _tbl_body(xsub_ref, ps_ref, wpos_ref, out_ref):
    out_ref[:, 0:C] = xsub_ref[...]
    out_ref[:, C:TD] = jnp.dot(ps_ref[...], wpos_ref[...],
                               preferred_element_type=jnp.float32)


def _tbl_call(xsub_pad, ps_pad8, wpos8):
    return pl.pallas_call(
        _tbl_body,
        grid=(8,),
        in_specs=[
            pl.BlockSpec((SP // 8, C), lambda i: (i, 0)),
            pl.BlockSpec((SP // 8, 8), lambda i: (i, 0)),
            pl.BlockSpec((8, C), lambda i: (0, 0)),
        ],
        out_specs=pl.BlockSpec((SP // 8, TD), lambda i: (i, 0)),
        out_shape=jax.ShapeDtypeStruct((SP, TD), jnp.float32),
    )(xsub_pad, ps_pad8, wpos8)


def _mom_body(x_ref, w_ref, b_ref, out_ref):
    step = pl.program_id(0)
    h = jnp.dot(x_ref[...], w_ref[...], preferred_element_type=jnp.float32)
    h = h + b_ref[0:1, :]
    s = jnp.sum(h, axis=0, keepdims=True)
    q = jnp.sum(h * h, axis=0, keepdims=True)

    @pl.when(step == 0)
    def _():
        out_ref[...] = jnp.zeros_like(out_ref)

    out_ref[0:1, :] += s
    out_ref[1:2, :] += q

    @pl.when(step == pl.num_programs(0) - 1)
    def _():
        mean = out_ref[0:1, :] / N
        var = out_ref[1:2, :] / N - mean * mean
        out_ref[0:1, :] = mean
        out_ref[1:2, :] = lax.rsqrt(var + 1e-5)


def _mom_call(x, w_mlp, b_mlp8):
    return pl.pallas_call(
        _mom_body,
        grid=(N // R_MOM,),
        in_specs=[
            pl.BlockSpec((R_MOM, C), lambda i: (i, 0)),
            pl.BlockSpec((C, C), lambda i: (0, 0)),
            pl.BlockSpec((8, C), lambda i: (0, 0)),
        ],
        out_specs=pl.BlockSpec((8, C), lambda i: (0, 0)),
        out_shape=jax.ShapeDtypeStruct((8, C), jnp.float32),
    )(x, w_mlp, b_mlp8)


def _att_body(x_ref, pos_ref, g_ref, wsrc_ref, wlin_ref, wdst_ref,
              wpos_ref, wattn_ref, wmlp_ref, vecs_ref, stats_ref, out_ref):
    R = R_ATT
    RK = R * K
    xb = x_ref[...]
    g = g_ref[:, 0:C]
    bsrc = g_ref[:, C:TD]
    ad = jnp.dot(xb, wdst_ref[...], preferred_element_type=jnp.float32)
    adE = jnp.broadcast_to(ad.reshape(R, 1, C), (R, K, C)).reshape(RK, C)
    a_srcE = jnp.dot(g, wsrc_ref[...], preferred_element_type=jnp.float32)
    xsE = jnp.dot(g, wlin_ref[...], preferred_element_type=jnp.float32)
    pb = pos_ref[...]
    pdst = jnp.dot(pb, wpos_ref[...], preferred_element_type=jnp.float32)
    pdstE = jnp.broadcast_to(pdst.reshape(R, 1, C), (R, K, C)).reshape(RK, C)
    dpre = pdstE - bsrc + vecs_ref[0:1, :]
    delta = dpre * jax.nn.sigmoid(dpre)
    alpha = adE - a_srcE + delta
    ap = jnp.dot(alpha, wattn_ref[...], preferred_element_type=jnp.float32)
    ap = ap + vecs_ref[1:2, :]
    alpha = ap * jax.nn.sigmoid(ap)
    a3 = alpha.reshape(R, K, C)
    amax = jnp.max(a3, axis=1, keepdims=True)
    aexp = jnp.exp(a3 - amax)
    asum = jnp.sum(aexp, axis=1, keepdims=True)
    attn = aexp / (asum + 1e-16)
    msg = attn * (xsE + delta).reshape(R, K, C)
    x_interp = jnp.sum(msg, axis=1)
    h = jnp.dot(xb, wmlp_ref[...], preferred_element_type=jnp.float32)
    h = h + vecs_ref[2:3, :]
    hn = (h - stats_ref[0:1, :]) * stats_ref[1:2, :] * vecs_ref[3:4, :] \
        + vecs_ref[4:5, :]
    out_ref[...] = hn * jax.nn.sigmoid(hn) + x_interp


def _att_call(x, pos8, g, W_src, W_lin, W_dst, wpos8, W_attn, W_mlp,
              vecs, stats):
    R = R_ATT
    return pl.pallas_call(
        _att_body,
        grid=(N // R,),
        in_specs=[
            pl.BlockSpec((R, C), lambda i: (i, 0)),
            pl.BlockSpec((R, 8), lambda i: (i, 0)),
            pl.BlockSpec((R * K, TD), lambda i: (i, 0)),
            pl.BlockSpec((C, C), lambda i: (0, 0)),
            pl.BlockSpec((C, C), lambda i: (0, 0)),
            pl.BlockSpec((C, C), lambda i: (0, 0)),
            pl.BlockSpec((8, C), lambda i: (0, 0)),
            pl.BlockSpec((C, C), lambda i: (0, 0)),
            pl.BlockSpec((C, C), lambda i: (0, 0)),
            pl.BlockSpec((8, C), lambda i: (0, 0)),
            pl.BlockSpec((8, C), lambda i: (0, 0)),
        ],
        out_specs=pl.BlockSpec((R, C), lambda i: (i, 0)),
        out_shape=jax.ShapeDtypeStruct((N, C), jnp.float32),
    )(x, pos8, g, W_src, W_lin, W_dst, wpos8, W_attn, W_mlp, vecs, stats)


def _gather_sc(tbl, idx_flat):
    mesh = plsc.VectorSubcoreMesh(core_axis_name="c", subcore_axis_name="s")

    @functools.partial(
        pl.kernel,
        mesh=mesh,
        out_type=jax.ShapeDtypeStruct((B_PAD, TD), jnp.float32),
        scratch_types=[
            pltpu.VMEM((GW,), jnp.int32),
            pltpu.VMEM((GCHUNK, TD), jnp.float32),
            pltpu.VMEM((GCHUNK, TD), jnp.float32),
            pltpu.SemaphoreType.DMA,
            pltpu.SemaphoreType.DMA,
        ],
    )
    def k(tbl_hbm, idx_hbm, g_hbm, idx_v, ra, rb, sa, sb):
        wid = lax.axis_index("s") * 2 + lax.axis_index("c")
        base = wid * GW
        nch = GW // GCHUNK
        pltpu.sync_copy(idx_hbm.at[pl.ds(base, GW)], idx_v)

        def gat(ch, buf, sem):
            return pltpu.async_copy(
                tbl_hbm.at[idx_v.at[pl.ds(ch * GCHUNK, GCHUNK)]], buf, sem)

        def put(ch, buf):
            pltpu.sync_copy(buf, g_hbm.at[pl.ds(base + ch * GCHUNK, GCHUNK)])

        gat(0, ra, sa)

        def body(i, carry):
            ca = 2 * i
            gat(ca + 1, rb, sb)
            pltpu.make_async_copy(
                tbl_hbm.at[idx_v.at[pl.ds(ca * GCHUNK, GCHUNK)]], ra, sa).wait()
            put(ca, ra)

            @pl.when(ca + 2 < nch)
            def _():
                gat(ca + 2, ra, sa)

            pltpu.make_async_copy(
                tbl_hbm.at[idx_v.at[pl.ds((ca + 1) * GCHUNK, GCHUNK)]],
                rb, sb).wait()
            put(ca + 1, rb)
            return carry

        lax.fori_loop(0, nch // 2, body, 0)

    return k(tbl, idx_flat)


def kernel(x, x_sub, pos, pos_sub, W_lin, W_src, W_dst, W_pos, b_pos,
           W_attn, b_attn, W_mlp, b_mlp, gamma, beta):
    pos8 = jnp.pad(pos, ((0, 0), (0, 5)))
    aux = jnp.pad(pos_sub.T, ((0, 5), (0, SP - NS)), constant_values=1e3)
    idx = _knn_call(pos8, aux)

    idx_flat = jnp.concatenate(
        [idx.reshape(-1), jnp.zeros((B_PAD - N * K,), jnp.int32)])
    wpos8 = jnp.pad(W_pos, ((0, 5), (0, 0)))
    xsub_pad = jnp.pad(x_sub, ((0, SP - NS), (0, 0)))
    ps_pad8 = jnp.pad(pos_sub, ((0, SP - NS), (0, 5)))
    tbl = _tbl_call(xsub_pad, ps_pad8, wpos8)
    g = _gather_sc(tbl, idx_flat)

    b_mlp8 = jnp.broadcast_to(b_mlp[None, :], (8, C))
    stats = _mom_call(x, W_mlp, b_mlp8)

    z = jnp.zeros_like(b_pos)
    vecs = jnp.stack([b_pos, b_attn, b_mlp, gamma, beta, z, z, z])

    return _att_call(x, pos8, g, W_src, W_lin, W_dst, wpos8, W_attn,
                     W_mlp, vecs, stats)

# --- scband reference (transcript-rebuilt; emitter-appended) ---
"""Pipeline reference for scband-transition-up2-52372831207678 (READ-ONLY COPY).

The authoritative reference and input builder live on the scoring server;
editing this copy changes nothing except your own understanding.
"""

import jax, jax.numpy as jnp
import numpy as np


def silu(x):
    return x * jax.nn.sigmoid(x)


def knn_idx(src, tgt, k, chunk=5000):
    # for each target point, indices of k nearest source points (brute force, chunked)
    outs = []
    for i in range(0, tgt.shape[0], chunk):
        t = tgt[i:i + chunk]
        d = jnp.sum((t[:, None, :] - src[None, :, :]) ** 2, axis=-1)
        _, idx = jax.lax.top_k(-d, k)
        outs.append(idx)
    return jnp.concatenate(outs, axis=0)


def setup_inputs(seed: int = 0):
    key = jax.random.key(seed)
    ks = jax.random.split(key, 16)
    N, Ns, Cin, Cout = 50000, 12500, 128, 128
    inp = {}
    inp["x"] = jax.random.normal(ks[0], (N, Cout), dtype=jnp.float32)
    inp["x_sub"] = jax.random.normal(ks[1], (Ns, Cin), dtype=jnp.float32)
    inp["pos"] = jax.random.uniform(ks[2], (N, 3), dtype=jnp.float32)
    inp["pos_sub"] = jax.random.uniform(ks[3], (Ns, 3), dtype=jnp.float32)
    # PointTransformerConv params (bias=False linears)
    inp["W_lin"] = jax.random.normal(ks[4], (Cin, Cout), dtype=jnp.float32) / np.sqrt(Cin)
    inp["W_src"] = jax.random.normal(ks[5], (Cin, Cout), dtype=jnp.float32) / np.sqrt(Cin)
    inp["W_dst"] = jax.random.normal(ks[6], (Cout, Cout), dtype=jnp.float32) / np.sqrt(Cout)
    # pos_nn: MLP([3, Cout], norm=None, plain_last=False, act=SiLU)
    inp["W_pos"] = jax.random.normal(ks[7], (3, Cout), dtype=jnp.float32) / np.sqrt(3.0)
    inp["b_pos"] = jnp.zeros((Cout,), dtype=jnp.float32)
    # attn_nn: MLP([Cout, Cout], norm=None, plain_last=False, act=SiLU)
    inp["W_attn"] = jax.random.normal(ks[8], (Cout, Cout), dtype=jnp.float32) / np.sqrt(Cout)
    inp["b_attn"] = jnp.zeros((Cout,), dtype=jnp.float32)
    # TransitionUp2.mlp: Linear -> BatchNorm (train mode) -> SiLU
    inp["W_mlp"] = jax.random.normal(ks[9], (Cout, Cout), dtype=jnp.float32) / np.sqrt(Cout)
    inp["b_mlp"] = jnp.zeros((Cout,), dtype=jnp.float32)
    inp["gamma"] = jnp.ones((Cout,), dtype=jnp.float32)
    inp["beta"] = jnp.zeros((Cout,), dtype=jnp.float32)
    return inp


def reference(x, x_sub, pos, pos_sub, W_lin, W_src, W_dst, W_pos, b_pos,
              W_attn, b_attn, W_mlp, b_mlp, gamma, beta):
    K = 8
    N = x.shape[0]
    # knn(source_pos=pos_sub, target_pos=pos, k) then row-swap -> edges src(sub) -> dst(full)
    idx = knn_idx(pos_sub, pos, K)            # [N, K] indices into pos_sub
    src = idx.reshape(-1)                     # [E] source (coarse) node per edge
    dst = jnp.repeat(jnp.arange(N), K)        # [E] destination (fine) node per edge

    # PointTransformerConv (add_self_loops=False)
    alpha_src = x_sub @ W_src                 # [Ns, C]
    alpha_dst = x @ W_dst                     # [N, C]
    xs = x_sub @ W_lin                        # [Ns, C]

    delta = silu((pos[dst] - pos_sub[src]) @ W_pos + b_pos)     # pos_nn(pos_i - pos_j)
    alpha = alpha_dst[dst] - alpha_src[src] + delta
    alpha = silu(alpha @ W_attn + b_attn)                       # attn_nn
    # per-destination, per-channel softmax (PyG softmax semantics)
    amax = jax.ops.segment_max(alpha, dst, num_segments=N)
    aexp = jnp.exp(alpha - amax[dst])
    asum = jax.ops.segment_sum(aexp, dst, num_segments=N)
    attn = aexp / (asum[dst] + 1e-16)
    msg = attn * (xs[src] + delta)
    x_interp = jax.ops.segment_sum(msg, dst, num_segments=N)    # [N, C]

    # mlp(x): Linear -> BatchNorm (training-mode batch stats) -> SiLU
    h = x @ W_mlp + b_mlp
    mean = jnp.mean(h, axis=0)
    var = jnp.var(h, axis=0)
    h = (h - mean) / jnp.sqrt(var + 1e-5) * gamma + beta
    h = silu(h)
    return h + x_interp

if __name__ == "__main__":
    import jax
    _d = setup_inputs()
    print(jax.jit(kernel)(*tuple(_d.values())))

</pallas_src>

<mosaic_0001>
#map = affine_map<(d0, d1) -> (0, 0)>
#map1 = affine_map<(d0, d1) -> (0)>
module attributes {stable_mosaic.version = 14 : i64} {
  func.func @k(%arg0: i32, %arg1: i32, %arg2: memref<12544x256xf32, #tpu.memory_space<hbm>>, %arg3: memref<401408xi32, #tpu.memory_space<hbm>>, %arg4: memref<401408x256xf32, #tpu.memory_space<hbm>>, %arg5: memref<12544xi32, #tpu.memory_space<vmem>>, %arg6: memref<128x256xf32, #tpu.memory_space<vmem>>, %arg7: memref<128x256xf32, #tpu.memory_space<vmem>>, %arg8: memref<!tpu.dma_semaphore, #tpu.memory_space<semaphore_mem>>, %arg9: memref<!tpu.dma_semaphore, #tpu.memory_space<semaphore_mem>>) attributes {dimension_semantics = [#tpu.dimension_semantics<core_parallel>, #tpu.dimension_semantics<subcore_parallel>], iteration_bounds = array<i64: 2, 16>, scalar_prefetch = 0 : i64, scratch_operands = 5 : i64, tpu.core_type = #tpu.core_type<sc_vector_subcore>, window_params = [{transform_indices = #map}, {transform_indices = #map1}, {transform_indices = #map}]} {
    %mul3A = arith.constant 2 : i32
    %mul3A_0 = arith.muli %arg1, %mul3A : i32
    %add3A = arith.addi %mul3A_0, %arg0 : i32
    %mul3A_1 = arith.constant 12544 : i32
    %mul3A_2 = arith.muli %add3A, %mul3A_1 : i32
    "tpu.region"() ({
      %run_scoped3A = tpu.sem_alloc : memref<!tpu.dma_semaphore, #tpu.memory_space<semaphore_mem>>
      %dma_start3A_12 = tpu.memref_slice %arg3[%mul3A_2] : memref<401408xi32, #tpu.memory_space<hbm>> -> memref<12544xi32, #tpu.memory_space<hbm>>
      %dma_start3A_13 = tpu.memref_slice %arg3[%mul3A_2] : memref<401408xi32, #tpu.memory_space<hbm>> -> memref<12544xi32, #tpu.memory_space<hbm>>
      tpu.enqueue_dma source(%dma_start3A_13 : memref<12544xi32, #tpu.memory_space<hbm>>) target(%arg5 : memref<12544xi32, #tpu.memory_space<vmem>>) target_semaphore(%run_scoped3A : memref<!tpu.dma_semaphore, #tpu.memory_space<semaphore_mem>>)
      %dma_wait3A = tpu.memref_slice %arg3[%mul3A_2] : memref<401408xi32, #tpu.memory_space<hbm>> -> memref<12544xi32, #tpu.memory_space<hbm>>
      %dma_wait3A_14 = tpu.memref_slice %arg3[%mul3A_2] : memref<401408xi32, #tpu.memory_space<hbm>> -> memref<12544xi32, #tpu.memory_space<hbm>>
      tpu.wait_dma2 semaphore(%run_scoped3A : memref<!tpu.dma_semaphore, #tpu.memory_space<semaphore_mem>>) src(%dma_wait3A_14 : memref<12544xi32, #tpu.memory_space<hbm>>) dst(%arg5 : memref<12544xi32, #tpu.memory_space<vmem>>)
      tpu.yield
    }) : () -> ()
    %dma_start3A = arith.constant 0 : i32
    %dma_start3A_3 = tpu.memref_slice %arg5[%dma_start3A] : memref<12544xi32, #tpu.memory_space<vmem>> -> memref<128xi32, #tpu.memory_space<vmem>>
    %dma_start3A_4 = arith.constant 0 : i32
    %dma_start3A_5 = arith.constant 0 : i32
    %dma_start3A_6 = tpu.memref_slice %arg2[%dma_start3A_4, %dma_start3A_5] : memref<12544x256xf32, #tpu.memory_space<hbm>> -> memref<12544x256xf32, #tpu.memory_space<hbm>>
    tpu.enqueue_indirect_dma source(%dma_start3A_6 : memref<12544x256xf32, #tpu.memory_space<hbm>>) target(%arg6 : memref<128x256xf32, #tpu.memory_space<vmem>>) offsets(%dma_start3A_3 : memref<128xi32, #tpu.memory_space<vmem>>) semaphore(%arg8 : memref<!tpu.dma_semaphore, #tpu.memory_space<semaphore_mem>>)
    %scan3A = arith.constant 0 : i32
    %scan3A_7 = arith.constant 0 : i32
    %scan3A_8 = arith.constant 49 : i32
    %scan3A_9 = arith.addi %scan3A_7, %scan3A_8 : i32
    %scan3A_10 = arith.constant 1 : i32
    scf.for %scan3A_12 = %scan3A_7 to %scan3A_9 step %scan3A_10  : i32 {
      %mul3A_13 = arith.constant 2 : i32
      %mul3A_14 = arith.muli %mul3A_13, %scan3A_12 : i32
      %add3A_15 = arith.constant 1 : i32
      %add3A_16 = arith.addi %mul3A_14, %add3A_15 : i32
      %mul3A_17 = arith.constant 128 : i32
      %mul3A_18 = arith.muli %add3A_16, %mul3A_17 : i32
      %dma_start3A_19 = tpu.memref_slice %arg5[%mul3A_18] : memref<12544xi32, #tpu.memory_space<vmem>> -> memref<128xi32, #tpu.memory_space<vmem>>
      %dma_start3A_20 = arith.constant 0 : i32
      %dma_start3A_21 = arith.constant 0 : i32
      %dma_start3A_22 = tpu.memref_slice %arg2[%dma_start3A_20, %dma_start3A_21] : memref<12544x256xf32, #tpu.memory_space<hbm>> -> memref<12544x256xf32, #tpu.memory_space<hbm>>
      tpu.enqueue_indirect_dma source(%dma_start3A_22 : memref<12544x256xf32, #tpu.memory_space<hbm>>) target(%arg7 : memref<128x256xf32, #tpu.memory_space<vmem>>) offsets(%dma_start3A_19 : memref<128xi32, #tpu.memory_space<vmem>>) semaphore(%arg9 : memref<!tpu.dma_semaphore, #tpu.memory_space<semaphore_mem>>)
      %mul3A_23 = arith.constant 128 : i32
      %mul3A_24 = arith.muli %mul3A_14, %mul3A_23 : i32
      %dma_wait3A = tpu.memref_slice %arg5[%mul3A_24] : memref<12544xi32, #tpu.memory_space<vmem>> -> memref<128xi32, #tpu.memory_space<vmem>>
      %dma_wait3A_25 = arith.constant 0 : i32
      %dma_wait3A_26 = arith.constant 0 : i32
      %dma_wait3A_27 = tpu.memref_slice %arg2[%dma_wait3A_25, %dma_wait3A_26] : memref<12544x256xf32, #tpu.memory_space<hbm>> -> memref<12544x256xf32, #tpu.memory_space<hbm>>
      tpu.wait_indirect_dma semaphore(%arg8 : memref<!tpu.dma_semaphore, #tpu.memory_space<semaphore_mem>>) src(%dma_wait3A_27 : memref<12544x256xf32, #tpu.memory_space<hbm>>) dst(%arg6 : memref<128x256xf32, #tpu.memory_space<vmem>>)
      %mul3A_28 = arith.constant 128 : i32
      %mul3A_29 = arith.muli %mul3A_14, %mul3A_28 : i32
      %add3A_30 = arith.addi %mul3A_2, %mul3A_29 : i32
      "tpu.region"() ({
        %run_scoped3A = tpu.sem_alloc : memref<!tpu.dma_semaphore, #tpu.memory_space<semaphore_mem>>
        %dma_start3A_48 = arith.constant 0 : i32
        %dma_start3A_49 = tpu.memref_slice %arg4[%add3A_30, %dma_start3A_48] : memref<401408x256xf32, #tpu.memory_space<hbm>> -> memref<128x256xf32, #tpu.memory_space<hbm>>
        %dma_start3A_50 = arith.constant 0 : i32
        %dma_start3A_51 = tpu.memref_slice %arg4[%add3A_30, %dma_start3A_50] : memref<401408x256xf32, #tpu.memory_space<hbm>> -> memref<128x256xf32, #tpu.memory_space<hbm>>
        tpu.enqueue_dma source(%arg6 : memref<128x256xf32, #tpu.memory_space<vmem>>) target(%dma_start3A_51 : memref<128x256xf32, #tpu.memory_space<hbm>>) target_semaphore(%run_scoped3A : memref<!tpu.dma_semaphore, #tpu.memory_space<semaphore_mem>>)
        %dma_wait3A_52 = arith.constant 0 : i32
        %dma_wait3A_53 = tpu.memref_slice %arg4[%add3A_30, %dma_wait3A_52] : memref<401408x256xf32, #tpu.memory_space<hbm>> -> memref<128x256xf32, #tpu.memory_space<hbm>>
        %dma_wait3A_54 = arith.constant 0 : i32
        %dma_wait3A_55 = tpu.memref_slice %arg4[%add3A_30, %dma_wait3A_54] : memref<401408x256xf32, #tpu.memory_space<hbm>> -> memref<128x256xf32, #tpu.memory_space<hbm>>
        tpu.wait_dma2 semaphore(%run_scoped3A : memref<!tpu.dma_semaphore, #tpu.memory_space<semaphore_mem>>) src(%arg6 : memref<128x256xf32, #tpu.memory_space<vmem>>) dst(%dma_wait3A_55 : memref<128x256xf32, #tpu.memory_space<hbm>>)
        tpu.yield
      }) : () -> ()
      %add3A_31 = arith.constant 2 : i32
      %add3A_32 = arith.addi %mul3A_14, %add3A_31 : i32
      %lt3A = arith.constant 98 : i32
      %lt3A_33 = arith.cmpi slt, %add3A_32, %lt3A : i32
      %convert_element_type3A = arith.extui %lt3A_33 : i1 to i32
      %cond3A = arith.constant 0 : i32
      %cond3A_34 = arith.cmpi ne, %convert_element_type3A, %cond3A : i32
      scf.if %cond3A_34 {
        %add3A_48 = arith.constant 2 : i32
        %add3A_49 = arith.addi %mul3A_14, %add3A_48 : i32
        %mul3A_50 = arith.constant 128 : i32
        %mul3A_51 = arith.muli %add3A_49, %mul3A_50 : i32
        %dma_start3A_52 = tpu.memref_slice %arg5[%mul3A_51] : memref<12544xi32, #tpu.memory_space<vmem>> -> memref<128xi32, #tpu.memory_space<vmem>>
        %dma_start3A_53 = arith.constant 0 : i32
        %dma_start3A_54 = arith.constant 0 : i32
        %dma_start3A_55 = tpu.memref_slice %arg2[%dma_start3A_53, %dma_start3A_54] : memref<12544x256xf32, #tpu.memory_space<hbm>> -> memref<12544x256xf32, #tpu.memory_space<hbm>>
        tpu.enqueue_indirect_dma source(%dma_start3A_55 : memref<12544x256xf32, #tpu.memory_space<hbm>>) target(%arg6 : memref<128x256xf32, #tpu.memory_space<vmem>>) offsets(%dma_start3A_52 : memref<128xi32, #tpu.memory_space<vmem>>) semaphore(%arg8 : memref<!tpu.dma_semaphore, #tpu.memory_space<semaphore_mem>>)
      } else {
      }
      %add3A_35 = arith.constant 1 : i32
      %add3A_36 = arith.addi %mul3A_14, %add3A_35 : i32
      %mul3A_37 = arith.constant 128 : i32
      %mul3A_38 = arith.muli %add3A_36, %mul3A_37 : i32
      %dma_wait3A_39 = tpu.memref_slice %arg5[%mul3A_38] : memref<12544xi32, #tpu.memory_space<vmem>> -> memref<128xi32, #tpu.memory_space<vmem>>
      %dma_wait3A_40 = arith.constant 0 : i32
      %dma_wait3A_41 = arith.constant 0 : i32
      %dma_wait3A_42 = tpu.memref_slice %arg2[%dma_wait3A_40, %dma_wait3A_41] : memref<12544x256xf32, #tpu.memory_space<hbm>> -> memref<12544x256xf32, #tpu.memory_space<hbm>>
      tpu.wait_indirect_dma semaphore(%arg9 : memref<!tpu.dma_semaphore, #tpu.memory_space<semaphore_mem>>) src(%dma_wait3A_42 : memref<12544x256xf32, #tpu.memory_space<hbm>>) dst(%arg7 : memref<128x256xf32, #tpu.memory_space<vmem>>)
      %add3A_43 = arith.constant 1 : i32
      %add3A_44 = arith.addi %mul3A_14, %add3A_43 : i32
      %mul3A_45 = arith.constant 128 : i32
      %mul3A_46 = arith.muli %add3A_44, %mul3A_45 : i32
      %add3A_47 = arith.addi %mul3A_2, %mul3A_46 : i32
      "tpu.region"() ({
        %run_scoped3A = tpu.sem_alloc : memref<!tpu.dma_semaphore, #tpu.memory_space<semaphore_mem>>
        %dma_start3A_48 = arith.constant 0 : i32
        %dma_start3A_49 = tpu.memref_slice %arg4[%add3A_47, %dma_start3A_48] : memref<401408x256xf32, #tpu.memory_space<hbm>> -> memref<128x256xf32, #tpu.memory_space<hbm>>
        %dma_start3A_50 = arith.constant 0 : i32
        %dma_start3A_51 = tpu.memref_slice %arg4[%add3A_47, %dma_start3A_50] : memref<401408x256xf32, #tpu.memory_space<hbm>> -> memref<128x256xf32, #tpu.memory_space<hbm>>
        tpu.enqueue_dma source(%arg7 : memref<128x256xf32, #tpu.memory_space<vmem>>) target(%dma_start3A_51 : memref<128x256xf32, #tpu.memory_space<hbm>>) target_semaphore(%run_scoped3A : memref<!tpu.dma_semaphore, #tpu.memory_space<semaphore_mem>>)
        %dma_wait3A_52 = arith.constant 0 : i32
        %dma_wait3A_53 = tpu.memref_slice %arg4[%add3A_47, %dma_wait3A_52] : memref<401408x256xf32, #tpu.memory_space<hbm>> -> memref<128x256xf32, #tpu.memory_space<hbm>>
        %dma_wait3A_54 = arith.constant 0 : i32
        %dma_wait3A_55 = tpu.memref_slice %arg4[%add3A_47, %dma_wait3A_54] : memref<401408x256xf32, #tpu.memory_space<hbm>> -> memref<128x256xf32, #tpu.memory_space<hbm>>
        tpu.wait_dma2 semaphore(%run_scoped3A : memref<!tpu.dma_semaphore, #tpu.memory_space<semaphore_mem>>) src(%arg7 : memref<128x256xf32, #tpu.memory_space<vmem>>) dst(%dma_wait3A_55 : memref<128x256xf32, #tpu.memory_space<hbm>>)
        tpu.yield
      }) : () -> ()
    }
    %scan3A_11 = arith.constant 49 : i32
    return
  }
}

module attributes {stable_mosaic.version = 14 : i64} {
  func.func @_knn_body(%arg0: i32, %arg1: memref<200x8xf32, #tpu.memory_space<vmem>>, %arg2: memref<8x12544xf32, #tpu.memory_space<vmem>>, %arg3: memref<200x8xi32, #tpu.memory_space<vmem>>) attributes {dimension_semantics = [#tpu.dimension_semantics<arbitrary>], iteration_bounds = array<i64: 250>, scalar_prefetch = 0 : i64, scratch_operands = 0 : i64, tpu.core_type = #tpu.core_type<tc>, window_params = [{transform_indices = @transform_0, window_bounds = array<i64: 200, 8>}, {pipeline_mode = #tpu.pipeline_mode<synchronous>, transform_indices = @transform_1, window_bounds = array<i64: 8, 12544>}, {transform_indices = @transform_2, window_bounds = array<i64: 200, 8>}]} {
    %get3A = arith.constant 0 : index
    %get3A_0 = arith.constant 0 : index
    %get3A_1 = vector.load %arg1[%get3A, %get3A_0] : memref<200x8xf32, #tpu.memory_space<vmem>>, vector<200x8xf32>
    %get3A_2 = arith.constant 0 : index
    %get3A_3 = arith.constant 0 : index
    %get3A_4 = vector.load %arg2[%get3A_2, %get3A_3] : memref<8x12544xf32, #tpu.memory_space<vmem>>, vector<8x12544xf32>
    %slice3A = vector.extract_strided_slice %get3A_1 {offsets = [0, 0], sizes = [200, 1], strides = [1, 1]} : vector<200x8xf32> to vector<200x1xf32>
    %slice3A_5 = vector.extract_strided_slice %get3A_4 {offsets = [0, 0], sizes = [1, 12544], strides = [1, 1]} : vector<8x12544xf32> to vector<1x12544xf32>
    %sub3A = vector.broadcast %slice3A : vector<200x1xf32> to vector<200x12544xf32>
    %sub3A_6 = vector.broadcast %slice3A_5 : vector<1x12544xf32> to vector<200x12544xf32>
    %sub3A_7 = arith.subf %sub3A, %sub3A_6 : vector<200x12544xf32>
    %slice3A_8 = vector.extract_strided_slice %get3A_1 {offsets = [0, 1], sizes = [200, 1], strides = [1, 1]} : vector<200x8xf32> to vector<200x1xf32>
    %slice3A_9 = vector.extract_strided_slice %get3A_4 {offsets = [1, 0], sizes = [1, 12544], strides = [1, 1]} : vector<8x12544xf32> to vector<1x12544xf32>
    %sub3A_10 = vector.broadcast %slice3A_8 : vector<200x1xf32> to vector<200x12544xf32>
    %sub3A_11 = vector.broadcast %slice3A_9 : vector<1x12544xf32> to vector<200x12544xf32>
    %sub3A_12 = arith.subf %sub3A_10, %sub3A_11 : vector<200x12544xf32>
    %slice3A_13 = vector.extract_strided_slice %get3A_1 {offsets = [0, 2], sizes = [200, 1], strides = [1, 1]} : vector<200x8xf32> to vector<200x1xf32>
    %slice3A_14 = vector.extract_strided_slice %get3A_4 {offsets = [2, 0], sizes = [1, 12544], strides = [1, 1]} : vector<8x12544xf32> to vector<1x12544xf32>
    %sub3A_15 = vector.broadcast %slice3A_13 : vector<200x1xf32> to vector<200x12544xf32>
    %sub3A_16 = vector.broadcast %slice3A_14 : vector<1x12544xf32> to vector<200x12544xf32>
    %sub3A_17 = arith.subf %sub3A_15, %sub3A_16 : vector<200x12544xf32>
    %mul3A = arith.mulf %sub3A_7, %sub3A_7 : vector<200x12544xf32>
    %mul3A_18 = arith.mulf %sub3A_12, %sub3A_12 : vector<200x12544xf32>
    %add3A = arith.addf %mul3A, %mul3A_18 : vector<200x12544xf32>
    %mul3A_19 = arith.mulf %sub3A_17, %sub3A_17 : vector<200x12544xf32>
    %add3A_20 = arith.addf %add3A, %mul3A_19 : vector<200x12544xf32>
    %bitcast_convert_type3A = tpu.bitcast %add3A_20 : vector<200x12544xf32> -> vector<200x12544xi32>
    %slice3A_21 = vector.extract_strided_slice %bitcast_convert_type3A {offsets = [0, 0], sizes = [200, 256], strides = [1, 1]} : vector<200x12544xi32> to vector<200x256xi32>
    %slice3A_22 = vector.extract_strided_slice %bitcast_convert_type3A {offsets = [0, 256], sizes = [200, 256], strides = [1, 1]} : vector<200x12544xi32> to vector<200x256xi32>
    %slice3A_23 = vector.extract_strided_slice %bitcast_convert_type3A {offsets = [0, 512], sizes = [200, 256], strides = [1, 1]} : vector<200x12544xi32> to vector<200x256xi32>
    %slice3A_24 = vector.extract_strided_slice %bitcast_convert_type3A {offsets = [0, 768], sizes = [200, 256], strides = [1, 1]} : vector<200x12544xi32> to vector<200x256xi32>
    %slice3A_25 = vector.extract_strided_slice %bitcast_convert_type3A {offsets = [0, 1024], sizes = [200, 256], strides = [1, 1]} : vector<200x12544xi32> to vector<200x256xi32>
    %slice3A_26 = vector.extract_strided_slice %bitcast_convert_type3A {offsets = [0, 1280], sizes = [200, 256], strides = [1, 1]} : vector<200x12544xi32> to vector<200x256xi32>
    %slice3A_27 = vector.extract_strided_slice %bitcast_convert_type3A {offsets = [0, 1536], sizes = [200, 256], strides = [1, 1]} : vector<200x12544xi32> to vector<200x256xi32>
    %slice3A_28 = vector.extract_strided_slice %bitcast_convert_type3A {offsets = [0, 1792], sizes = [200, 256], strides = [1, 1]} : vector<200x12544xi32> to vector<200x256xi32>
    %slice3A_29 = vector.extract_strided_slice %bitcast_convert_type3A {offsets = [0, 2048], sizes = [200, 256], strides = [1, 1]} : vector<200x12544xi32> to vector<200x256xi32>
    %slice3A_30 = vector.extract_strided_slice %bitcast_convert_type3A {offsets = [0, 2304], sizes = [200, 256], strides = [1, 1]} : vector<200x12544xi32> to vector<200x256xi32>
    %slice3A_31 = vector.extract_strided_slice %bitcast_convert_type3A {offsets = [0, 2560], sizes = [200, 256], strides = [1, 1]} : vector<200x12544xi32> to vector<200x256xi32>
    %slice3A_32 = vector.extract_strided_slice %bitcast_convert_type3A {offsets = [0, 2816], sizes = [200, 256], strides = [1, 1]} : vector<200x12544xi32> to vector<200x256xi32>
    %slice3A_33 = vector.extract_strided_slice %bitcast_convert_type3A {offsets = [0, 3072], sizes = [200, 256], strides = [1, 1]} : vector<200x12544xi32> to vector<200x256xi32>
    %slice3A_34 = vector.extract_strided_slice %bitcast_convert_type3A {offsets = [0, 3328], sizes = [200, 256], strides = [1, 1]} : vector<200x12544xi32> to vector<200x256xi32>
    %slice3A_35 = vector.extract_strided_slice %bitcast_convert_type3A {offsets = [0, 3584], sizes = [200, 256], strides = [1, 1]} : vector<200x12544xi32> to vector<200x256xi32>
    %slice3A_36 = vector.extract_strided_slice %bitcast_convert_type3A {offsets = [0, 3840], sizes = [200, 256], strides = [1, 1]} : vector<200x12544xi32> to vector<200x256xi32>
    %slice3A_37 = vector.extract_strided_slice %bitcast_convert_type3A {offsets = [0, 4096], sizes = [200, 256], strides = [1, 1]} : vector<200x12544xi32> to vector<200x256xi32>
    %slice3A_38 = vector.extract_strided_slice %bitcast_convert_type3A {offsets = [0, 4352], sizes = [200, 256], strides = [1, 1]} : vector<200x12544xi32> to vector<200x256xi32>
    %slice3A_39 = vector.extract_strided_slice %bitcast_convert_type3A {offsets = [0, 4608], sizes = [200, 256], strides = [1, 1]} : vector<200x12544xi32> to vector<200x256xi32>
    %slice3A_40 = vector.extract_strided_slice %bitcast_convert_type3A {offsets = [0, 4864], sizes = [200, 256], strides = [1, 1]} : vector<200x12544xi32> to vector<200x256xi32>
    %slice3A_41 = vector.extract_strided_slice %bitcast_convert_type3A {offsets = [0, 5120], sizes = [200, 256], strides = [1, 1]} : vector<200x12544xi32> to vector<200x256xi32>
    %slice3A_42 = vector.extract_strided_slice %bitcast_convert_type3A {offsets = [0, 5376], sizes = [200, 256], strides = [1, 1]} : vector<200x12544xi32> to vector<200x256xi32>
    %slice3A_43 = vector.extract_strided_slice %bitcast_convert_type3A {offsets = [0, 5632], sizes = [200, 256], strides = [1, 1]} : vector<200x12544xi32> to vector<200x256xi32>
    %slice3A_44 = vector.extract_strided_slice %bitcast_convert_type3A {offsets = [0, 5888], sizes = [200, 256], strides = [1, 1]} : vector<200x12544xi32> to vector<200x256xi32>
    %slice3A_45 = vector.extract_strided_slice %bitcast_convert_type3A {offsets = [0, 6144], sizes = [200, 256], strides = [1, 1]} : vector<200x12544xi32> to vector<200x256xi32>
    %slice3A_46 = vector.extract_strided_slice %bitcast_convert_type3A {offsets = [0, 6400], sizes = [200, 256], strides = [1, 1]} : vector<200x12544xi32> to vector<200x256xi32>
    %slice3A_47 = vector.extract_strided_slice %bitcast_convert_type3A {offsets = [0, 6656], sizes = [200, 256], strides = [1, 1]} : vector<200x12544xi32> to vector<200x256xi32>
    %slice3A_48 = vector.extract_strided_slice %bitcast_convert_type3A {offsets = [0, 6912], sizes = [200, 256], strides = [1, 1]} : vector<200x12544xi32> to vector<200x256xi32>
    %slice3A_49 = vector.extract_strided_slice %bitcast_convert_type3A {offsets = [0, 7168], sizes = [200, 256], strides = [1, 1]} : vector<200x12544xi32> to vector<200x256xi32>
    %slice3A_50 = vector.extract_strided_slice %bitcast_convert_type3A {offsets = [0, 7424], sizes = [200, 256], strides = [1, 1]} : vector<200x12544xi32> to vector<200x256xi32>
    %slice3A_51 = vector.extract_strided_slice %bitcast_convert_type3A {offsets = [0, 7680], sizes = [200, 256], strides = [1, 1]} : vector<200x12544xi32> to vector<200x256xi32>
    %slice3A_52 = vector.extract_strided_slice %bitcast_convert_type3A {offsets = [0, 7936], sizes = [200, 256], strides = [1, 1]} : vector<200x12544xi32> to vector<200x256xi32>
    %slice3A_53 = vector.extract_strided_slice %bitcast_convert_type3A {offsets = [0, 8192], sizes = [200, 256], strides = [1, 1]} : vector<200x12544xi32> to vector<200x256xi32>
    %slice3A_54 = vector.extract_strided_slice %bitcast_convert_type3A {offsets = [0, 8448], sizes = [200, 256], strides = [1, 1]} : vector<200x12544xi32> to vector<200x256xi32>
    %slice3A_55 = vector.extract_strided_slice %bitcast_convert_type3A {offsets = [0, 8704], sizes = [200, 256], strides = [1, 1]} : vector<200x12544xi32> to vector<200x256xi32>
    %slice3A_56 = vector.extract_strided_slice %bitcast_convert_type3A {offsets = [0, 8960], sizes = [200, 256], strides = [1, 1]} : vector<200x12544xi32> to vector<200x256xi32>
    %slice3A_57 = vector.extract_strided_slice %bitcast_convert_type3A {offsets = [0, 9216], sizes = [200, 256], strides = [1, 1]} : vector<200x12544xi32> to vector<200x256xi32>
    %slice3A_58 = vector.extract_strided_slice %bitcast_convert_type3A {offsets = [0, 9472], sizes = [200, 256], strides = [1, 1]} : vector<200x12544xi32> to vector<200x256xi32>
    %slice3A_59 = vector.extract_strided_slice %bitcast_convert_type3A {offsets = [0, 9728], sizes = [200, 256], strides = [1, 1]} : vector<200x12544xi32> to vector<200x256xi32>
    %slice3A_60 = vector.extract_strided_slice %bitcast_convert_type3A {offsets = [0, 9984], sizes = [200, 256], strides = [1, 1]} : vector<200x12544xi32> to vector<200x256xi32>
    %slice3A_61 = vector.extract_strided_slice %bitcast_convert_type3A {offsets = [0, 10240], sizes = [200, 256], strides = [1, 1]} : vector<200x12544xi32> to vector<200x256xi32>
    %slice3A_62 = vector.extract_strided_slice %bitcast_convert_type3A {offsets = [0, 10496], sizes = [200, 256], strides = [1, 1]} : vector<200x12544xi32> to vector<200x256xi32>
    %slice3A_63 = vector.extract_strided_slice %bitcast_convert_type3A {offsets = [0, 10752], sizes = [200, 256], strides = [1, 1]} : vector<200x12544xi32> to vector<200x256xi32>
    %slice3A_64 = vector.extract_strided_slice %bitcast_convert_type3A {offsets = [0, 11008], sizes = [200, 256], strides = [1, 1]} : vector<200x12544xi32> to vector<200x256xi32>
    %slice3A_65 = vector.extract_strided_slice %bitcast_convert_type3A {offsets = [0, 11264], sizes = [200, 256], strides = [1, 1]} : vector<200x12544xi32> to vector<200x256xi32>
    %slice3A_66 = vector.extract_strided_slice %bitcast_convert_type3A {offsets = [0, 11520], sizes = [200, 256], strides = [1, 1]} : vector<200x12544xi32> to vector<200x256xi32>
    %slice3A_67 = vector.extract_strided_slice %bitcast_convert_type3A {offsets = [0, 11776], sizes = [200, 256], strides = [1, 1]} : vector<200x12544xi32> to vector<200x256xi32>
    %slice3A_68 = vector.extract_strided_slice %bitcast_convert_type3A {offsets = [0, 12032], sizes = [200, 256], strides = [1, 1]} : vector<200x12544xi32> to vector<200x256xi32>
    %slice3A_69 = vector.extract_strided_slice %bitcast_convert_type3A {offsets = [0, 12288], sizes = [200, 256], strides = [1, 1]} : vector<200x12544xi32> to vector<200x256xi32>
    %min3A = arith.minsi %slice3A_21, %slice3A_22 : vector<200x256xi32>
    %min3A_70 = arith.minsi %slice3A_23, %slice3A_24 : vector<200x256xi32>
    %min3A_71 = arith.minsi %slice3A_25, %slice3A_26 : vector<200x256xi32>
    %min3A_72 = arith.minsi %slice3A_27, %slice3A_28 : vector<200x256xi32>
    %min3A_73 = arith.minsi %slice3A_29, %slice3A_30 : vector<200x256xi32>
    %min3A_74 = arith.minsi %slice3A_31, %slice3A_32 : vector<200x256xi32>
    %min3A_75 = arith.minsi %slice3A_33, %slice3A_34 : vector<200x256xi32>
    %min3A_76 = arith.minsi %slice3A_35, %slice3A_36 : vector<200x256xi32>
    %min3A_77 = arith.minsi %slice3A_37, %slice3A_38 : vector<200x256xi32>
    %min3A_78 = arith.minsi %slice3A_39, %slice3A_40 : vector<200x256xi32>
    %min3A_79 = arith.minsi %slice3A_41, %slice3A_42 : vector<200x256xi32>
    %min3A_80 = arith.minsi %slice3A_43, %slice3A_44 : vector<200x256xi32>
    %min3A_81 = arith.minsi %slice3A_45, %slice3A_46 : vector<200x256xi32>
    %min3A_82 = arith.minsi %slice3A_47, %slice3A_48 : vector<200x256xi32>
    %min3A_83 = arith.minsi %slice3A_49, %slice3A_50 : vector<200x256xi32>
    %min3A_84 = arith.minsi %slice3A_51, %slice3A_52 : vector<200x256xi32>
    %min3A_85 = arith.minsi %slice3A_53, %slice3A_54 : vector<200x256xi32>
    %min3A_86 = arith.minsi %slice3A_55, %slice3A_56 : vector<200x256xi32>
    %min3A_87 = arith.minsi %slice3A_57, %slice3A_58 : vector<200x256xi32>
    %min3A_88 = arith.minsi %slice3A_59, %slice3A_60 : vector<200x256xi32>
    %min3A_89 = arith.minsi %slice3A_61, %slice3A_62 : vector<200x256xi32>
    %min3A_90 = arith.minsi %slice3A_63, %slice3A_64 : vector<200x256xi32>
    %min3A_91 = arith.minsi %slice3A_65, %slice3A_66 : vector<200x256xi32>
    %min3A_92 = arith.minsi %slice3A_67, %slice3A_68 : vector<200x256xi32>
    %min3A_93 = arith.minsi %min3A, %min3A_70 : vector<200x256xi32>
    %min3A_94 = arith.minsi %min3A_71, %min3A_72 : vector<200x256xi32>
    %min3A_95 = arith.minsi %min3A_73, %min3A_74 : vector<200x256xi32>
    %min3A_96 = arith.minsi %min3A_75, %min3A_76 : vector<200x256xi32>
    %min3A_97 = arith.minsi %min3A_77, %min3A_78 : vector<200x256xi32>
    %min3A_98 = arith.minsi %min3A_79, %min3A_80 : vector<200x256xi32>
    %min3A_99 = arith.minsi %min3A_81, %min3A_82 : vector<200x256xi32>
    %min3A_100 = arith.minsi %min3A_83, %min3A_84 : vector<200x256xi32>
    %min3A_101 = arith.minsi %min3A_85, %min3A_86 : vector<200x256xi32>
    %min3A_102 = arith.minsi %min3A_87, %min3A_88 : vector<200x256xi32>
    %min3A_103 = arith.minsi %min3A_89, %min3A_90 : vector<200x256xi32>
    %min3A_104 = arith.minsi %min3A_91, %min3A_92 : vector<200x256xi32>
    %min3A_105 = arith.minsi %min3A_93, %min3A_94 : vector<200x256xi32>
    %min3A_106 = arith.minsi %min3A_95, %min3A_96 : vector<200x256xi32>
    %min3A_107 = arith.minsi %min3A_97, %min3A_98 : vector<200x256xi32>
    %min3A_108 = arith.minsi %min3A_99, %min3A_100 : vector<200x256xi32>
    %min3A_109 = arith.minsi %min3A_101, %min3A_102 : vector<200x256xi32>
    %min3A_110 = arith.minsi %min3A_103, %min3A_104 : vector<200x256xi32>
    %min3A_111 = arith.minsi %min3A_105, %min3A_106 : vector<200x256xi32>
    %min3A_112 = arith.minsi %min3A_107, %min3A_108 : vector<200x256xi32>
    %min3A_113 = arith.minsi %min3A_109, %min3A_110 : vector<200x256xi32>
    %min3A_114 = arith.minsi %min3A_111, %min3A_112 : vector<200x256xi32>
    %min3A_115 = arith.minsi %min3A_113, %slice3A_69 : vector<200x256xi32>
    %min3A_116 = arith.minsi %min3A_114, %min3A_115 : vector<200x256xi32>
    %eq3A = arith.cmpi eq, %slice3A_21, %min3A_116 : vector<200x256xi32>
    %eq3A_117 = arith.cmpi eq, %slice3A_22, %min3A_116 : vector<200x256xi32>
    %eq3A_118 = arith.cmpi eq, %slice3A_23, %min3A_116 : vector<200x256xi32>
    %eq3A_119 = arith.cmpi eq, %slice3A_24, %min3A_116 : vector<200x256xi32>
    %eq3A_120 = arith.cmpi eq, %slice3A_25, %min3A_116 : vector<200x256xi32>
    %eq3A_121 = arith.cmpi eq, %slice3A_26, %min3A_116 : vector<200x256xi32>
    %eq3A_122 = arith.cmpi eq, %slice3A_27, %min3A_116 : vector<200x256xi32>
    %eq3A_123 = arith.cmpi eq, %slice3A_28, %min3A_116 : vector<200x256xi32>
    %eq3A_124 = arith.cmpi eq, %slice3A_29, %min3A_116 : vector<200x256xi32>
    %eq3A_125 = arith.cmpi eq, %slice3A_30, %min3A_116 : vector<200x256xi32>
    %eq3A_126 = arith.cmpi eq, %slice3A_31, %min3A_116 : vector<200x256xi32>
    %eq3A_127 = arith.cmpi eq, %slice3A_32, %min3A_116 : vector<200x256xi32>
    %eq3A_128 = arith.cmpi eq, %slice3A_33, %min3A_116 : vector<200x256xi32>
    %eq3A_129 = arith.cmpi eq, %slice3A_34, %min3A_116 : vector<200x256xi32>
    %eq3A_130 = arith.cmpi eq, %slice3A_35, %min3A_116 : vector<200x256xi32>
    %eq3A_131 = arith.cmpi eq, %slice3A_36, %min3A_116 : vector<200x256xi32>
    %eq3A_132 = arith.cmpi eq, %slice3A_37, %min3A_116 : vector<200x256xi32>
    %eq3A_133 = arith.cmpi eq, %slice3A_38, %min3A_116 : vector<200x256xi32>
    %eq3A_134 = arith.cmpi eq, %slice3A_39, %min3A_116 : vector<200x256xi32>
    %eq3A_135 = arith.cmpi eq, %slice3A_40, %min3A_116 : vector<200x256xi32>
    %eq3A_136 = arith.cmpi eq, %slice3A_41, %min3A_116 : vector<200x256xi32>
    %eq3A_137 = arith.cmpi eq, %slice3A_42, %min3A_116 : vector<200x256xi32>
    %eq3A_138 = arith.cmpi eq, %slice3A_43, %min3A_116 : vector<200x256xi32>
    %eq3A_139 = arith.cmpi eq, %slice3A_44, %min3A_116 : vector<200x256xi32>
    %eq3A_140 = arith.cmpi eq, %slice3A_45, %min3A_116 : vector<200x256xi32>
    %eq3A_141 = arith.cmpi eq, %slice3A_46, %min3A_116 : vector<200x256xi32>
    %eq3A_142 = arith.cmpi eq, %slice3A_47, %min3A_116 : vector<200x256xi32>
    %eq3A_143 = arith.cmpi eq, %slice3A_48, %min3A_116 : vector<200x256xi32>
    %eq3A_144 = arith.cmpi eq, %slice3A_49, %min3A_116 : vector<200x256xi32>
    %eq3A_145 = arith.cmpi eq, %slice3A_50, %min3A_116 : vector<200x256xi32>
    %eq3A_146 = arith.cmpi eq, %slice3A_51, %min3A_116 : vector<200x256xi32>
    %eq3A_147 = arith.cmpi eq, %slice3A_52, %min3A_116 : vector<200x256xi32>
    %eq3A_148 = arith.cmpi eq, %slice3A_53, %min3A_116 : vector<200x256xi32>
    %eq3A_149 = arith.cmpi eq, %slice3A_54, %min3A_116 : vector<200x256xi32>
    %eq3A_150 = arith.cmpi eq, %slice3A_55, %min3A_116 : vector<200x256xi32>
    %eq3A_151 = arith.cmpi eq, %slice3A_56, %min3A_116 : vector<200x256xi32>
    %eq3A_152 = arith.cmpi eq, %slice3A_57, %min3A_116 : vector<200x256xi32>
    %eq3A_153 = arith.cmpi eq, %slice3A_58, %min3A_116 : vector<200x256xi32>
    %eq3A_154 = arith.cmpi eq, %slice3A_59, %min3A_116 : vector<200x256xi32>
    %eq3A_155 = arith.cmpi eq, %slice3A_60, %min3A_116 : vector<200x256xi32>
    %eq3A_156 = arith.cmpi eq, %slice3A_61, %min3A_116 : vector<200x256xi32>
    %eq3A_157 = arith.cmpi eq, %slice3A_62, %min3A_116 : vector<200x256xi32>
    %eq3A_158 = arith.cmpi eq, %slice3A_63, %min3A_116 : vector<200x256xi32>
    %eq3A_159 = arith.cmpi eq, %slice3A_64, %min3A_116 : vector<200x256xi32>
    %eq3A_160 = arith.cmpi eq, %slice3A_65, %min3A_116 : vector<200x256xi32>
    %eq3A_161 = arith.cmpi eq, %slice3A_66, %min3A_116 : vector<200x256xi32>
    %eq3A_162 = arith.cmpi eq, %slice3A_67, %min3A_116 : vector<200x256xi32>
    %eq3A_163 = arith.cmpi eq, %slice3A_68, %min3A_116 : vector<200x256xi32>
    %eq3A_164 = arith.cmpi eq, %slice3A_69, %min3A_116 : vector<200x256xi32>
    %jit3A = arith.constant 0 : i32
    %jit3A_165 = arith.constant 2147483647 : i32
    %broadcast_in_dim3A = vector.broadcast %jit3A : i32 to vector<200x256xi32>
    %broadcast_in_dim3A_166 = vector.broadcast %jit3A_165 : i32 to vector<200x256xi32>
    %select_n3A = arith.select %eq3A, %broadcast_in_dim3A, %broadcast_in_dim3A_166 : vector<200x256xi1>, vector<200x256xi32>
    %jit3A_167 = arith.constant 1 : i32
    %jit3A_168 = arith.constant 2147483647 : i32
    %broadcast_in_dim3A_169 = vector.broadcast %jit3A_167 : i32 to vector<200x256xi32>
    %broadcast_in_dim3A_170 = vector.broadcast %jit3A_168 : i32 to vector<200x256xi32>
    %select_n3A_171 = arith.select %eq3A_117, %broadcast_in_dim3A_169, %broadcast_in_dim3A_170 : vector<200x256xi1>, vector<200x256xi32>
    %jit3A_172 = arith.constant 2 : i32
    %jit3A_173 = arith.constant 2147483647 : i32
    %broadcast_in_dim3A_174 = vector.broadcast %jit3A_172 : i32 to vector<200x256xi32>
    %broadcast_in_dim3A_175 = vector.broadcast %jit3A_173 : i32 to vector<200x256xi32>
    %select_n3A_176 = arith.select %eq3A_118, %broadcast_in_dim3A_174, %broadcast_in_dim3A_175 : vector<200x256xi1>, vector<200x256xi32>
    %jit3A_177 = arith.constant 3 : i32
    %jit3A_178 = arith.constant 2147483647 : i32
    %broadcast_in_dim3A_179 = vector.broadcast %jit3A_177 : i32 to vector<200x256xi32>
    %broadcast_in_dim3A_180 = vector.broadcast %jit3A_178 : i32 to vector<200x256xi32>
    %select_n3A_181 = arith.select %eq3A_119, %broadcast_in_dim3A_179, %broadcast_in_dim3A_180 : vector<200x256xi1>, vector<200x256xi32>
    %jit3A_182 = arith.constant 4 : i32
    %jit3A_183 = arith.constant 2147483647 : i32
    %broadcast_in_dim3A_184 = vector.broadcast %jit3A_182 : i32 to vector<200x256xi32>
    %broadcast_in_dim3A_185 = vector.broadcast %jit3A_183 : i32 to vector<200x256xi32>
    %select_n3A_186 = arith.select %eq3A_120, %broadcast_in_dim3A_184, %broadcast_in_dim3A_185 : vector<200x256xi1>, vector<200x256xi32>
    %jit3A_187 = arith.constant 5 : i32
    %jit3A_188 = arith.constant 2147483647 : i32
    %broadcast_in_dim3A_189 = vector.broadcast %jit3A_187 : i32 to vector<200x256xi32>
    %broadcast_in_dim3A_190 = vector.broadcast %jit3A_188 : i32 to vector<200x256xi32>
    %select_n3A_191 = arith.select %eq3A_121, %broadcast_in_dim3A_189, %broadcast_in_dim3A_190 : vector<200x256xi1>, vector<200x256xi32>
    %jit3A_192 = arith.constant 6 : i32
    %jit3A_193 = arith.constant 2147483647 : i32
    %broadcast_in_dim3A_194 = vector.broadcast %jit3A_192 : i32 to vector<200x256xi32>
    %broadcast_in_dim3A_195 = vector.broadcast %jit3A_193 : i32 to vector<200x256xi32>
    %select_n3A_196 = arith.select %eq3A_122, %broadcast_in_dim3A_194, %broadcast_in_dim3A_195 : vector<200x256xi1>, vector<200x256xi32>
    %jit3A_197 = arith.constant 7 : i32
    %jit3A_198 = arith.constant 2147483647 : i32
    %broadcast_in_dim3A_199 = vector.broadcast %jit3A_197 : i32 to vector<200x256xi32>
    %broadcast_in_dim3A_200 = vector.broadcast %jit3A_198 : i32 to vector<200x256xi32>
    %select_n3A_201 = arith.select %eq3A_123, %broadcast_in_dim3A_199, %broadcast_in_dim3A_200 : vector<200x256xi1>, vector<200x256xi32>
    %jit3A_202 = arith.constant 8 : i32
    %jit3A_203 = arith.constant 2147483647 : i32
    %broadcast_in_dim3A_204 = vector.broadcast %jit3A_202 : i32 to vector<200x256xi32>
    %broadcast_in_dim3A_205 = vector.broadcast %jit3A_203 : i32 to vector<200x256xi32>
    %select_n3A_206 = arith.select %eq3A_124, %broadcast_in_dim3A_204, %broadcast_in_dim3A_205 : vector<200x256xi1>, vector<200x256xi32>
    %jit3A_207 = arith.constant 9 : i32
    %jit3A_208 = arith.constant 2147483647 : i32
    %broadcast_in_dim3A_209 = vector.broadcast %jit3A_207 : i32 to vector<200x256xi32>
    %broadcast_in_dim3A_210 = vector.broadcast %jit3A_208 : i32 to vector<200x256xi32>
    %select_n3A_211 = arith.select %eq3A_125, %broadcast_in_dim3A_209, %broadcast_in_dim3A_210 : vector<200x256xi1>, vector<200x256xi32>
    %jit3A_212 = arith.constant 10 : i32
    %jit3A_213 = arith.constant 2147483647 : i32
    %broadcast_in_dim3A_214 = vector.broadcast %jit3A_212 : i32 to vector<200x256xi32>
    %broadcast_in_dim3A_215 = vector.broadcast %jit3A_213 : i32 to vector<200x256xi32>
    %select_n3A_216 = arith.select %eq3A_126, %broadcast_in_dim3A_214, %broadcast_in_dim3A_215 : vector<200x256xi1>, vector<200x256xi32>
    %jit3A_217 = arith.constant 11 : i32
    %jit3A_218 = arith.constant 2147483647 : i32
    %broadcast_in_dim3A_219 = vector.broadcast %jit3A_217 : i32 to vector<200x256xi32>
    %broadcast_in_dim3A_220 = vector.broadcast %jit3A_218 : i32 to vector<200x256xi32>
    %select_n3A_221 = arith.select %eq3A_127, %broadcast_in_dim3A_219, %broadcast_in_dim3A_220 : vector<200x256xi1>, vector<200x256xi32>
    %jit3A_222 = arith.constant 12 : i32
    %jit3A_223 = arith.constant 2147483647 : i32
    %broadcast_in_dim3A_224 = vector.broadcast %jit3A_222 : i32 to vector<200x256xi32>
    %broadcast_in_dim3A_225 = vector.broadcast %jit3A_223 : i32 to vector<200x256xi32>
    %select_n3A_226 = arith.select %eq3A_128, %broadcast_in_dim3A_224, %broadcast_in_dim3A_225 : vector<200x256xi1>, vector<200x256xi32>
    %jit3A_227 = arith.constant 13 : i32
    %jit3A_228 = arith.constant 2147483647 : i32
    %broadcast_in_dim3A_229 = vector.broadcast %jit3A_227 : i32 to vector<200x256xi32>
    %broadcast_in_dim3A_230 = vector.broadcast %jit3A_228 : i32 to vector<200x256xi32>
    %select_n3A_231 = arith.select %eq3A_129, %broadcast_in_dim3A_229, %broadcast_in_dim3A_230 : vector<200x256xi1>, vector<200x256xi32>
    %jit3A_232 = arith.constant 14 : i32
    %jit3A_233 = arith.constant 2147483647 : i32
    %broadcast_in_dim3A_234 = vector.broadcast %jit3A_232 : i32 to vector<200x256xi32>
    %broadcast_in_dim3A_235 = vector.broadcast %jit3A_233 : i32 to vector<200x256xi32>
    %select_n3A_236 = arith.select %eq3A_130, %broadcast_in_dim3A_234, %broadcast_in_dim3A_235 : vector<200x256xi1>, vector<200x256xi32>
    %jit3A_237 = arith.constant 15 : i32
    %jit3A_238 = arith.constant 2147483647 : i32
    %broadcast_in_dim3A_239 = vector.broadcast %jit3A_237 : i32 to vector<200x256xi32>
    %broadcast_in_dim3A_240 = vector.broadcast %jit3A_238 : i32 to vector<200x256xi32>
    %select_n3A_241 = arith.select %eq3A_131, %broadcast_in_dim3A_239, %broadcast_in_dim3A_240 : vector<200x256xi1>, vector<200x256xi32>
    %jit3A_242 = arith.constant 16 : i32
    %jit3A_243 = arith.constant 2147483647 : i32
    %broadcast_in_dim3A_244 = vector.broadcast %jit3A_242 : i32 to vector<200x256xi32>
    %broadcast_in_dim3A_245 = vector.broadcast %jit3A_243 : i32 to vector<200x256xi32>
    %select_n3A_246 = arith.select %eq3A_132, %broadcast_in_dim3A_244, %broadcast_in_dim3A_245 : vector<200x256xi1>, vector<200x256xi32>
    %jit3A_247 = arith.constant 17 : i32
    %jit3A_248 = arith.constant 2147483647 : i32
    %broadcast_in_dim3A_249 = vector.broadcast %jit3A_247 : i32 to vector<200x256xi32>
    %broadcast_in_dim3A_250 = vector.broadcast %jit3A_248 : i32 to vector<200x256xi32>
    %select_n3A_251 = arith.select %eq3A_133, %broadcast_in_dim3A_249, %broadcast_in_dim3A_250 : vector<200x256xi1>, vector<200x256xi32>
    %jit3A_252 = arith.constant 18 : i32
    %jit3A_253 = arith.constant 2147483647 : i32
    %broadcast_in_dim3A_254 = vector.broadcast %jit3A_252 : i32 to vector<200x256xi32>
    %broadcast_in_dim3A_255 = vector.broadcast %jit3A_253 : i32 to vector<200x256xi32>
    %select_n3A_256 = arith.select %eq3A_134, %broadcast_in_dim3A_254, %broadcast_in_dim3A_255 : vector<200x256xi1>, vector<200x256xi32>
    %jit3A_257 = arith.constant 19 : i32
    %jit3A_258 = arith.constant 2147483647 : i32
    %broadcast_in_dim3A_259 = vector.broadcast %jit3A_257 : i32 to vector<200x256xi32>
    %broadcast_in_dim3A_260 = vector.broadcast %jit3A_258 : i32 to vector<200x256xi32>
    %select_n3A_261 = arith.select %eq3A_135, %broadcast_in_dim3A_259, %broadcast_in_dim3A_260 : vector<200x256xi1>, vector<200x256xi32>
    %jit3A_262 = arith.constant 20 : i32
    %jit3A_263 = arith.constant 2147483647 : i32
    %broadcast_in_dim3A_264 = vector.broadcast %jit3A_262 : i32 to vector<200x256xi32>
    %broadcast_in_dim3A_265 = vector.broadcast %jit3A_263 : i32 to vector<200x256xi32>
    %select_n3A_266 = arith.select %eq3A_136, %broadcast_in_dim3A_264, %broadcast_in_dim3A_265 : vector<200x256xi1>, vector<200x256xi32>
    %jit3A_267 = arith.constant 21 : i32
    %jit3A_268 = arith.constant 2147483647 : i32
    %broadcast_in_dim3A_269 = vector.broadcast %jit3A_267 : i32 to vector<200x256xi32>
    %broadcast_in_dim3A_270 = vector.broadcast %jit3A_268 : i32 to vector<200x256xi32>
    %select_n3A_271 = arith.select %eq3A_137, %broadcast_in_dim3A_269, %broadcast_in_dim3A_270 : vector<200x256xi1>, vector<200x256xi32>
    %jit3A_272 = arith.constant 22 : i32
    %jit3A_273 = arith.constant 2147483647 : i32
    %broadcast_in_dim3A_274 = vector.broadcast %jit3A_272 : i32 to vector<200x256xi32>
    %broadcast_in_dim3A_275 = vector.broadcast %jit3A_273 : i32 to vector<200x256xi32>
    %select_n3A_276 = arith.select %eq3A_138, %broadcast_in_dim3A_274, %broadcast_in_dim3A_275 : vector<200x256xi1>, vector<200x256xi32>
    %jit3A_277 = arith.constant 23 : i32
    %jit3A_278 = arith.constant 2147483647 : i32
    %broadcast_in_dim3A_279 = vector.broadcast %jit3A_277 : i32 to vector<200x256xi32>
    %broadcast_in_dim3A_280 = vector.broadcast %jit3A_278 : i32 to vector<200x256xi32>
    %select_n3A_281 = arith.select %eq3A_139, %broadcast_in_dim3A_279, %broadcast_in_dim3A_280 : vector<200x256xi1>, vector<200x256xi32>
    %jit3A_282 = arith.constant 24 : i32
    %jit3A_283 = arith.constant 2147483647 : i32
    %broadcast_in_dim3A_284 = vector.broadcast %jit3A_282 : i32 to vector<200x256xi32>
    %broadcast_in_dim3A_285 = vector.broadcast %jit3A_283 : i32 to vector<200x256xi32>
    %select_n3A_286 = arith.select %eq3A_140, %broadcast_in_dim3A_284, %broadcast_in_dim3A_285 : vector<200x256xi1>, vector<200x256xi32>
    %jit3A_287 = arith.constant 25 : i32
    %jit3A_288 = arith.constant 2147483647 : i32
    %broadcast_in_dim3A_289 = vector.broadcast %jit3A_287 : i32 to vector<200x256xi32>
    %broadcast_in_dim3A_290 = vector.broadcast %jit3A_288 : i32 to vector<200x256xi32>
    %select_n3A_291 = arith.select %eq3A_141, %broadcast_in_dim3A_289, %broadcast_in_dim3A_290 : vector<200x256xi1>, vector<200x256xi32>
    %jit3A_292 = arith.constant 26 : i32
    %jit3A_293 = arith.constant 2147483647 : i32
    %broadcast_in_dim3A_294 = vector.broadcast %jit3A_292 : i32 to vector<200x256xi32>
    %broadcast_in_dim3A_295 = vector.broadcast %jit3A_293 : i32 to vector<200x256xi32>
    %select_n3A_296 = arith.select %eq3A_142, %broadcast_in_dim3A_294, %broadcast_in_dim3A_295 : vector<200x256xi1>, vector<200x256xi32>
    %jit3A_297 = arith.constant 27 : i32
    %jit3A_298 = arith.constant 2147483647 : i32
    %broadcast_in_dim3A_299 = vector.broadcast %jit3A_297 : i32 to vector<200x256xi32>
    %broadcast_in_dim3A_300 = vector.broadcast %jit3A_298 : i32 to vector<200x256xi32>
    %select_n3A_301 = arith.select %eq3A_143, %broadcast_in_dim3A_299, %broadcast_in_dim3A_300 : vector<200x256xi1>, vector<200x256xi32>
    %jit3A_302 = arith.constant 28 : i32
    %jit3A_303 = arith.constant 2147483647 : i32
    %broadcast_in_dim3A_304 = vector.broadcast %jit3A_302 : i32 to vector<200x256xi32>
    %broadcast_in_dim3A_305 = vector.broadcast %jit3A_303 : i32 to vector<200x256xi32>
    %select_n3A_306 = arith.select %eq3A_144, %broadcast_in_dim3A_304, %broadcast_in_dim3A_305 : vector<200x256xi1>, vector<200x256xi32>
    %jit3A_307 = arith.constant 29 : i32
    %jit3A_308 = arith.constant 2147483647 : i32
    %broadcast_in_dim3A_309 = vector.broadcast %jit3A_307 : i32 to vector<200x256xi32>
    %broadcast_in_dim3A_310 = vector.broadcast %jit3A_308 : i32 to vector<200x256xi32>
    %select_n3A_311 = arith.select %eq3A_145, %broadcast_in_dim3A_309, %broadcast_in_dim3A_310 : vector<200x256xi1>, vector<200x256xi32>
    %jit3A_312 = arith.constant 30 : i32
    %jit3A_313 = arith.constant 2147483647 : i32
    %broadcast_in_dim3A_314 = vector.broadcast %jit3A_312 : i32 to vector<200x256xi32>
    %broadcast_in_dim3A_315 = vector.broadcast %jit3A_313 : i32 to vector<200x256xi32>
    %select_n3A_316 = arith.select %eq3A_146, %broadcast_in_dim3A_314, %broadcast_in_dim3A_315 : vector<200x256xi1>, vector<200x256xi32>
    %jit3A_317 = arith.constant 31 : i32
    %jit3A_318 = arith.constant 2147483647 : i32
    %broadcast_in_dim3A_319 = vector.broadcast %jit3A_317 : i32 to vector<200x256xi32>
    %broadcast_in_dim3A_320 = vector.broadcast %jit3A_318 : i32 to vector<200x256xi32>
    %select_n3A_321 = arith.select %eq3A_147, %broadcast_in_dim3A_319, %broadcast_in_dim3A_320 : vector<200x256xi1>, vector<200x256xi32>
    %jit3A_322 = arith.constant 32 : i32
    %jit3A_323 = arith.constant 2147483647 : i32
    %broadcast_in_dim3A_324 = vector.broadcast %jit3A_322 : i32 to vector<200x256xi32>
    %broadcast_in_dim3A_325 = vector.broadcast %jit3A_323 : i32 to vector<200x256xi32>
    %select_n3A_326 = arith.select %eq3A_148, %broadcast_in_dim3A_324, %broadcast_in_dim3A_325 : vector<200x256xi1>, vector<200x256xi32>
    %jit3A_327 = arith.constant 33 : i32
    %jit3A_328 = arith.constant 2147483647 : i32
    %broadcast_in_dim3A_329 = vector.broadcast %jit3A_327 : i32 to vector<200x256xi32>
    %broadcast_in_dim3A_330 = vector.broadcast %jit3A_328 : i32 to vector<200x256xi32>
    %select_n3A_331 = arith.select %eq3A_149, %broadcast_in_dim3A_329, %broadcast_in_dim3A_330 : vector<200x256xi1>, vector<200x256xi32>
    %jit3A_332 = arith.constant 34 : i32
    %jit3A_333 = arith.constant 2147483647 : i32
    %broadcast_in_dim3A_334 = vector.broadcast %jit3A_332 : i32 to vector<200x256xi32>
    %broadcast_in_dim3A_335 = vector.broadcast %jit3A_333 : i32 to vector<200x256xi32>
    %select_n3A_336 = arith.select %eq3A_150, %broadcast_in_dim3A_334, %broadcast_in_dim3A_335 : vector<200x256xi1>, vector<200x256xi32>
    %jit3A_337 = arith.constant 35 : i32
    %jit3A_338 = arith.constant 2147483647 : i32
    %broadcast_in_dim3A_339 = vector.broadcast %jit3A_337 : i32 to vector<200x256xi32>
    %broadcast_in_dim3A_340 = vector.broadcast %jit3A_338 : i32 to vector<200x256xi32>
    %select_n3A_341 = arith.select %eq3A_151, %broadcast_in_dim3A_339, %broadcast_in_dim3A_340 : vector<200x256xi1>, vector<200x256xi32>
    %jit3A_342 = arith.constant 36 : i32
    %jit3A_343 = arith.constant 2147483647 : i32
    %broadcast_in_dim3A_344 = vector.broadcast %jit3A_342 : i32 to vector<200x256xi32>
    %broadcast_in_dim3A_345 = vector.broadcast %jit3A_343 : i32 to vector<200x256xi32>
    %select_n3A_346 = arith.select %eq3A_152, %broadcast_in_dim3A_344, %broadcast_in_dim3A_345 : vector<200x256xi1>, vector<200x256xi32>
    %jit3A_347 = arith.constant 37 : i32
    %jit3A_348 = arith.constant 2147483647 : i32
    %broadcast_in_dim3A_349 = vector.broadcast %jit3A_347 : i32 to vector<200x256xi32>
    %broadcast_in_dim3A_350 = vector.broadcast %jit3A_348 : i32 to vector<200x256xi32>
    %select_n3A_351 = arith.select %eq3A_153, %broadcast_in_dim3A_349, %broadcast_in_dim3A_350 : vector<200x256xi1>, vector<200x256xi32>
    %jit3A_352 = arith.constant 38 : i32
    %jit3A_353 = arith.constant 2147483647 : i32
    %broadcast_in_dim3A_354 = vector.broadcast %jit3A_352 : i32 to vector<200x256xi32>
    %broadcast_in_dim3A_355 = vector.broadcast %jit3A_353 : i32 to vector<200x256xi32>
    %select_n3A_356 = arith.select %eq3A_154, %broadcast_in_dim3A_354, %broadcast_in_dim3A_355 : vector<200x256xi1>, vector<200x256xi32>
    %jit3A_357 = arith.constant 39 : i32
    %jit3A_358 = arith.constant 2147483647 : i32
    %broadcast_in_dim3A_359 = vector.broadcast %jit3A_357 : i32 to vector<200x256xi32>
    %broadcast_in_dim3A_360 = vector.broadcast %jit3A_358 : i32 to vector<200x256xi32>
    %select_n3A_361 = arith.select %eq3A_155, %broadcast_in_dim3A_359, %broadcast_in_dim3A_360 : vector<200x256xi1>, vector<200x256xi32>
    %jit3A_362 = arith.constant 40 : i32
    %jit3A_363 = arith.constant 2147483647 : i32
    %broadcast_in_dim3A_364 = vector.broadcast %jit3A_362 : i32 to vector<200x256xi32>
    %broadcast_in_dim3A_365 = vector.broadcast %jit3A_363 : i32 to vector<200x256xi32>
    %select_n3A_366 = arith.select %eq3A_156, %broadcast_in_dim3A_364, %broadcast_in_dim3A_365 : vector<200x256xi1>, vector<200x256xi32>
    %jit3A_367 = arith.constant 41 : i32
    %jit3A_368 = arith.constant 2147483647 : i32
    %broadcast_in_dim3A_369 = vector.broadcast %jit3A_367 : i32 to vector<200x256xi32>
    %broadcast_in_dim3A_370 = vector.broadcast %jit3A_368 : i32 to vector<200x256xi32>
    %select_n3A_371 = arith.select %eq3A_157, %broadcast_in_dim3A_369, %broadcast_in_dim3A_370 : vector<200x256xi1>, vector<200x256xi32>
    %jit3A_372 = arith.constant 42 : i32
    %jit3A_373 = arith.constant 2147483647 : i32
    %broadcast_in_dim3A_374 = vector.broadcast %jit3A_372 : i32 to vector<200x256xi32>
    %broadcast_in_dim3A_375 = vector.broadcast %jit3A_373 : i32 to vector<200x256xi32>
    %select_n3A_376 = arith.select %eq3A_158, %broadcast_in_dim3A_374, %broadcast_in_dim3A_375 : vector<200x256xi1>, vector<200x256xi32>
    %jit3A_377 = arith.constant 43 : i32
    %jit3A_378 = arith.constant 2147483647 : i32
    %broadcast_in_dim3A_379 = vector.broadcast %jit3A_377 : i32 to vector<200x256xi32>
    %broadcast_in_dim3A_380 = vector.broadcast %jit3A_378 : i32 to vector<200x256xi32>
    %select_n3A_381 = arith.select %eq3A_159, %broadcast_in_dim3A_379, %broadcast_in_dim3A_380 : vector<200x256xi1>, vector<200x256xi32>
    %jit3A_382 = arith.constant 44 : i32
    %jit3A_383 = arith.constant 2147483647 : i32
    %broadcast_in_dim3A_384 = vector.broadcast %jit3A_382 : i32 to vector<200x256xi32>
    %broadcast_in_dim3A_385 = vector.broadcast %jit3A_383 : i32 to vector<200x256xi32>
    %select_n3A_386 = arith.select %eq3A_160, %broadcast_in_dim3A_384, %broadcast_in_dim3A_385 : vector<200x256xi1>, vector<200x256xi32>
    %jit3A_387 = arith.constant 45 : i32
    %jit3A_388 = arith.constant 2147483647 : i32
    %broadcast_in_dim3A_389 = vector.broadcast %jit3A_387 : i32 to vector<200x256xi32>
    %broadcast_in_dim3A_390 = vector.broadcast %jit3A_388 : i32 to vector<200x256xi32>
    %select_n3A_391 = arith.select %eq3A_161, %broadcast_in_dim3A_389, %broadcast_in_dim3A_390 : vector<200x256xi1>, vector<200x256xi32>
    %jit3A_392 = arith.constant 46 : i32
    %jit3A_393 = arith.constant 2147483647 : i32
    %broadcast_in_dim3A_394 = vector.broadcast %jit3A_392 : i32 to vector<200x256xi32>
    %broadcast_in_dim3A_395 = vector.broadcast %jit3A_393 : i32 to vector<200x256xi32>
    %select_n3A_396 = arith.select %eq3A_162, %broadcast_in_dim3A_394, %broadcast_in_dim3A_395 : vector<200x256xi1>, vector<200x256xi32>
    %jit3A_397 = arith.constant 47 : i32
    %jit3A_398 = arith.constant 2147483647 : i32
    %broadcast_in_dim3A_399 = vector.broadcast %jit3A_397 : i32 to vector<200x256xi32>
    %broadcast_in_dim3A_400 = vector.broadcast %jit3A_398 : i32 to vector<200x256xi32>
    %select_n3A_401 = arith.select %eq3A_163, %broadcast_in_dim3A_399, %broadcast_in_dim3A_400 : vector<200x256xi1>, vector<200x256xi32>
    %jit3A_402 = arith.constant 48 : i32
    %jit3A_403 = arith.constant 2147483647 : i32
    %broadcast_in_dim3A_404 = vector.broadcast %jit3A_402 : i32 to vector<200x256xi32>
    %broadcast_in_dim3A_405 = vector.broadcast %jit3A_403 : i32 to vector<200x256xi32>
    %select_n3A_406 = arith.select %eq3A_164, %broadcast_in_dim3A_404, %broadcast_in_dim3A_405 : vector<200x256xi1>, vector<200x256xi32>
    %min3A_407 = arith.minsi %select_n3A, %select_n3A_171 : vector<200x256xi32>
    %min3A_408 = arith.minsi %select_n3A_176, %select_n3A_181 : vector<200x256xi32>
    %min3A_409 = arith.minsi %select_n3A_186, %select_n3A_191 : vector<200x256xi32>
    %min3A_410 = arith.minsi %select_n3A_196, %select_n3A_201 : vector<200x256xi32>
    %min3A_411 = arith.minsi %select_n3A_206, %select_n3A_211 : vector<200x256xi32>
    %min3A_412 = arith.minsi %select_n3A_216, %select_n3A_221 : vector<200x256xi32>
    %min3A_413 = arith.minsi %select_n3A_226, %select_n3A_231 : vector<200x256xi32>
    %min3A_414 = arith.minsi %select_n3A_236, %select_n3A_241 : vector<200x256xi32>
    %min3A_415 = arith.minsi %select_n3A_246, %select_n3A_251 : vector<200x256xi32>
    %min3A_416 = arith.minsi %select_n3A_256, %select_n3A_261 : vector<200x256xi32>
    %min3A_417 = arith.minsi %select_n3A_266, %select_n3A_271 : vector<200x256xi32>
    %min3A_418 = arith.minsi %select_n3A_276, %select_n3A_281 : vector<200x256xi32>
    %min3A_419 = arith.minsi %select_n3A_286, %select_n3A_291 : vector<200x256xi32>
    %min3A_420 = arith.minsi %select_n3A_296, %select_n3A_301 : vector<200x256xi32>
    %min3A_421 = arith.minsi %select_n3A_306, %select_n3A_311 : vector<200x256xi32>
    %min3A_422 = arith.minsi %select_n3A_316, %select_n3A_321 : vector<200x256xi32>
    %min3A_423 = arith.minsi %select_n3A_326, %select_n3A_331 : vector<200x256xi32>
    %min3A_424 = arith.minsi %select_n3A_336, %select_n3A_341 : vector<200x256xi32>
    %min3A_425 = arith.minsi %select_n3A_346, %select_n3A_351 : vector<200x256xi32>
    %min3A_426 = arith.minsi %select_n3A_356, %select_n3A_361 : vector<200x256xi32>
    %min3A_427 = arith.minsi %select_n3A_366, %select_n3A_371 : vector<200x256xi32>
    %min3A_428 = arith.minsi %select_n3A_376, %select_n3A_381 : vector<200x256xi32>
    %min3A_429 = arith.minsi %select_n3A_386, %select_n3A_391 : vector<200x256xi32>
    %min3A_430 = arith.minsi %select_n3A_396, %select_n3A_401 : vector<200x256xi32>
    %min3A_431 = arith.minsi %min3A_407, %min3A_408 : vector<200x256xi32>
    %min3A_432 = arith.minsi %min3A_409, %min3A_410 : vector<200x256xi32>
    %min3A_433 = arith.minsi %min3A_411, %min3A_412 : vector<200x256xi32>
    %min3A_434 = arith.minsi %min3A_413, %min3A_414 : vector<200x256xi32>
    %min3A_435 = arith.minsi %min3A_415, %min3A_416 : vector<200x256xi32>
    %min3A_436 = arith.minsi %min3A_417, %min3A_418 : vector<200x256xi32>
    %min3A_437 = arith.minsi %min3A_419, %min3A_420 : vector<200x256xi32>
    %min3A_438 = arith.minsi %min3A_421, %min3A_422 : vector<200x256xi32>
    %min3A_439 = arith.minsi %min3A_423, %min3A_424 : vector<200x256xi32>
    %min3A_440 = arith.minsi %min3A_425, %min3A_426 : vector<200x256xi32>
    %min3A_441 = arith.minsi %min3A_427, %min3A_428 : vector<200x256xi32>
    %min3A_442 = arith.minsi %min3A_429, %min3A_430 : vector<200x256xi32>
    %min3A_443 = arith.minsi %min3A_431, %min3A_432 : vector<200x256xi32>
    %min3A_444 = arith.minsi %min3A_433, %min3A_434 : vector<200x256xi32>
    %min3A_445 = arith.minsi %min3A_435, %min3A_436 : vector<200x256xi32>
    %min3A_446 = arith.minsi %min3A_437, %min3A_438 : vector<200x256xi32>
    %min3A_447 = arith.minsi %min3A_439, %min3A_440 : vector<200x256xi32>
    %min3A_448 = arith.minsi %min3A_441, %min3A_442 : vector<200x256xi32>
    %min3A_449 = arith.minsi %min3A_443, %min3A_444 : vector<200x256xi32>
    %min3A_450 = arith.minsi %min3A_445, %min3A_446 : vector<200x256xi32>
    %min3A_451 = arith.minsi %min3A_447, %min3A_448 : vector<200x256xi32>
    %min3A_452 = arith.minsi %min3A_449, %min3A_450 : vector<200x256xi32>
    %min3A_453 = arith.minsi %min3A_451, %select_n3A_406 : vector<200x256xi32>
    %min3A_454 = arith.minsi %min3A_452, %min3A_453 : vector<200x256xi32>
    %jit3A_455 = arith.constant 2147483647 : i32
    %broadcast_in_dim3A_456 = vector.broadcast %jit3A_455 : i32 to vector<200x256xi32>
    %select_n3A_457 = arith.select %eq3A, %broadcast_in_dim3A_456, %slice3A_21 : vector<200x256xi1>, vector<200x256xi32>
    %jit3A_458 = arith.constant 2147483647 : i32
    %broadcast_in_dim3A_459 = vector.broadcast %jit3A_458 : i32 to vector<200x256xi32>
    %select_n3A_460 = arith.select %eq3A_117, %broadcast_in_dim3A_459, %slice3A_22 : vector<200x256xi1>, vector<200x256xi32>
    %jit3A_461 = arith.constant 2147483647 : i32
    %broadcast_in_dim3A_462 = vector.broadcast %jit3A_461 : i32 to vector<200x256xi32>
    %select_n3A_463 = arith.select %eq3A_118, %broadcast_in_dim3A_462, %slice3A_23 : vector<200x256xi1>, vector<200x256xi32>
    %jit3A_464 = arith.constant 2147483647 : i32
    %broadcast_in_dim3A_465 = vector.broadcast %jit3A_464 : i32 to vector<200x256xi32>
    %select_n3A_466 = arith.select %eq3A_119, %broadcast_in_dim3A_465, %slice3A_24 : vector<200x256xi1>, vector<200x256xi32>
    %jit3A_467 = arith.constant 2147483647 : i32
    %broadcast_in_dim3A_468 = vector.broadcast %jit3A_467 : i32 to vector<200x256xi32>
    %select_n3A_469 = arith.select %eq3A_120, %broadcast_in_dim3A_468, %slice3A_25 : vector<200x256xi1>, vector<200x256xi32>
    %jit3A_470 = arith.constant 2147483647 : i32
    %broadcast_in_dim3A_471 = vector.broadcast %jit3A_470 : i32 to vector<200x256xi32>
    %select_n3A_472 = arith.select %eq3A_121, %broadcast_in_dim3A_471, %slice3A_26 : vector<200x256xi1>, vector<200x256xi32>
    %jit3A_473 = arith.constant 2147483647 : i32
    %broadcast_in_dim3A_474 = vector.broadcast %jit3A_473 : i32 to vector<200x256xi32>
    %select_n3A_475 = arith.select %eq3A_122, %broadcast_in_dim3A_474, %slice3A_27 : vector<200x256xi1>, vector<200x256xi32>
    %jit3A_476 = arith.constant 2147483647 : i32
    %broadcast_in_dim3A_477 = vector.broadcast %jit3A_476 : i32 to vector<200x256xi32>
    %select_n3A_478 = arith.select %eq3A_123, %broadcast_in_dim3A_477, %slice3A_28 : vector<200x256xi1>, vector<200x256xi32>
    %jit3A_479 = arith.constant 2147483647 : i32
    %broadcast_in_dim3A_480 = vector.broadcast %jit3A_479 : i32 to vector<200x256xi32>
    %select_n3A_481 = arith.select %eq3A_124, %broadcast_in_dim3A_480, %slice3A_29 : vector<200x256xi1>, vector<200x256xi32>
    %jit3A_482 = arith.constant 2147483647 : i32
    %broadcast_in_dim3A_483 = vector.broadcast %jit3A_482 : i32 to vector<200x256xi32>
    %select_n3A_484 = arith.select %eq3A_125, %broadcast_in_dim3A_483, %slice3A_30 : vector<200x256xi1>, vector<200x256xi32>
    %jit3A_485 = arith.constant 2147483647 : i32
    %broadcast_in_dim3A_486 = vector.broadcast %jit3A_485 : i32 to vector<200x256xi32>
    %select_n3A_487 = arith.select %eq3A_126, %broadcast_in_dim3A_486, %slice3A_31 : vector<200x256xi1>, vector<200x256xi32>
    %jit3A_488 = arith.constant 2147483647 : i32
    %broadcast_in_dim3A_489 = vector.broadcast %jit3A_488 : i32 to vector<200x256xi32>
    %select_n3A_490 = arith.select %eq3A_127, %broadcast_in_dim3A_489, %slice3A_32 : vector<200x256xi1>, vector<200x256xi32>
    %jit3A_491 = arith.constant 2147483647 : i32
    %broadcast_in_dim3A_492 = vector.broadcast %jit3A_491 : i32 to vector<200x256xi32>
    %select_n3A_493 = arith.select %eq3A_128, %broadcast_in_dim3A_492, %slice3A_33 : vector<200x256xi1>, vector<200x256xi32>
    %jit3A_494 = arith.constant 2147483647 : i32
    %broadcast_in_dim3A_495 = vector.broadcast %jit3A_494 : i32 to vector<200x256xi32>
    %select_n3A_496 = arith.select %eq3A_129, %broadcast_in_dim3A_495, %slice3A_34 : vector<200x256xi1>, vector<200x256xi32>
    %jit3A_497 = arith.constant 2147483647 : i32
    %broadcast_in_dim3A_498 = vector.broadcast %jit3A_497 : i32 to vector<200x256xi32>
    %select_n3A_499 = arith.select %eq3A_130, %broadcast_in_dim3A_498, %slice3A_35 : vector<200x256xi1>, vector<200x256xi32>
    %jit3A_500 = arith.constant 2147483647 : i32
    %broadcast_in_dim3A_501 = vector.broadcast %jit3A_500 : i32 to vector<200x256xi32>
    %select_n3A_502 = arith.select %eq3A_131, %broadcast_in_dim3A_501, %slice3A_36 : vector<200x256xi1>, vector<200x256xi32>
    %jit3A_503 = arith.constant 2147483647 : i32
    %broadcast_in_dim3A_504 = vector.broadcast %jit3A_503 : i32 to vector<200x256xi32>
    %select_n3A_505 = arith.select %eq3A_132, %broadcast_in_dim3A_504, %slice3A_37 : vector<200x256xi1>, vector<200x256xi32>
    %jit3A_506 = arith.constant 2147483647 : i32
    %broadcast_in_dim3A_507 = vector.broadcast %jit3A_506 : i32 to vector<200x256xi32>
    %select_n3A_508 = arith.select %eq3A_133, %broadcast_in_dim3A_507, %slice3A_38 : vector<200x256xi1>, vector<200x256xi32>
    %jit3A_509 = arith.constant 2147483647 : i32
    %broadcast_in_dim3A_510 = vector.broadcast %jit3A_509 : i32 to vector<200x256xi32>
    %select_n3A_511 = arith.select %eq3A_134, %broadcast_in_dim3A_510, %slice3A_39 : vector<200x256xi1>, vector<200x256xi32>
    %jit3A_512 = arith.constant 2147483647 : i32
    %broadcast_in_dim3A_513 = vector.broadcast %jit3A_512 : i32 to vector<200x256xi32>
    %select_n3A_514 = arith.select %eq3A_135, %broadcast_in_dim3A_513, %slice3A_40 : vector<200x256xi1>, vector<200x256xi32>
    %jit3A_515 = arith.constant 2147483647 : i32
    %broadcast_in_dim3A_516 = vector.broadcast %jit3A_515 : i32 to vector<200x256xi32>
    %select_n3A_517 = arith.select %eq3A_136, %broadcast_in_dim3A_516, %slice3A_41 : vector<200x256xi1>, vector<200x256xi32>
    %jit3A_518 = arith.constant 2147483647 : i32
    %broadcast_in_dim3A_519 = vector.broadcast %jit3A_518 : i32 to vector<200x256xi32>
    %select_n3A_520 = arith.select %eq3A_137, %broadcast_in_dim3A_519, %slice3A_42 : vector<200x256xi1>, vector<200x256xi32>
    %jit3A_521 = arith.constant 2147483647 : i32
    %broadcast_in_dim3A_522 = vector.broadcast %jit3A_521 : i32 to vector<200x256xi32>
    %select_n3A_523 = arith.select %eq3A_138, %broadcast_in_dim3A_522, %slice3A_43 : vector<200x256xi1>, vector<200x256xi32>
    %jit3A_524 = arith.constant 2147483647 : i32
    %broadcast_in_dim3A_525 = vector.broadcast %jit3A_524 : i32 to vector<200x256xi32>
    %select_n3A_526 = arith.select %eq3A_139, %broadcast_in_dim3A_525, %slice3A_44 : vector<200x256xi1>, vector<200x256xi32>
    %jit3A_527 = arith.constant 2147483647 : i32
    %broadcast_in_dim3A_528 = vector.broadcast %jit3A_527 : i32 to vector<200x256xi32>
    %select_n3A_529 = arith.select %eq3A_140, %broadcast_in_dim3A_528, %slice3A_45 : vector<200x256xi1>, vector<200x256xi32>
    %jit3A_530 = arith.constant 2147483647 : i32
    %broadcast_in_dim3A_531 = vector.broadcast %jit3A_530 : i32 to vector<200x256xi32>
    %select_n3A_532 = arith.select %eq3A_141, %broadcast_in_dim3A_531, %slice3A_46 : vector<200x256xi1>, vector<200x256xi32>
    %jit3A_533 = arith.constant 2147483647 : i32
    %broadcast_in_dim3A_534 = vector.broadcast %jit3A_533 : i32 to vector<200x256xi32>
    %select_n3A_535 = arith.select %eq3A_142, %broadcast_in_dim3A_534, %slice3A_47 : vector<200x256xi1>, vector<200x256xi32>
    %jit3A_536 = arith.constant 2147483647 : i32
    %broadcast_in_dim3A_537 = vector.broadcast %jit3A_536 : i32 to vector<200x256xi32>
    %select_n3A_538 = arith.select %eq3A_143, %broadcast_in_dim3A_537, %slice3A_48 : vector<200x256xi1>, vector<200x256xi32>
    %jit3A_539 = arith.constant 2147483647 : i32
    %broadcast_in_dim3A_540 = vector.broadcast %jit3A_539 : i32 to vector<200x256xi32>
    %select_n3A_541 = arith.select %eq3A_144, %broadcast_in_dim3A_540, %slice3A_49 : vector<200x256xi1>, vector<200x256xi32>
    %jit3A_542 = arith.constant 2147483647 : i32
    %broadcast_in_dim3A_543 = vector.broadcast %jit3A_542 : i32 to vector<200x256xi32>
    %select_n3A_544 = arith.select %eq3A_145, %broadcast_in_dim3A_543, %slice3A_50 : vector<200x256xi1>, vector<200x256xi32>
    %jit3A_545 = arith.constant 2147483647 : i32
    %broadcast_in_dim3A_546 = vector.broadcast %jit3A_545 : i32 to vector<200x256xi32>
    %select_n3A_547 = arith.select %eq3A_146, %broadcast_in_dim3A_546, %slice3A_51 : vector<200x256xi1>, vector<200x256xi32>
    %jit3A_548 = arith.constant 2147483647 : i32
    %broadcast_in_dim3A_549 = vector.broadcast %jit3A_548 : i32 to vector<200x256xi32>
    %select_n3A_550 = arith.select %eq3A_147, %broadcast_in_dim3A_549, %slice3A_52 : vector<200x256xi1>, vector<200x256xi32>
    %jit3A_551 = arith.constant 2147483647 : i32
    %broadcast_in_dim3A_552 = vector.broadcast %jit3A_551 : i32 to vector<200x256xi32>
    %select_n3A_553 = arith.select %eq3A_148, %broadcast_in_dim3A_552, %slice3A_53 : vector<200x256xi1>, vector<200x256xi32>
    %jit3A_554 = arith.constant 2147483647 : i32
    %broadcast_in_dim3A_555 = vector.broadcast %jit3A_554 : i32 to vector<200x256xi32>
    %select_n3A_556 = arith.select %eq3A_149, %broadcast_in_dim3A_555, %slice3A_54 : vector<200x256xi1>, vector<200x256xi32>
    %jit3A_557 = arith.constant 2147483647 : i32
    %broadcast_in_dim3A_558 = vector.broadcast %jit3A_557 : i32 to vector<200x256xi32>
    %select_n3A_559 = arith.select %eq3A_150, %broadcast_in_dim3A_558, %slice3A_55 : vector<200x256xi1>, vector<200x256xi32>
    %jit3A_560 = arith.constant 2147483647 : i32
    %broadcast_in_dim3A_561 = vector.broadcast %jit3A_560 : i32 to vector<200x256xi32>
    %select_n3A_562 = arith.select %eq3A_151, %broadcast_in_dim3A_561, %slice3A_56 : vector<200x256xi1>, vector<200x256xi32>
    %jit3A_563 = arith.constant 2147483647 : i32
    %broadcast_in_dim3A_564 = vector.broadcast %jit3A_563 : i32 to vector<200x256xi32>
    %select_n3A_565 = arith.select %eq3A_152, %broadcast_in_dim3A_564, %slice3A_57 : vector<200x256xi1>, vector<200x256xi32>
    %jit3A_566 = arith.constant 2147483647 : i32
    %broadcast_in_dim3A_567 = vector.broadcast %jit3A_566 : i32 to vector<200x256xi32>
    %select_n3A_568 = arith.select %eq3A_153, %broadcast_in_dim3A_567, %slice3A_58 : vector<200x256xi1>, vector<200x256xi32>
    %jit3A_569 = arith.constant 2147483647 : i32
    %broadcast_in_dim3A_570 = vector.broadcast %jit3A_569 : i32 to vector<200x256xi32>
    %select_n3A_571 = arith.select %eq3A_154, %broadcast_in_dim3A_570, %slice3A_59 : vector<200x256xi1>, vector<200x256xi32>
    %jit3A_572 = arith.constant 2147483647 : i32
    %broadcast_in_dim3A_573 = vector.broadcast %jit3A_572 : i32 to vector<200x256xi32>
    %select_n3A_574 = arith.select %eq3A_155, %broadcast_in_dim3A_573, %slice3A_60 : vector<200x256xi1>, vector<200x256xi32>
    %jit3A_575 = arith.constant 2147483647 : i32
    %broadcast_in_dim3A_576 = vector.broadcast %jit3A_575 : i32 to vector<200x256xi32>
    %select_n3A_577 = arith.select %eq3A_156, %broadcast_in_dim3A_576, %slice3A_61 : vector<200x256xi1>, vector<200x256xi32>
    %jit3A_578 = arith.constant 2147483647 : i32
    %broadcast_in_dim3A_579 = vector.broadcast %jit3A_578 : i32 to vector<200x256xi32>
    %select_n3A_580 = arith.select %eq3A_157, %broadcast_in_dim3A_579, %slice3A_62 : vector<200x256xi1>, vector<200x256xi32>
    %jit3A_581 = arith.constant 2147483647 : i32
    %broadcast_in_dim3A_582 = vector.broadcast %jit3A_581 : i32 to vector<200x256xi32>
    %select_n3A_583 = arith.select %eq3A_158, %broadcast_in_dim3A_582, %slice3A_63 : vector<200x256xi1>, vector<200x256xi32>
    %jit3A_584 = arith.constant 2147483647 : i32
    %broadcast_in_dim3A_585 = vector.broadcast %jit3A_584 : i32 to vector<200x256xi32>
    %select_n3A_586 = arith.select %eq3A_159, %broadcast_in_dim3A_585, %slice3A_64 : vector<200x256xi1>, vector<200x256xi32>
    %jit3A_587 = arith.constant 2147483647 : i32
    %broadcast_in_dim3A_588 = vector.broadcast %jit3A_587 : i32 to vector<200x256xi32>
    %select_n3A_589 = arith.select %eq3A_160, %broadcast_in_dim3A_588, %slice3A_65 : vector<200x256xi1>, vector<200x256xi32>
    %jit3A_590 = arith.constant 2147483647 : i32
    %broadcast_in_dim3A_591 = vector.broadcast %jit3A_590 : i32 to vector<200x256xi32>
    %select_n3A_592 = arith.select %eq3A_161, %broadcast_in_dim3A_591, %slice3A_66 : vector<200x256xi1>, vector<200x256xi32>
    %jit3A_593 = arith.constant 2147483647 : i32
    %broadcast_in_dim3A_594 = vector.broadcast %jit3A_593 : i32 to vector<200x256xi32>
    %select_n3A_595 = arith.select %eq3A_162, %broadcast_in_dim3A_594, %slice3A_67 : vector<200x256xi1>, vector<200x256xi32>
    %jit3A_596 = arith.constant 2147483647 : i32
    %broadcast_in_dim3A_597 = vector.broadcast %jit3A_596 : i32 to vector<200x256xi32>
    %select_n3A_598 = arith.select %eq3A_163, %broadcast_in_dim3A_597, %slice3A_68 : vector<200x256xi1>, vector<200x256xi32>
    %jit3A_599 = arith.constant 2147483647 : i32
    %broadcast_in_dim3A_600 = vector.broadcast %jit3A_599 : i32 to vector<200x256xi32>
    %select_n3A_601 = arith.select %eq3A_164, %broadcast_in_dim3A_600, %slice3A_69 : vector<200x256xi1>, vector<200x256xi32>
    %min3A_602 = arith.minsi %select_n3A_457, %select_n3A_460 : vector<200x256xi32>
    %min3A_603 = arith.minsi %select_n3A_463, %select_n3A_466 : vector<200x256xi32>
    %min3A_604 = arith.minsi %select_n3A_469, %select_n3A_472 : vector<200x256xi32>
    %min3A_605 = arith.minsi %select_n3A_475, %select_n3A_478 : vector<200x256xi32>
    %min3A_606 = arith.minsi %select_n3A_481, %select_n3A_484 : vector<200x256xi32>
    %min3A_607 = arith.minsi %select_n3A_487, %select_n3A_490 : vector<200x256xi32>
    %min3A_608 = arith.minsi %select_n3A_493, %select_n3A_496 : vector<200x256xi32>
    %min3A_609 = arith.minsi %select_n3A_499, %select_n3A_502 : vector<200x256xi32>
    %min3A_610 = arith.minsi %select_n3A_505, %select_n3A_508 : vector<200x256xi32>
    %min3A_611 = arith.minsi %select_n3A_511, %select_n3A_514 : vector<200x256xi32>
    %min3A_612 = arith.minsi %select_n3A_517, %select_n3A_520 : vector<200x256xi32>
    %min3A_613 = arith.minsi %select_n3A_523, %select_n3A_526 : vector<200x256xi32>
    %min3A_614 = arith.minsi %select_n3A_529, %select_n3A_532 : vector<200x256xi32>
    %min3A_615 = arith.minsi %select_n3A_535, %select_n3A_538 : vector<200x256xi32>
    %min3A_616 = arith.minsi %select_n3A_541, %select_n3A_544 : vector<200x256xi32>
    %min3A_617 = arith.minsi %select_n3A_547, %select_n3A_550 : vector<200x256xi32>
    %min3A_618 = arith.minsi %select_n3A_553, %select_n3A_556 : vector<200x256xi32>
    %min3A_619 = arith.minsi %select_n3A_559, %select_n3A_562 : vector<200x256xi32>
    %min3A_620 = arith.minsi %select_n3A_565, %select_n3A_568 : vector<200x256xi32>
    %min3A_621 = arith.minsi %select_n3A_571, %select_n3A_574 : vector<200x256xi32>
    %min3A_622 = arith.minsi %select_n3A_577, %select_n3A_580 : vector<200x256xi32>
    %min3A_623 = arith.minsi %select_n3A_583, %select_n3A_586 : vector<200x256xi32>
    %min3A_624 = arith.minsi %select_n3A_589, %select_n3A_592 : vector<200x256xi32>
    %min3A_625 = arith.minsi %select_n3A_595, %select_n3A_598 : vector<200x256xi32>
    %min3A_626 = arith.minsi %min3A_602, %min3A_603 : vector<200x256xi32>
    %min3A_627 = arith.minsi %min3A_604, %min3A_605 : vector<200x256xi32>
    %min3A_628 = arith.minsi %min3A_606, %min3A_607 : vector<200x256xi32>
    %min3A_629 = arith.minsi %min3A_608, %min3A_609 : vector<200x256xi32>
    %min3A_630 = arith.minsi %min3A_610, %min3A_611 : vector<200x256xi32>
    %min3A_631 = arith.minsi %min3A_612, %min3A_613 : vector<200x256xi32>
    %min3A_632 = arith.minsi %min3A_614, %min3A_615 : vector<200x256xi32>
    %min3A_633 = arith.minsi %min3A_616, %min3A_617 : vector<200x256xi32>
    %min3A_634 = arith.minsi %min3A_618, %min3A_619 : vector<200x256xi32>
    %min3A_635 = arith.minsi %min3A_620, %min3A_621 : vector<200x256xi32>
    %min3A_636 = arith.minsi %min3A_622, %min3A_623 : vector<200x256xi32>
    %min3A_637 = arith.minsi %min3A_624, %min3A_625 : vector<200x256xi32>
    %min3A_638 = arith.minsi %min3A_626, %min3A_627 : vector<200x256xi32>
    %min3A_639 = arith.minsi %min3A_628, %min3A_629 : vector<200x256xi32>
    %min3A_640 = arith.minsi %min3A_630, %min3A_631 : vector<200x256xi32>
    %min3A_641 = arith.minsi %min3A_632, %min3A_633 : vector<200x256xi32>
    %min3A_642 = arith.minsi %min3A_634, %min3A_635 : vector<200x256xi32>
    %min3A_643 = arith.minsi %min3A_636, %min3A_637 : vector<200x256xi32>
    %min3A_644 = arith.minsi %min3A_638, %min3A_639 : vector<200x256xi32>
    %min3A_645 = arith.minsi %min3A_640, %min3A_641 : vector<200x256xi32>
    %min3A_646 = arith.minsi %min3A_642, %min3A_643 : vector<200x256xi32>
    %min3A_647 = arith.minsi %min3A_644, %min3A_645 : vector<200x256xi32>
    %min3A_648 = arith.minsi %min3A_646, %select_n3A_601 : vector<200x256xi32>
    %min3A_649 = arith.minsi %min3A_647, %min3A_648 : vector<200x256xi32>
    %eq3A_650 = arith.cmpi eq, %select_n3A_457, %min3A_649 : vector<200x256xi32>
    %eq3A_651 = arith.cmpi eq, %select_n3A_460, %min3A_649 : vector<200x256xi32>
    %eq3A_652 = arith.cmpi eq, %select_n3A_463, %min3A_649 : vector<200x256xi32>
    %eq3A_653 = arith.cmpi eq, %select_n3A_466, %min3A_649 : vector<200x256xi32>
    %eq3A_654 = arith.cmpi eq, %select_n3A_469, %min3A_649 : vector<200x256xi32>
    %eq3A_655 = arith.cmpi eq, %select_n3A_472, %min3A_649 : vector<200x256xi32>
    %eq3A_656 = arith.cmpi eq, %select_n3A_475, %min3A_649 : vector<200x256xi32>
    %eq3A_657 = arith.cmpi eq, %select_n3A_478, %min3A_649 : vector<200x256xi32>
    %eq3A_658 = arith.cmpi eq, %select_n3A_481, %min3A_649 : vector<200x256xi32>
    %eq3A_659 = arith.cmpi eq, %select_n3A_484, %min3A_649 : vector<200x256xi32>
    %eq3A_660 = arith.cmpi eq, %select_n3A_487, %min3A_649 : vector<200x256xi32>
    %eq3A_661 = arith.cmpi eq, %select_n3A_490, %min3A_649 : vector<200x256xi32>
    %eq3A_662 = arith.cmpi eq, %select_n3A_493, %min3A_649 : vector<200x256xi32>
    %eq3A_663 = arith.cmpi eq, %select_n3A_496, %min3A_649 : vector<200x256xi32>
    %eq3A_664 = arith.cmpi eq, %select_n3A_499, %min3A_649 : vector<200x256xi32>
    %eq3A_665 = arith.cmpi eq, %select_n3A_502, %min3A_649 : vector<200x256xi32>
    %eq3A_666 = arith.cmpi eq, %select_n3A_505, %min3A_649 : vector<200x256xi32>
    %eq3A_667 = arith.cmpi eq, %select_n3A_508, %min3A_649 : vector<200x256xi32>
    %eq3A_668 = arith.cmpi eq, %select_n3A_511, %min3A_649 : vector<200x256xi32>
    %eq3A_669 = arith.cmpi eq, %select_n3A_514, %min3A_649 : vector<200x256xi32>
    %eq3A_670 = arith.cmpi eq, %select_n3A_517, %min3A_649 : vector<200x256xi32>
    %eq3A_671 = arith.cmpi eq, %select_n3A_520, %min3A_649 : vector<200x256xi32>
    %eq3A_672 = arith.cmpi eq, %select_n3A_523, %min3A_649 : vector<200x256xi32>
    %eq3A_673 = arith.cmpi eq, %select_n3A_526, %min3A_649 : vector<200x256xi32>
    %eq3A_674 = arith.cmpi eq, %select_n3A_529, %min3A_649 : vector<200x256xi32>
    %eq3A_675 = arith.cmpi eq, %select_n3A_532, %min3A_649 : vector<200x256xi32>
    %eq3A_676 = arith.cmpi eq, %select_n3A_535, %min3A_649 : vector<200x256xi32>
    %eq3A_677 = arith.cmpi eq, %select_n3A_538, %min3A_649 : vector<200x256xi32>
    %eq3A_678 = arith.cmpi eq, %select_n3A_541, %min3A_649 : vector<200x256xi32>
    %eq3A_679 = arith.cmpi eq, %select_n3A_544, %min3A_649 : vector<200x256xi32>
    %eq3A_680 = arith.cmpi eq, %select_n3A_547, %min3A_649 : vector<200x256xi32>
    %eq3A_681 = arith.cmpi eq, %select_n3A_550, %min3A_649 : vector<200x256xi32>
    %eq3A_682 = arith.cmpi eq, %select_n3A_553, %min3A_649 : vector<200x256xi32>
    %eq3A_683 = arith.cmpi eq, %select_n3A_556, %min3A_649 : vector<200x256xi32>
    %eq3A_684 = arith.cmpi eq, %select_n3A_559, %min3A_649 : vector<200x256xi32>
    %eq3A_685 = arith.cmpi eq, %select_n3A_562, %min3A_649 : vector<200x256xi32>
    %eq3A_686 = arith.cmpi eq, %select_n3A_565, %min3A_649 : vector<200x256xi32>
    %eq3A_687 = arith.cmpi eq, %select_n3A_568, %min3A_649 : vector<200x256xi32>
    %eq3A_688 = arith.cmpi eq, %select_n3A_571, %min3A_649 : vector<200x256xi32>
    %eq3A_689 = arith.cmpi eq, %select_n3A_574, %min3A_649 : vector<200x256xi32>
    %eq3A_690 = arith.cmpi eq, %select_n3A_577, %min3A_649 : vector<200x256xi32>
    %eq3A_691 = arith.cmpi eq, %select_n3A_580, %min3A_649 : vector<200x256xi32>
    %eq3A_692 = arith.cmpi eq, %select_n3A_583, %min3A_649 : vector<200x256xi32>
    %eq3A_693 = arith.cmpi eq, %select_n3A_586, %min3A_649 : vector<200x256xi32>
    %eq3A_694 = arith.cmpi eq, %select_n3A_589, %min3A_649 : vector<200x256xi32>
    %eq3A_695 = arith.cmpi eq, %select_n3A_592, %min3A_649 : vector<200x256xi32>
    %eq3A_696 = arith.cmpi eq, %select_n3A_595, %min3A_649 : vector<200x256xi32>
    %eq3A_697 = arith.cmpi eq, %select_n3A_598, %min3A_649 : vector<200x256xi32>
    %eq3A_698 = arith.cmpi eq, %select_n3A_601, %min3A_649 : vector<200x256xi32>
    %jit3A_699 = arith.constant 0 : i32
    %jit3A_700 = arith.constant 2147483647 : i32
    %broadcast_in_dim3A_701 = vector.broadcast %jit3A_699 : i32 to vector<200x256xi32>
    %broadcast_in_dim3A_702 = vector.broadcast %jit3A_700 : i32 to vector<200x256xi32>
    %select_n3A_703 = arith.select %eq3A_650, %broadcast_in_dim3A_701, %broadcast_in_dim3A_702 : vector<200x256xi1>, vector<200x256xi32>
    %jit3A_704 = arith.constant 1 : i32
    %jit3A_705 = arith.constant 2147483647 : i32
    %broadcast_in_dim3A_706 = vector.broadcast %jit3A_704 : i32 to vector<200x256xi32>
    %broadcast_in_dim3A_707 = vector.broadcast %jit3A_705 : i32 to vector<200x256xi32>
    %select_n3A_708 = arith.select %eq3A_651, %broadcast_in_dim3A_706, %broadcast_in_dim3A_707 : vector<200x256xi1>, vector<200x256xi32>
    %jit3A_709 = arith.constant 2 : i32
    %jit3A_710 = arith.constant 2147483647 : i32
    %broadcast_in_dim3A_711 = vector.broadcast %jit3A_709 : i32 to vector<200x256xi32>
    %broadcast_in_dim3A_712 = vector.broadcast %jit3A_710 : i32 to vector<200x256xi32>
    %select_n3A_713 = arith.select %eq3A_652, %broadcast_in_dim3A_711, %broadcast_in_dim3A_712 : vector<200x256xi1>, vector<200x256xi32>
    %jit3A_714 = arith.constant 3 : i32
    %jit3A_715 = arith.constant 2147483647 : i32
    %broadcast_in_dim3A_716 = vector.broadcast %jit3A_714 : i32 to vector<200x256xi32>
    %broadcast_in_dim3A_717 = vector.broadcast %jit3A_715 : i32 to vector<200x256xi32>
    %select_n3A_718 = arith.select %eq3A_653, %broadcast_in_dim3A_716, %broadcast_in_dim3A_717 : vector<200x256xi1>, vector<200x256xi32>
    %jit3A_719 = arith.constant 4 : i32
    %jit3A_720 = arith.constant 2147483647 : i32
    %broadcast_in_dim3A_721 = vector.broadcast %jit3A_719 : i32 to vector<200x256xi32>
    %broadcast_in_dim3A_722 = vector.broadcast %jit3A_720 : i32 to vector<200x256xi32>
    %select_n3A_723 = arith.select %eq3A_654, %broadcast_in_dim3A_721, %broadcast_in_dim3A_722 : vector<200x256xi1>, vector<200x256xi32>
    %jit3A_724 = arith.constant 5 : i32
    %jit3A_725 = arith.constant 2147483647 : i32
    %broadcast_in_dim3A_726 = vector.broadcast %jit3A_724 : i32 to vector<200x256xi32>
    %broadcast_in_dim3A_727 = vector.broadcast %jit3A_725 : i32 to vector<200x256xi32>
    %select_n3A_728 = arith.select %eq3A_655, %broadcast_in_dim3A_726, %broadcast_in_dim3A_727 : vector<200x256xi1>, vector<200x256xi32>
    %jit3A_729 = arith.constant 6 : i32
    %jit3A_730 = arith.constant 2147483647 : i32
    %broadcast_in_dim3A_731 = vector.broadcast %jit3A_729 : i32 to vector<200x256xi32>
    %broadcast_in_dim3A_732 = vector.broadcast %jit3A_730 : i32 to vector<200x256xi32>
    %select_n3A_733 = arith.select %eq3A_656, %broadcast_in_dim3A_731, %broadcast_in_dim3A_732 : vector<200x256xi1>, vector<200x256xi32>
    %jit3A_734 = arith.constant 7 : i32
    %jit3A_735 = arith.constant 2147483647 : i32
    %broadcast_in_dim3A_736 = vector.broadcast %jit3A_734 : i32 to vector<200x256xi32>
    %broadcast_in_dim3A_737 = vector.broadcast %jit3A_735 : i32 to vector<200x256xi32>
    %select_n3A_738 = arith.select %eq3A_657, %broadcast_in_dim3A_736, %broadcast_in_dim3A_737 : vector<200x256xi1>, vector<200x256xi32>
    %jit3A_739 = arith.constant 8 : i32
    %jit3A_740 = arith.constant 2147483647 : i32
    %broadcast_in_dim3A_741 = vector.broadcast %jit3A_739 : i32 to vector<200x256xi32>
    %broadcast_in_dim3A_742 = vector.broadcast %jit3A_740 : i32 to vector<200x256xi32>
    %select_n3A_743 = arith.select %eq3A_658, %broadcast_in_dim3A_741, %broadcast_in_dim3A_742 : vector<200x256xi1>, vector<200x256xi32>
    %jit3A_744 = arith.constant 9 : i32
    %jit3A_745 = arith.constant 2147483647 : i32
    %broadcast_in_dim3A_746 = vector.broadcast %jit3A_744 : i32 to vector<200x256xi32>
    %broadcast_in_dim3A_747 = vector.broadcast %jit3A_745 : i32 to vector<200x256xi32>
    %select_n3A_748 = arith.select %eq3A_659, %broadcast_in_dim3A_746, %broadcast_in_dim3A_747 : vector<200x256xi1>, vector<200x256xi32>
    %jit3A_749 = arith.constant 10 : i32
    %jit3A_750 = arith.constant 2147483647 : i32
    %broadcast_in_dim3A_751 = vector.broadcast %jit3A_749 : i32 to vector<200x256xi32>
    %broadcast_in_dim3A_752 = vector.broadcast %jit3A_750 : i32 to vector<200x256xi32>
    %select_n3A_753 = arith.select %eq3A_660, %broadcast_in_dim3A_751, %broadcast_in_dim3A_752 : vector<200x256xi1>, vector<200x256xi32>
    %jit3A_754 = arith.constant 11 : i32
    %jit3A_755 = arith.constant 2147483647 : i32
    %broadcast_in_dim3A_756 = vector.broadcast %jit3A_754 : i32 to vector<200x256xi32>
    %broadcast_in_dim3A_757 = vector.broadcast %jit3A_755 : i32 to vector<200x256xi32>
    %select_n3A_758 = arith.select %eq3A_661, %broadcast_in_dim3A_756, %broadcast_in_dim3A_757 : vector<200x256xi1>, vector<200x256xi32>
    %jit3A_759 = arith.constant 12 : i32
    %jit3A_760 = arith.constant 2147483647 : i32
    %broadcast_in_dim3A_761 = vector.broadcast %jit3A_759 : i32 to vector<200x256xi32>
    %broadcast_in_dim3A_762 = vector.broadcast %jit3A_760 : i32 to vector<200x256xi32>
    %select_n3A_763 = arith.select %eq3A_662, %broadcast_in_dim3A_761, %broadcast_in_dim3A_762 : vector<200x256xi1>, vector<200x256xi32>
    %jit3A_764 = arith.constant 13 : i32
    %jit3A_765 = arith.constant 2147483647 : i32
    %broadcast_in_dim3A_766 = vector.broadcast %jit3A_764 : i32 to vector<200x256xi32>
    %broadcast_in_dim3A_767 = vector.broadcast %jit3A_765 : i32 to vector<200x256xi32>
    %select_n3A_768 = arith.select %eq3A_663, %broadcast_in_dim3A_766, %broadcast_in_dim3A_767 : vector<200x256xi1>, vector<200x256xi32>
    %jit3A_769 = arith.constant 14 : i32
    %jit3A_770 = arith.constant 2147483647 : i32
    %broadcast_in_dim3A_771 = vector.broadcast %jit3A_769 : i32 to vector<200x256xi32>
    %broadcast_in_dim3A_772 = vector.broadcast %jit3A_770 : i32 to vector<200x256xi32>
    %select_n3A_773 = arith.select %eq3A_664, %broadcast_in_dim3A_771, %broadcast_in_dim3A_772 : vector<200x256xi1>, vector<200x256xi32>
    %jit3A_774 = arith.constant 15 : i32
    %jit3A_775 = arith.constant 2147483647 : i32
    %broadcast_in_dim3A_776 = vector.broadcast %jit3A_774 : i32 to vector<200x256xi32>
    %broadcast_in_dim3A_777 = vector.broadcast %jit3A_775 : i32 to vector<200x256xi32>
    %select_n3A_778 = arith.select %eq3A_665, %broadcast_in_dim3A_776, %broadcast_in_dim3A_777 : vector<200x256xi1>, vector<200x256xi32>
    %jit3A_779 = arith.constant 16 : i32
    %jit3A_780 = arith.constant 2147483647 : i32
    %broadcast_in_dim3A_781 = vector.broadcast %jit3A_779 : i32 to vector<200x256xi32>
    %broadcast_in_dim3A_782 = vector.broadcast %jit3A_780 : i32 to vector<200x256xi32>
    %select_n3A_783 = arith.select %eq3A_666, %broadcast_in_dim3A_781, %broadcast_in_dim3A_782 : vector<200x256xi1>, vector<200x256xi32>
    %jit3A_784 = arith.constant 17 : i32
    %jit3A_785 = arith.constant 2147483647 : i32
    %broadcast_in_dim3A_786 = vector.broadcast %jit3A_784 : i32 to vector<200x256xi32>
    %broadcast_in_dim3A_787 = vector.broadcast %jit3A_785 : i32 to vector<200x256xi32>
    %select_n3A_788 = arith.select %eq3A_667, %broadcast_in_dim3A_786, %broadcast_in_dim3A_787 : vector<200x256xi1>, vector<200x256xi32>
    %jit3A_789 = arith.constant 18 : i32
    %jit3A_790 = arith.constant 2147483647 : i32
    %broadcast_in_dim3A_791 = vector.broadcast %jit3A_789 : i32 to vector<200x256xi32>
    %broadcast_in_dim3A_792 = vector.broadcast %jit3A_790 : i32 to vector<200x256xi32>
    %select_n3A_793 = arith.select %eq3A_668, %broadcast_in_dim3A_791, %broadcast_in_dim3A_792 : vector<200x256xi1>, vector<200x256xi32>
    %jit3A_794 = arith.constant 19 : i32
    %jit3A_795 = arith.constant 2147483647 : i32
    %broadcast_in_dim3A_796 = vector.broadcast %jit3A_794 : i32 to vector<200x256xi32>
    %broadcast_in_dim3A_797 = vector.broadcast %jit3A_795 : i32 to vector<200x256xi32>
    %select_n3A_798 = arith.select %eq3A_669, %broadcast_in_dim3A_796, %broadcast_in_dim3A_797 : vector<200x256xi1>, vector<200x256xi32>
    %jit3A_799 = arith.constant 20 : i32
    %jit3A_800 = arith.constant 2147483647 : i32
    %broadcast_in_dim3A_801 = vector.broadcast %jit3A_799 : i32 to vector<200x256xi32>
    %broadcast_in_dim3A_802 = vector.broadcast %jit3A_800 : i32 to vector<200x256xi32>
    %select_n3A_803 = arith.select %eq3A_670, %broadcast_in_dim3A_801, %broadcast_in_dim3A_802 : vector<200x256xi1>, vector<200x256xi32>
    %jit3A_804 = arith.constant 21 : i32
    %jit3A_805 = arith.constant 2147483647 : i32
    %broadcast_in_dim3A_806 = vector.broadcast %jit3A_804 : i32 to vector<200x256xi32>
    %broadcast_in_dim3A_807 = vector.broadcast %jit3A_805 : i32 to vector<200x256xi32>
    %select_n3A_808 = arith.select %eq3A_671, %broadcast_in_dim3A_806, %broadcast_in_dim3A_807 : vector<200x256xi1>, vector<200x256xi32>
    %jit3A_809 = arith.constant 22 : i32
    %jit3A_810 = arith.constant 2147483647 : i32
    %broadcast_in_dim3A_811 = vector.broadcast %jit3A_809 : i32 to vector<200x256xi32>
    %broadcast_in_dim3A_812 = vector.broadcast %jit3A_810 : i32 to vector<200x256xi32>
    %select_n3A_813 = arith.select %eq3A_672, %broadcast_in_dim3A_811, %broadcast_in_dim3A_812 : vector<200x256xi1>, vector<200x256xi32>
    %jit3A_814 = arith.constant 23 : i32
    %jit3A_815 = arith.constant 2147483647 : i32
    %broadcast_in_dim3A_816 = vector.broadcast %jit3A_814 : i32 to vector<200x256xi32>
    %broadcast_in_dim3A_817 = vector.broadcast %jit3A_815 : i32 to vector<200x256xi32>
    %select_n3A_818 = arith.select %eq3A_673, %broadcast_in_dim3A_816, %broadcast_in_dim3A_817 : vector<200x256xi1>, vector<200x256xi32>
    %jit3A_819 = arith.constant 24 : i32
    %jit3A_820 = arith.constant 2147483647 : i32
    %broadcast_in_dim3A_821 = vector.broadcast %jit3A_819 : i32 to vector<200x256xi32>
    %broadcast_in_dim3A_822 = vector.broadcast %jit3A_820 : i32 to vector<200x256xi32>
    %select_n3A_823 = arith.select %eq3A_674, %broadcast_in_dim3A_821, %broadcast_in_dim3A_822 : vector<200x256xi1>, vector<200x256xi32>
    %jit3A_824 = arith.constant 25 : i32
    %jit3A_825 = arith.constant 2147483647 : i32
    %broadcast_in_dim3A_826 = vector.broadcast %jit3A_824 : i32 to vector<200x256xi32>
    %broadcast_in_dim3A_827 = vector.broadcast %jit3A_825 : i32 to vector<200x256xi32>
    %select_n3A_828 = arith.select %eq3A_675, %broadcast_in_dim3A_826, %broadcast_in_dim3A_827 : vector<200x256xi1>, vector<200x256xi32>
    %jit3A_829 = arith.constant 26 : i32
    %jit3A_830 = arith.constant 2147483647 : i32
    %broadcast_in_dim3A_831 = vector.broadcast %jit3A_829 : i32 to vector<200x256xi32>
    %broadcast_in_dim3A_832 = vector.broadcast %jit3A_830 : i32 to vector<200x256xi32>
    %select_n3A_833 = arith.select %eq3A_676, %broadcast_in_dim3A_831, %broadcast_in_dim3A_832 : vector<200x256xi1>, vector<200x256xi32>
    %jit3A_834 = arith.constant 27 : i32
    %jit3A_835 = arith.constant 2147483647 : i32
    %broadcast_in_dim3A_836 = vector.broadcast %jit3A_834 : i32 to vector<200x256xi32>
    %broadcast_in_dim3A_837 = vector.broadcast %jit3A_835 : i32 to vector<200x256xi32>
    %select_n3A_838 = arith.select %eq3A_677, %broadcast_in_dim3A_836, %broadcast_in_dim3A_837 : vector<200x256xi1>, vector<200x256xi32>
    %jit3A_839 = arith.constant 28 : i32
    %jit3A_840 = arith.constant 2147483647 : i32
    %broadcast_in_dim3A_841 = vector.broadcast %jit3A_839 : i32 to vector<200x256xi32>
    %broadcast_in_dim3A_842 = vector.broadcast %jit3A_840 : i32 to vector<200x256xi32>
    %select_n3A_843 = arith.select %eq3A_678, %broadcast_in_dim3A_841, %broadcast_in_dim3A_842 : vector<200x256xi1>, vector<200x256xi32>
    %jit3A_844 = arith.constant 29 : i32
    %jit3A_845 = arith.constant 2147483647 : i32
    %broadcast_in_dim3A_846 = vector.broadcast %jit3A_844 : i32 to vector<200x256xi32>
    %broadcast_in_dim3A_847 = vector.broadcast %jit3A_845 : i32 to vector<200x256xi32>
    %select_n3A_848 = arith.select %eq3A_679, %broadcast_in_dim3A_846, %broadcast_in_dim3A_847 : vector<200x256xi1>, vector<200x256xi32>
    %jit3A_849 = arith.constant 30 : i32
    %jit3A_850 = arith.constant 2147483647 : i32
    %broadcast_in_dim3A_851 = vector.broadcast %jit3A_849 : i32 to vector<200x256xi32>
    %broadcast_in_dim3A_852 = vector.broadcast %jit3A_850 : i32 to vector<200x256xi32>
    %select_n3A_853 = arith.select %eq3A_680, %broadcast_in_dim3A_851, %broadcast_in_dim3A_852 : vector<200x256xi1>, vector<200x256xi32>
    %jit3A_854 = arith.constant 31 : i32
    %jit3A_855 = arith.constant 2147483647 : i32
    %broadcast_in_dim3A_856 = vector.broadcast %jit3A_854 : i32 to vector<200x256xi32>
    %broadcast_in_dim3A_857 = vector.broadcast %jit3A_855 : i32 to vector<200x256xi32>
    %select_n3A_858 = arith.select %eq3A_681, %broadcast_in_dim3A_856, %broadcast_in_dim3A_857 : vector<200x256xi1>, vector<200x256xi32>
    %jit3A_859 = arith.constant 32 : i32
    %jit3A_860 = arith.constant 2147483647 : i32
    %broadcast_in_dim3A_861 = vector.broadcast %jit3A_859 : i32 to vector<200x256xi32>
    %broadcast_in_dim3A_862 = vector.broadcast %jit3A_860 : i32 to vector<200x256xi32>
    %select_n3A_863 = arith.select %eq3A_682, %broadcast_in_dim3A_861, %broadcast_in_dim3A_862 : vector<200x256xi1>, vector<200x256xi32>
    %jit3A_864 = arith.constant 33 : i32
    %jit3A_865 = arith.constant 2147483647 : i32
    %broadcast_in_dim3A_866 = vector.broadcast %jit3A_864 : i32 to vector<200x256xi32>
    %broadcast_in_dim3A_867 = vector.broadcast %jit3A_865 : i32 to vector<200x256xi32>
    %select_n3A_868 = arith.select %eq3A_683, %broadcast_in_dim3A_866, %broadcast_in_dim3A_867 : vector<200x256xi1>, vector<200x256xi32>
    %jit3A_869 = arith.constant 34 : i32
    %jit3A_870 = arith.constant 2147483647 : i32
    %broadcast_in_dim3A_871 = vector.broadcast %jit3A_869 : i32 to vector<200x256xi32>
    %broadcast_in_dim3A_872 = vector.broadcast %jit3A_870 : i32 to vector<200x256xi32>
    %select_n3A_873 = arith.select %eq3A_684, %broadcast_in_dim3A_871, %broadcast_in_dim3A_872 : vector<200x256xi1>, vector<200x256xi32>
    %jit3A_874 = arith.constant 35 : i32
    %jit3A_875 = arith.constant 2147483647 : i32
    %broadcast_in_dim3A_876 = vector.broadcast %jit3A_874 : i32 to vector<200x256xi32>
    %broadcast_in_dim3A_877 = vector.broadcast %jit3A_875 : i32 to vector<200x256xi32>
    %select_n3A_878 = arith.select %eq3A_685, %broadcast_in_dim3A_876, %broadcast_in_dim3A_877 : vector<200x256xi1>, vector<200x256xi32>
    %jit3A_879 = arith.constant 36 : i32
    %jit3A_880 = arith.constant 2147483647 : i32
    %broadcast_in_dim3A_881 = vector.broadcast %jit3A_879 : i32 to vector<200x256xi32>
    %broadcast_in_dim3A_882 = vector.broadcast %jit3A_880 : i32 to vector<200x256xi32>
    %select_n3A_883 = arith.select %eq3A_686, %broadcast_in_dim3A_881, %broadcast_in_dim3A_882 : vector<200x256xi1>, vector<200x256xi32>
    %jit3A_884 = arith.constant 37 : i32
    %jit3A_885 = arith.constant 2147483647 : i32
    %broadcast_in_dim3A_886 = vector.broadcast %jit3A_884 : i32 to vector<200x256xi32>
    %broadcast_in_dim3A_887 = vector.broadcast %jit3A_885 : i32 to vector<200x256xi32>
    %select_n3A_888 = arith.select %eq3A_687, %broadcast_in_dim3A_886, %broadcast_in_dim3A_887 : vector<200x256xi1>, vector<200x256xi32>
    %jit3A_889 = arith.constant 38 : i32
    %jit3A_890 = arith.constant 2147483647 : i32
    %broadcast_in_dim3A_891 = vector.broadcast %jit3A_889 : i32 to vector<200x256xi32>
    %broadcast_in_dim3A_892 = vector.broadcast %jit3A_890 : i32 to vector<200x256xi32>
    %select_n3A_893 = arith.select %eq3A_688, %broadcast_in_dim3A_891, %broadcast_in_dim3A_892 : vector<200x256xi1>, vector<200x256xi32>
    %jit3A_894 = arith.constant 39 : i32
    %jit3A_895 = arith.constant 2147483647 : i32
    %broadcast_in_dim3A_896 = vector.broadcast %jit3A_894 : i32 to vector<200x256xi32>
    %broadcast_in_dim3A_897 = vector.broadcast %jit3A_895 : i32 to vector<200x256xi32>
    %select_n3A_898 = arith.select %eq3A_689, %broadcast_in_dim3A_896, %broadcast_in_dim3A_897 : vector<200x256xi1>, vector<200x256xi32>
    %jit3A_899 = arith.constant 40 : i32
    %jit3A_900 = arith.constant 2147483647 : i32
    %broadcast_in_dim3A_901 = vector.broadcast %jit3A_899 : i32 to vector<200x256xi32>
    %broadcast_in_dim3A_902 = vector.broadcast %jit3A_900 : i32 to vector<200x256xi32>
    %select_n3A_903 = arith.select %eq3A_690, %broadcast_in_dim3A_901, %broadcast_in_dim3A_902 : vector<200x256xi1>, vector<200x256xi32>
    %jit3A_904 = arith.constant 41 : i32
    %jit3A_905 = arith.constant 2147483647 : i32
    %broadcast_in_dim3A_906 = vector.broadcast %jit3A_904 : i32 to vector<200x256xi32>
    %broadcast_in_dim3A_907 = vector.broadcast %jit3A_905 : i32 to vector<200x256xi32>
    %select_n3A_908 = arith.select %eq3A_691, %broadcast_in_dim3A_906, %broadcast_in_dim3A_907 : vector<200x256xi1>, vector<200x256xi32>
    %jit3A_909 = arith.constant 42 : i32
    %jit3A_910 = arith.constant 2147483647 : i32
    %broadcast_in_dim3A_911 = vector.broadcast %jit3A_909 : i32 to vector<200x256xi32>
    %broadcast_in_dim3A_912 = vector.broadcast %jit3A_910 : i32 to vector<200x256xi32>
    %select_n3A_913 = arith.select %eq3A_692, %broadcast_in_dim3A_911, %broadcast_in_dim3A_912 : vector<200x256xi1>, vector<200x256xi32>
    %jit3A_914 = arith.constant 43 : i32
    %jit3A_915 = arith.constant 2147483647 : i32
    %broadcast_in_dim3A_916 = vector.broadcast %jit3A_914 : i32 to vector<200x256xi32>
    %broadcast_in_dim3A_917 = vector.broadcast %jit3A_915 : i32 to vector<200x256xi32>
    %select_n3A_918 = arith.select %eq3A_693, %broadcast_in_dim3A_916, %broadcast_in_dim3A_917 : vector<200x256xi1>, vector<200x256xi32>
    %jit3A_919 = arith.constant 44 : i32
    %jit3A_920 = arith.constant 2147483647 : i32
    %broadcast_in_dim3A_921 = vector.broadcast %jit3A_919 : i32 to vector<200x256xi32>
    %broadcast_in_dim3A_922 = vector.broadcast %jit3A_920 : i32 to vector<200x256xi32>
    %select_n3A_923 = arith.select %eq3A_694, %broadcast_in_dim3A_921, %broadcast_in_dim3A_922 : vector<200x256xi1>, vector<200x256xi32>
    %jit3A_924 = arith.constant 45 : i32
    %jit3A_925 = arith.constant 2147483647 : i32
    %broadcast_in_dim3A_926 = vector.broadcast %jit3A_924 : i32 to vector<200x256xi32>
    %broadcast_in_dim3A_927 = vector.broadcast %jit3A_925 : i32 to vector<200x256xi32>
    %select_n3A_928 = arith.select %eq3A_695, %broadcast_in_dim3A_926, %broadcast_in_dim3A_927 : vector<200x256xi1>, vector<200x256xi32>
    %jit3A_929 = arith.constant 46 : i32
    %jit3A_930 = arith.constant 2147483647 : i32
    %broadcast_in_dim3A_931 = vector.broadcast %jit3A_929 : i32 to vector<200x256xi32>
    %broadcast_in_dim3A_932 = vector.broadcast %jit3A_930 : i32 to vector<200x256xi32>
    %select_n3A_933 = arith.select %eq3A_696, %broadcast_in_dim3A_931, %broadcast_in_dim3A_932 : vector<200x256xi1>, vector<200x256xi32>
    %jit3A_934 = arith.constant 47 : i32
    %jit3A_935 = arith.constant 2147483647 : i32
    %broadcast_in_dim3A_936 = vector.broadcast %jit3A_934 : i32 to vector<200x256xi32>
    %broadcast_in_dim3A_937 = vector.broadcast %jit3A_935 : i32 to vector<200x256xi32>
    %select_n3A_938 = arith.select %eq3A_697, %broadcast_in_dim3A_936, %broadcast_in_dim3A_937 : vector<200x256xi1>, vector<200x256xi32>
    %jit3A_939 = arith.constant 48 : i32
    %jit3A_940 = arith.constant 2147483647 : i32
    %broadcast_in_dim3A_941 = vector.broadcast %jit3A_939 : i32 to vector<200x256xi32>
    %broadcast_in_dim3A_942 = vector.broadcast %jit3A_940 : i32 to vector<200x256xi32>
    %select_n3A_943 = arith.select %eq3A_698, %broadcast_in_dim3A_941, %broadcast_in_dim3A_942 : vector<200x256xi1>, vector<200x256xi32>
    %min3A_944 = arith.minsi %select_n3A_703, %select_n3A_708 : vector<200x256xi32>
    %min3A_945 = arith.minsi %select_n3A_713, %select_n3A_718 : vector<200x256xi32>
    %min3A_946 = arith.minsi %select_n3A_723, %select_n3A_728 : vector<200x256xi32>
    %min3A_947 = arith.minsi %select_n3A_733, %select_n3A_738 : vector<200x256xi32>
    %min3A_948 = arith.minsi %select_n3A_743, %select_n3A_748 : vector<200x256xi32>
    %min3A_949 = arith.minsi %select_n3A_753, %select_n3A_758 : vector<200x256xi32>
    %min3A_950 = arith.minsi %select_n3A_763, %select_n3A_768 : vector<200x256xi32>
    %min3A_951 = arith.minsi %select_n3A_773, %select_n3A_778 : vector<200x256xi32>
    %min3A_952 = arith.minsi %select_n3A_783, %select_n3A_788 : vector<200x256xi32>
    %min3A_953 = arith.minsi %select_n3A_793, %select_n3A_798 : vector<200x256xi32>
    %min3A_954 = arith.minsi %select_n3A_803, %select_n3A_808 : vector<200x256xi32>
    %min3A_955 = arith.minsi %select_n3A_813, %select_n3A_818 : vector<200x256xi32>
    %min3A_956 = arith.minsi %select_n3A_823, %select_n3A_828 : vector<200x256xi32>
    %min3A_957 = arith.minsi %select_n3A_833, %select_n3A_838 : vector<200x256xi32>
    %min3A_958 = arith.minsi %select_n3A_843, %select_n3A_848 : vector<200x256xi32>
    %min3A_959 = arith.minsi %select_n3A_853, %select_n3A_858 : vector<200x256xi32>
    %min3A_960 = arith.minsi %select_n3A_863, %select_n3A_868 : vector<200x256xi32>
    %min3A_961 = arith.minsi %select_n3A_873, %select_n3A_878 : vector<200x256xi32>
    %min3A_962 = arith.minsi %select_n3A_883, %select_n3A_888 : vector<200x256xi32>
    %min3A_963 = arith.minsi %select_n3A_893, %select_n3A_898 : vector<200x256xi32>
    %min3A_964 = arith.minsi %select_n3A_903, %select_n3A_908 : vector<200x256xi32>
    %min3A_965 = arith.minsi %select_n3A_913, %select_n3A_918 : vector<200x256xi32>
    %min3A_966 = arith.minsi %select_n3A_923, %select_n3A_928 : vector<200x256xi32>
    %min3A_967 = arith.minsi %select_n3A_933, %select_n3A_938 : vector<200x256xi32>
    %min3A_968 = arith.minsi %min3A_944, %min3A_945 : vector<200x256xi32>
    %min3A_969 = arith.minsi %min3A_946, %min3A_947 : vector<200x256xi32>
    %min3A_970 = arith.minsi %min3A_948, %min3A_949 : vector<200x256xi32>
    %min3A_971 = arith.minsi %min3A_950, %min3A_951 : vector<200x256xi32>
    %min3A_972 = arith.minsi %min3A_952, %min3A_953 : vector<200x256xi32>
    %min3A_973 = arith.minsi %min3A_954, %min3A_955 : vector<200x256xi32>
    %min3A_974 = arith.minsi %min3A_956, %min3A_957 : vector<200x256xi32>
    %min3A_975 = arith.minsi %min3A_958, %min3A_959 : vector<200x256xi32>
    %min3A_976 = arith.minsi %min3A_960, %min3A_961 : vector<200x256xi32>
    %min3A_977 = arith.minsi %min3A_962, %min3A_963 : vector<200x256xi32>
    %min3A_978 = arith.minsi %min3A_964, %min3A_965 : vector<200x256xi32>
    %min3A_979 = arith.minsi %min3A_966, %min3A_967 : vector<200x256xi32>
    %min3A_980 = arith.minsi %min3A_968, %min3A_969 : vector<200x256xi32>
    %min3A_981 = arith.minsi %min3A_970, %min3A_971 : vector<200x256xi32>
    %min3A_982 = arith.minsi %min3A_972, %min3A_973 : vector<200x256xi32>
    %min3A_983 = arith.minsi %min3A_974, %min3A_975 : vector<200x256xi32>
    %min3A_984 = arith.minsi %min3A_976, %min3A_977 : vector<200x256xi32>
    %min3A_985 = arith.minsi %min3A_978, %min3A_979 : vector<200x256xi32>
    %min3A_986 = arith.minsi %min3A_980, %min3A_981 : vector<200x256xi32>
    %min3A_987 = arith.minsi %min3A_982, %min3A_983 : vector<200x256xi32>
    %min3A_988 = arith.minsi %min3A_984, %min3A_985 : vector<200x256xi32>
    %min3A_989 = arith.minsi %min3A_986, %min3A_987 : vector<200x256xi32>
    %min3A_990 = arith.minsi %min3A_988, %select_n3A_943 : vector<200x256xi32>
    %min3A_991 = arith.minsi %min3A_989, %min3A_990 : vector<200x256xi32>
    %jit3A_992 = arith.constant 2147483647 : i32
    %broadcast_in_dim3A_993 = vector.broadcast %jit3A_992 : i32 to vector<200x256xi32>
    %select_n3A_994 = arith.select %eq3A_650, %broadcast_in_dim3A_993, %select_n3A_457 : vector<200x256xi1>, vector<200x256xi32>
    %jit3A_995 = arith.constant 2147483647 : i32
    %broadcast_in_dim3A_996 = vector.broadcast %jit3A_995 : i32 to vector<200x256xi32>
    %select_n3A_997 = arith.select %eq3A_651, %broadcast_in_dim3A_996, %select_n3A_460 : vector<200x256xi1>, vector<200x256xi32>
    %jit3A_998 = arith.constant 2147483647 : i32
    %broadcast_in_dim3A_999 = vector.broadcast %jit3A_998 : i32 to vector<200x256xi32>
    %select_n3A_1000 = arith.select %eq3A_652, %broadcast_in_dim3A_999, %select_n3A_463 : vector<200x256xi1>, vector<200x256xi32>
    %jit3A_1001 = arith.constant 2147483647 : i32
    %broadcast_in_dim3A_1002 = vector.broadcast %jit3A_1001 : i32 to vector<200x256xi32>
    %select_n3A_1003 = arith.select %eq3A_653, %broadcast_in_dim3A_1002, %select_n3A_466 : vector<200x256xi1>, vector<200x256xi32>
    %jit3A_1004 = arith.constant 2147483647 : i32
    %broadcast_in_dim3A_1005 = vector.broadcast %jit3A_1004 : i32 to vector<200x256xi32>
    %select_n3A_1006 = arith.select %eq3A_654, %broadcast_in_dim3A_1005, %select_n3A_469 : vector<200x256xi1>, vector<200x256xi32>
    %jit3A_1007 = arith.constant 2147483647 : i32
    %broadcast_in_dim3A_1008 = vector.broadcast %jit3A_1007 : i32 to vector<200x256xi32>
    %select_n3A_1009 = arith.select %eq3A_655, %broadcast_in_dim3A_1008, %select_n3A_472 : vector<200x256xi1>, vector<200x256xi32>
    %jit3A_1010 = arith.constant 2147483647 : i32
    %broadcast_in_dim3A_1011 = vector.broadcast %jit3A_1010 : i32 to vector<200x256xi32>
    %select_n3A_1012 = arith.select %eq3A_656, %broadcast_in_dim3A_1011, %select_n3A_475 : vector<200x256xi1>, vector<200x256xi32>
    %jit3A_1013 = arith.constant 2147483647 : i32
    %broadcast_in_dim3A_1014 = vector.broadcast %jit3A_1013 : i32 to vector<200x256xi32>
    %select_n3A_1015 = arith.select %eq3A_657, %broadcast_in_dim3A_1014, %select_n3A_478 : vector<200x256xi1>, vector<200x256xi32>
    %jit3A_1016 = arith.constant 2147483647 : i32
    %broadcast_in_dim3A_1017 = vector.broadcast %jit3A_1016 : i32 to vector<200x256xi32>
    %select_n3A_1018 = arith.select %eq3A_658, %broadcast_in_dim3A_1017, %select_n3A_481 : vector<200x256xi1>, vector<200x256xi32>
    %jit3A_1019 = arith.constant 2147483647 : i32
    %broadcast_in_dim3A_1020 = vector.broadcast %jit3A_1019 : i32 to vector<200x256xi32>
    %select_n3A_1021 = arith.select %eq3A_659, %broadcast_in_dim3A_1020, %select_n3A_484 : vector<200x256xi1>, vector<200x256xi32>
    %jit3A_1022 = arith.constant 2147483647 : i32
    %broadcast_in_dim3A_1023 = vector.broadcast %jit3A_1022 : i32 to vector<200x256xi32>
    %select_n3A_1024 = arith.select %eq3A_660, %broadcast_in_dim3A_1023, %select_n3A_487 : vector<200x256xi1>, vector<200x256xi32>
    %jit3A_1025 = arith.constant 2147483647 : i32
    %broadcast_in_dim3A_1026 = vector.broadcast %jit3A_1025 : i32 to vector<200x256xi32>
    %select_n3A_1027 = arith.select %eq3A_661, %broadcast_in_dim3A_1026, %select_n3A_490 : vector<200x256xi1>, vector<200x256xi32>
    %jit3A_1028 = arith.constant 2147483647 : i32
    %broadcast_in_dim3A_1029 = vector.broadcast %jit3A_1028 : i32 to vector<200x256xi32>
    %select_n3A_1030 = arith.select %eq3A_662, %broadcast_in_dim3A_1029, %select_n3A_493 : vector<200x256xi1>, vector<200x256xi32>
    %jit3A_1031 = arith.constant 2147483647 : i32
    %broadcast_in_dim3A_1032 = vector.broadcast %jit3A_1031 : i32 to vector<200x256xi32>
    %select_n3A_1033 = arith.select %eq3A_663, %broadcast_in_dim3A_1032, %select_n3A_496 : vector<200x256xi1>, vector<200x256xi32>
    %jit3A_1034 = arith.constant 2147483647 : i32
    %broadcast_in_dim3A_1035 = vector.broadcast %jit3A_1034 : i32 to vector<200x256xi32>
    %select_n3A_1036 = arith.select %eq3A_664, %broadcast_in_dim3A_1035, %select_n3A_499 : vector<200x256xi1>, vector<200x256xi32>
    %jit3A_1037 = arith.constant 2147483647 : i32
    %broadcast_in_dim3A_1038 = vector.broadcast %jit3A_1037 : i32 to vector<200x256xi32>
    %select_n3A_1039 = arith.select %eq3A_665, %broadcast_in_dim3A_1038, %select_n3A_502 : vector<200x256xi1>, vector<200x256xi32>
    %jit3A_1040 = arith.constant 2147483647 : i32
    %broadcast_in_dim3A_1041 = vector.broadcast %jit3A_1040 : i32 to vector<200x256xi32>
    %select_n3A_1042 = arith.select %eq3A_666, %broadcast_in_dim3A_1041, %select_n3A_505 : vector<200x256xi1>, vector<200x256xi32>
    %jit3A_1043 = arith.constant 2147483647 : i32
    %broadcast_in_dim3A_1044 = vector.broadcast %jit3A_1043 : i32 to vector<200x256xi32>
    %select_n3A_1045 = arith.select %eq3A_667, %broadcast_in_dim3A_1044, %select_n3A_508 : vector<200x256xi1>, vector<200x256xi32>
    %jit3A_1046 = arith.constant 2147483647 : i32
    %broadcast_in_dim3A_1047 = vector.broadcast %jit3A_1046 : i32 to vector<200x256xi32>
    %select_n3A_1048 = arith.select %eq3A_668, %broadcast_in_dim3A_1047, %select_n3A_511 : vector<200x256xi1>, vector<200x256xi32>
    %jit3A_1049 = arith.constant 2147483647 : i32
    %broadcast_in_dim3A_1050 = vector.broadcast %jit3A_1049 : i32 to vector<200x256xi32>
    %select_n3A_1051 = arith.select %eq3A_669, %broadcast_in_dim3A_1050, %select_n3A_514 : vector<200x256xi1>, vector<200x256xi32>
    %jit3A_1052 = arith.constant 2147483647 : i32
    %broadcast_in_dim3A_1053 = vector.broadcast %jit3A_1052 : i32 to vector<200x256xi32>
    %select_n3A_1054 = arith.select %eq3A_670, %broadcast_in_dim3A_1053, %select_n3A_517 : vector<200x256xi1>, vector<200x256xi32>
    %jit3A_1055 = arith.constant 2147483647 : i32
    %broadcast_in_dim3A_1056 = vector.broadcast %jit3A_1055 : i32 to vector<200x256xi32>
    %select_n3A_1057 = arith.select %eq3A_671, %broadcast_in_dim3A_1056, %select_n3A_520 : vector<200x256xi1>, vector<200x256xi32>
    %jit3A_1058 = arith.constant 2147483647 : i32
    %broadcast_in_dim3A_1059 = vector.broadcast %jit3A_1058 : i32 to vector<200x256xi32>
    %select_n3A_1060 = arith.select %eq3A_672, %broadcast_in_dim3A_1059, %select_n3A_523 : vector<200x256xi1>, vector<200x256xi32>
    %jit3A_1061 = arith.constant 2147483647 : i32
    %broadcast_in_dim3A_1062 = vector.broadcast %jit3A_1061 : i32 to vector<200x256xi32>
    %select_n3A_1063 = arith.select %eq3A_673, %broadcast_in_dim3A_1062, %select_n3A_526 : vector<200x256xi1>, vector<200x256xi32>
    %jit3A_1064 = arith.constant 2147483647 : i32
    %broadcast_in_dim3A_1065 = vector.broadcast %jit3A_1064 : i32 to vector<200x256xi32>
    %select_n3A_1066 = arith.select %eq3A_674, %broadcast_in_dim3A_1065, %select_n3A_529 : vector<200x256xi1>, vector<200x256xi32>
    %jit3A_1067 = arith.constant 2147483647 : i32
    %broadcast_in_dim3A_1068 = vector.broadcast %jit3A_1067 : i32 to vector<200x256xi32>
    %select_n3A_1069 = arith.select %eq3A_675, %broadcast_in_dim3A_1068, %select_n3A_532 : vector<200x256xi1>, vector<200x256xi32>
    %jit3A_1070 = arith.constant 2147483647 : i32
    %broadcast_in_dim3A_1071 = vector.broadcast %jit3A_1070 : i32 to vector<200x256xi32>
    %select_n3A_1072 = arith.select %eq3A_676, %broadcast_in_dim3A_1071, %select_n3A_535 : vector<200x256xi1>, vector<200x256xi32>
    %jit3A_1073 = arith.constant 2147483647 : i32
    %broadcast_in_dim3A_1074 = vector.broadcast %jit3A_1073 : i32 to vector<200x256xi32>
    %select_n3A_1075 = arith.select %eq3A_677, %broadcast_in_dim3A_1074, %select_n3A_538 : vector<200x256xi1>, vector<200x256xi32>
    %jit3A_1076 = arith.constant 2147483647 : i32
    %broadcast_in_dim3A_1077 = vector.broadcast %jit3A_1076 : i32 to vector<200x256xi32>
    %select_n3A_1078 = arith.select %eq3A_678, %broadcast_in_dim3A_1077, %select_n3A_541 : vector<200x256xi1>, vector<200x256xi32>
    %jit3A_1079 = arith.constant 2147483647 : i32
    %broadcast_in_dim3A_1080 = vector.broadcast %jit3A_1079 : i32 to vector<200x256xi32>
    %select_n3A_1081 = arith.select %eq3A_679, %broadcast_in_dim3A_1080, %select_n3A_544 : vector<200x256xi1>, vector<200x256xi32>
    %jit3A_1082 = arith.constant 2147483647 : i32
    %broadcast_in_dim3A_1083 = vector.broadcast %jit3A_1082 : i32 to vector<200x256xi32>
    %select_n3A_1084 = arith.select %eq3A_680, %broadcast_in_dim3A_1083, %select_n3A_547 : vector<200x256xi1>, vector<200x256xi32>
    %jit3A_1085 = arith.constant 2147483647 : i32
    %broadcast_in_dim3A_1086 = vector.broadcast %jit3A_1085 : i32 to vector<200x256xi32>
    %select_n3A_1087 = arith.select %eq3A_681, %broadcast_in_dim3A_1086, %select_n3A_550 : vector<200x256xi1>, vector<200x256xi32>
    %jit3A_1088 = arith.constant 2147483647 : i32
    %broadcast_in_dim3A_1089 = vector.broadcast %jit3A_1088 : i32 to vector<200x256xi32>
    %select_n3A_1090 = arith.select %eq3A_682, %broadcast_in_dim3A_1089, %select_n3A_553 : vector<200x256xi1>, vector<200x256xi32>
    %jit3A_1091 = arith.constant 2147483647 : i32
    %broadcast_in_dim3A_1092 = vector.broadcast %jit3A_1091 : i32 to vector<200x256xi32>
    %select_n3A_1093 = arith.select %eq3A_683, %broadcast_in_dim3A_1092, %select_n3A_556 : vector<200x256xi1>, vector<200x256xi32>
    %jit3A_1094 = arith.constant 2147483647 : i32
    %broadcast_in_dim3A_1095 = vector.broadcast %jit3A_1094 : i32 to vector<200x256xi32>
    %select_n3A_1096 = arith.select %eq3A_684, %broadcast_in_dim3A_1095, %select_n3A_559 : vector<200x256xi1>, vector<200x256xi32>
    %jit3A_1097 = arith.constant 2147483647 : i32
    %broadcast_in_dim3A_1098 = vector.broadcast %jit3A_1097 : i32 to vector<200x256xi32>
    %select_n3A_1099 = arith.select %eq3A_685, %broadcast_in_dim3A_1098, %select_n3A_562 : vector<200x256xi1>, vector<200x256xi32>
    %jit3A_1100 = arith.constant 2147483647 : i32
    %broadcast_in_dim3A_1101 = vector.broadcast %jit3A_1100 : i32 to vector<200x256xi32>
    %select_n3A_1102 = arith.select %eq3A_686, %broadcast_in_dim3A_1101, %select_n3A_565 : vector<200x256xi1>, vector<200x256xi32>
    %jit3A_1103 = arith.constant 2147483647 : i32
    %broadcast_in_dim3A_1104 = vector.broadcast %jit3A_1103 : i32 to vector<200x256xi32>
    %select_n3A_1105 = arith.select %eq3A_687, %broadcast_in_dim3A_1104, %select_n3A_568 : vector<200x256xi1>, vector<200x256xi32>
    %jit3A_1106 = arith.constant 2147483647 : i32
    %broadcast_in_dim3A_1107 = vector.broadcast %jit3A_1106 : i32 to vector<200x256xi32>
    %select_n3A_1108 = arith.select %eq3A_688, %broadcast_in_dim3A_1107, %select_n3A_571 : vector<200x256xi1>, vector<200x256xi32>
    %jit3A_1109 = arith.constant 2147483647 : i32
    %broadcast_in_dim3A_1110 = vector.broadcast %jit3A_1109 : i32 to vector<200x256xi32>
    %select_n3A_1111 = arith.select %eq3A_689, %broadcast_in_dim3A_1110, %select_n3A_574 : vector<200x256xi1>, vector<200x256xi32>
    %jit3A_1112 = arith.constant 2147483647 : i32
    %broadcast_in_dim3A_1113 = vector.broadcast %jit3A_1112 : i32 to vector<200x256xi32>
    %select_n3A_1114 = arith.select %eq3A_690, %broadcast_in_dim3A_1113, %select_n3A_577 : vector<200x256xi1>, vector<200x256xi32>
    %jit3A_1115 = arith.constant 2147483647 : i32
    %broadcast_in_dim3A_1116 = vector.broadcast %jit3A_1115 : i32 to vector<200x256xi32>
    %select_n3A_1117 = arith.select %eq3A_691, %broadcast_in_dim3A_1116, %select_n3A_580 : vector<200x256xi1>, vector<200x256xi32>
    %jit3A_1118 = arith.constant 2147483647 : i32
    %broadcast_in_dim3A_1119 = vector.broadcast %jit3A_1118 : i32 to vector<200x256xi32>
    %select_n3A_1120 = arith.select %eq3A_692, %broadcast_in_dim3A_1119, %select_n3A_583 : vector<200x256xi1>, vector<200x256xi32>
    %jit3A_1121 = arith.constant 2147483647 : i32
    %broadcast_in_dim3A_1122 = vector.broadcast %jit3A_1121 : i32 to vector<200x256xi32>
    %select_n3A_1123 = arith.select %eq3A_693, %broadcast_in_dim3A_1122, %select_n3A_586 : vector<200x256xi1>, vector<200x256xi32>
    %jit3A_1124 = arith.constant 2147483647 : i32
    %broadcast_in_dim3A_1125 = vector.broadcast %jit3A_1124 : i32 to vector<200x256xi32>
    %select_n3A_1126 = arith.select %eq3A_694, %broadcast_in_dim3A_1125, %select_n3A_589 : vector<200x256xi1>, vector<200x256xi32>
    %jit3A_1127 = arith.constant 2147483647 : i32
    %broadcast_in_dim3A_1128 = vector.broadcast %jit3A_1127 : i32 to vector<200x256xi32>
    %select_n3A_1129 = arith.select %eq3A_695, %broadcast_in_dim3A_1128, %select_n3A_592 : vector<200x256xi1>, vector<200x256xi32>
    %jit3A_1130 = arith.constant 2147483647 : i32
    %broadcast_in_dim3A_1131 = vector.broadcast %jit3A_1130 : i32 to vector<200x256xi32>
    %select_n3A_1132 = arith.select %eq3A_696, %broadcast_in_dim3A_1131, %select_n3A_595 : vector<200x256xi1>, vector<200x256xi32>
    %jit3A_1133 = arith.constant 2147483647 : i32
    %broadcast_in_dim3A_1134 = vector.broadcast %jit3A_1133 : i32 to vector<200x256xi32>
    %select_n3A_1135 = arith.select %eq3A_697, %broadcast_in_dim3A_1134, %select_n3A_598 : vector<200x256xi1>, vector<200x256xi32>
    %jit3A_1136 = arith.constant 2147483647 : i32
    %broadcast_in_dim3A_1137 = vector.broadcast %jit3A_1136 : i32 to vector<200x256xi32>
    %select_n3A_1138 = arith.select %eq3A_698, %broadcast_in_dim3A_1137, %select_n3A_601 : vector<200x256xi1>, vector<200x256xi32>
    %min3A_1139 = arith.minsi %select_n3A_994, %select_n3A_997 : vector<200x256xi32>
    %min3A_1140 = arith.minsi %select_n3A_1000, %select_n3A_1003 : vector<200x256xi32>
    %min3A_1141 = arith.minsi %select_n3A_1006, %select_n3A_1009 : vector<200x256xi32>
    %min3A_1142 = arith.minsi %select_n3A_1012, %select_n3A_1015 : vector<200x256xi32>
    %min3A_1143 = arith.minsi %select_n3A_1018, %select_n3A_1021 : vector<200x256xi32>
    %min3A_1144 = arith.minsi %select_n3A_1024, %select_n3A_1027 : vector<200x256xi32>
    %min3A_1145 = arith.minsi %select_n3A_1030, %select_n3A_1033 : vector<200x256xi32>
    %min3A_1146 = arith.minsi %select_n3A_1036, %select_n3A_1039 : vector<200x256xi32>
    %min3A_1147 = arith.minsi %select_n3A_1042, %select_n3A_1045 : vector<200x256xi32>
    %min3A_1148 = arith.minsi %select_n3A_1048, %select_n3A_1051 : vector<200x256xi32>
    %min3A_1149 = arith.minsi %select_n3A_1054, %select_n3A_1057 : vector<200x256xi32>
    %min3A_1150 = arith.minsi %select_n3A_1060, %select_n3A_1063 : vector<200x256xi32>
    %min3A_1151 = arith.minsi %select_n3A_1066, %select_n3A_1069 : vector<200x256xi32>
    %min3A_1152 = arith.minsi %select_n3A_1072, %select_n3A_1075 : vector<200x256xi32>
    %min3A_1153 = arith.minsi %select_n3A_1078, %select_n3A_1081 : vector<200x256xi32>
    %min3A_1154 = arith.minsi %select_n3A_1084, %select_n3A_1087 : vector<200x256xi32>
    %min3A_1155 = arith.minsi %select_n3A_1090, %select_n3A_1093 : vector<200x256xi32>
    %min3A_1156 = arith.minsi %select_n3A_1096, %select_n3A_1099 : vector<200x256xi32>
    %min3A_1157 = arith.minsi %select_n3A_1102, %select_n3A_1105 : vector<200x256xi32>
    %min3A_1158 = arith.minsi %select_n3A_1108, %select_n3A_1111 : vector<200x256xi32>
    %min3A_1159 = arith.minsi %select_n3A_1114, %select_n3A_1117 : vector<200x256xi32>
    %min3A_1160 = arith.minsi %select_n3A_1120, %select_n3A_1123 : vector<200x256xi32>
    %min3A_1161 = arith.minsi %select_n3A_1126, %select_n3A_1129 : vector<200x256xi32>
    %min3A_1162 = arith.minsi %select_n3A_1132, %select_n3A_1135 : vector<200x256xi32>
    %min3A_1163 = arith.minsi %min3A_1139, %min3A_1140 : vector<200x256xi32>
    %min3A_1164 = arith.minsi %min3A_1141, %min3A_1142 : vector<200x256xi32>
    %min3A_1165 = arith.minsi %min3A_1143, %min3A_1144 : vector<200x256xi32>
    %min3A_1166 = arith.minsi %min3A_1145, %min3A_1146 : vector<200x256xi32>
    %min3A_1167 = arith.minsi %min3A_1147, %min3A_1148 : vector<200x256xi32>
    %min3A_1168 = arith.minsi %min3A_1149, %min3A_1150 : vector<200x256xi32>
    %min3A_1169 = arith.minsi %min3A_1151, %min3A_1152 : vector<200x256xi32>
    %min3A_1170 = arith.minsi %min3A_1153, %min3A_1154 : vector<200x256xi32>
    %min3A_1171 = arith.minsi %min3A_1155, %min3A_1156 : vector<200x256xi32>
    %min3A_1172 = arith.minsi %min3A_1157, %min3A_1158 : vector<200x256xi32>
    %min3A_1173 = arith.minsi %min3A_1159, %min3A_1160 : vector<200x256xi32>
    %min3A_1174 = arith.minsi %min3A_1161, %min3A_1162 : vector<200x256xi32>
    %min3A_1175 = arith.minsi %min3A_1163, %min3A_1164 : vector<200x256xi32>
    %min3A_1176 = arith.minsi %min3A_1165, %min3A_1166 : vector<200x256xi32>
    %min3A_1177 = arith.minsi %min3A_1167, %min3A_1168 : vector<200x256xi32>
    %min3A_1178 = arith.minsi %min3A_1169, %min3A_1170 : vector<200x256xi32>
    %min3A_1179 = arith.minsi %min3A_1171, %min3A_1172 : vector<200x256xi32>
    %min3A_1180 = arith.minsi %min3A_1173, %min3A_1174 : vector<200x256xi32>
    %min3A_1181 = arith.minsi %min3A_1175, %min3A_1176 : vector<200x256xi32>
    %min3A_1182 = arith.minsi %min3A_1177, %min3A_1178 : vector<200x256xi32>
    %min3A_1183 = arith.minsi %min3A_1179, %min3A_1180 : vector<200x256xi32>
    %min3A_1184 = arith.minsi %min3A_1181, %min3A_1182 : vector<200x256xi32>
    %min3A_1185 = arith.minsi %min3A_1183, %select_n3A_1138 : vector<200x256xi32>
    %min3A_1186 = arith.minsi %min3A_1184, %min3A_1185 : vector<200x256xi32>
    %eq3A_1187 = arith.cmpi eq, %select_n3A_994, %min3A_1186 : vector<200x256xi32>
    %eq3A_1188 = arith.cmpi eq, %select_n3A_997, %min3A_1186 : vector<200x256xi32>
    %eq3A_1189 = arith.cmpi eq, %select_n3A_1000, %min3A_1186 : vector<200x256xi32>
    %eq3A_1190 = arith.cmpi eq, %select_n3A_1003, %min3A_1186 : vector<200x256xi32>
    %eq3A_1191 = arith.cmpi eq, %select_n3A_1006, %min3A_1186 : vector<200x256xi32>
    %eq3A_1192 = arith.cmpi eq, %select_n3A_1009, %min3A_1186 : vector<200x256xi32>
    %eq3A_1193 = arith.cmpi eq, %select_n3A_1012, %min3A_1186 : vector<200x256xi32>
    %eq3A_1194 = arith.cmpi eq, %select_n3A_1015, %min3A_1186 : vector<200x256xi32>
    %eq3A_1195 = arith.cmpi eq, %select_n3A_1018, %min3A_1186 : vector<200x256xi32>
    %eq3A_1196 = arith.cmpi eq, %select_n3A_1021, %min3A_1186 : vector<200x256xi32>
    %eq3A_1197 = arith.cmpi eq, %select_n3A_1024, %min3A_1186 : vector<200x256xi32>
    %eq3A_1198 = arith.cmpi eq, %select_n3A_1027, %min3A_1186 : vector<200x256xi32>
    %eq3A_1199 = arith.cmpi eq, %select_n3A_1030, %min3A_1186 : vector<200x256xi32>
    %eq3A_1200 = arith.cmpi eq, %select_n3A_1033, %min3A_1186 : vector<200x256xi32>
    %eq3A_1201 = arith.cmpi eq, %select_n3A_1036, %min3A_1186 : vector<200x256xi32>
    %eq3A_1202 = arith.cmpi eq, %select_n3A_1039, %min3A_1186 : vector<200x256xi32>
    %eq3A_1203 = arith.cmpi eq, %select_n3A_1042, %min3A_1186 : vector<200x256xi32>
    %eq3A_1204 = arith.cmpi eq, %select_n3A_1045, %min3A_1186 : vector<200x256xi32>
    %eq3A_1205 = arith.cmpi eq, %select_n3A_1048, %min3A_1186 : vector<200x256xi32>
    %eq3A_1206 = arith.cmpi eq, %select_n3A_1051, %min3A_1186 : vector<200x256xi32>
    %eq3A_1207 = arith.cmpi eq, %select_n3A_1054, %min3A_1186 : vector<200x256xi32>
    %eq3A_1208 = arith.cmpi eq, %select_n3A_1057, %min3A_1186 : vector<200x256xi32>
    %eq3A_1209 = arith.cmpi eq, %select_n3A_1060, %min3A_1186 : vector<200x256xi32>
    %eq3A_1210 = arith.cmpi eq, %select_n3A_1063, %min3A_1186 : vector<200x256xi32>
    %eq3A_1211 = arith.cmpi eq, %select_n3A_1066, %min3A_1186 : vector<200x256xi32>
    %eq3A_1212 = arith.cmpi eq, %select_n3A_1069, %min3A_1186 : vector<200x256xi32>
    %eq3A_1213 = arith.cmpi eq, %select_n3A_1072, %min3A_1186 : vector<200x256xi32>
    %eq3A_1214 = arith.cmpi eq, %select_n3A_1075, %min3A_1186 : vector<200x256xi32>
    %eq3A_1215 = arith.cmpi eq, %select_n3A_1078, %min3A_1186 : vector<200x256xi32>
    %eq3A_1216 = arith.cmpi eq, %select_n3A_1081, %min3A_1186 : vector<200x256xi32>
    %eq3A_1217 = arith.cmpi eq, %select_n3A_1084, %min3A_1186 : vector<200x256xi32>
    %eq3A_1218 = arith.cmpi eq, %select_n3A_1087, %min3A_1186 : vector<200x256xi32>
    %eq3A_1219 = arith.cmpi eq, %select_n3A_1090, %min3A_1186 : vector<200x256xi32>
    %eq3A_1220 = arith.cmpi eq, %select_n3A_1093, %min3A_1186 : vector<200x256xi32>
    %eq3A_1221 = arith.cmpi eq, %select_n3A_1096, %min3A_1186 : vector<200x256xi32>
    %eq3A_1222 = arith.cmpi eq, %select_n3A_1099, %min3A_1186 : vector<200x256xi32>
    %eq3A_1223 = arith.cmpi eq, %select_n3A_1102, %min3A_1186 : vector<200x256xi32>
    %eq3A_1224 = arith.cmpi eq, %select_n3A_1105, %min3A_1186 : vector<200x256xi32>
    %eq3A_1225 = arith.cmpi eq, %select_n3A_1108, %min3A_1186 : vector<200x256xi32>
    %eq3A_1226 = arith.cmpi eq, %select_n3A_1111, %min3A_1186 : vector<200x256xi32>
    %eq3A_1227 = arith.cmpi eq, %select_n3A_1114, %min3A_1186 : vector<200x256xi32>
    %eq3A_1228 = arith.cmpi eq, %select_n3A_1117, %min3A_1186 : vector<200x256xi32>
    %eq3A_1229 = arith.cmpi eq, %select_n3A_1120, %min3A_1186 : vector<200x256xi32>
    %eq3A_1230 = arith.cmpi eq, %select_n3A_1123, %min3A_1186 : vector<200x256xi32>
    %eq3A_1231 = arith.cmpi eq, %select_n3A_1126, %min3A_1186 : vector<200x256xi32>
    %eq3A_1232 = arith.cmpi eq, %select_n3A_1129, %min3A_1186 : vector<200x256xi32>
    %eq3A_1233 = arith.cmpi eq, %select_n3A_1132, %min3A_1186 : vector<200x256xi32>
    %eq3A_1234 = arith.cmpi eq, %select_n3A_1135, %min3A_1186 : vector<200x256xi32>
    %eq3A_1235 = arith.cmpi eq, %select_n3A_1138, %min3A_1186 : vector<200x256xi32>
    %jit3A_1236 = arith.constant 0 : i32
    %jit3A_1237 = arith.constant 2147483647 : i32
    %broadcast_in_dim3A_1238 = vector.broadcast %jit3A_1236 : i32 to vector<200x256xi32>
    %broadcast_in_dim3A_1239 = vector.broadcast %jit3A_1237 : i32 to vector<200x256xi32>
    %select_n3A_1240 = arith.select %eq3A_1187, %broadcast_in_dim3A_1238, %broadcast_in_dim3A_1239 : vector<200x256xi1>, vector<200x256xi32>
    %jit3A_1241 = arith.constant 1 : i32
    %jit3A_1242 = arith.constant 2147483647 : i32
    %broadcast_in_dim3A_1243 = vector.broadcast %jit3A_1241 : i32 to vector<200x256xi32>
    %broadcast_in_dim3A_1244 = vector.broadcast %jit3A_1242 : i32 to vector<200x256xi32>
    %select_n3A_1245 = arith.select %eq3A_1188, %broadcast_in_dim3A_1243, %broadcast_in_dim3A_1244 : vector<200x256xi1>, vector<200x256xi32>
    %jit3A_1246 = arith.constant 2 : i32
    %jit3A_1247 = arith.constant 2147483647 : i32
    %broadcast_in_dim3A_1248 = vector.broadcast %jit3A_1246 : i32 to vector<200x256xi32>
    %broadcast_in_dim3A_1249 = vector.broadcast %jit3A_1247 : i32 to vector<200x256xi32>
    %select_n3A_1250 = arith.select %eq3A_1189, %broadcast_in_dim3A_1248, %broadcast_in_dim3A_1249 : vector<200x256xi1>, vector<200x256xi32>
    %jit3A_1251 = arith.constant 3 : i32
    %jit3A_1252 = arith.constant 2147483647 : i32
    %broadcast_in_dim3A_1253 = vector.broadcast %jit3A_1251 : i32 to vector<200x256xi32>
    %broadcast_in_dim3A_1254 = vector.broadcast %jit3A_1252 : i32 to vector<200x256xi32>
    %select_n3A_1255 = arith.select %eq3A_1190, %broadcast_in_dim3A_1253, %broadcast_in_dim3A_1254 : vector<200x256xi1>, vector<200x256xi32>
    %jit3A_1256 = arith.constant 4 : i32
    %jit3A_1257 = arith.constant 2147483647 : i32
    %broadcast_in_dim3A_1258 = vector.broadcast %jit3A_1256 : i32 to vector<200x256xi32>
    %broadcast_in_dim3A_1259 = vector.broadcast %jit3A_1257 : i32 to vector<200x256xi32>
    %select_n3A_1260 = arith.select %eq3A_1191, %broadcast_in_dim3A_1258, %broadcast_in_dim3A_1259 : vector<200x256xi1>, vector<200x256xi32>
    %jit3A_1261 = arith.constant 5 : i32
    %jit3A_1262 = arith.constant 2147483647 : i32
    %broadcast_in_dim3A_1263 = vector.broadcast %jit3A_1261 : i32 to vector<200x256xi32>
    %broadcast_in_dim3A_1264 = vector.broadcast %jit3A_1262 : i32 to vector<200x256xi32>
    %select_n3A_1265 = arith.select %eq3A_1192, %broadcast_in_dim3A_1263, %broadcast_in_dim3A_1264 : vector<200x256xi1>, vector<200x256xi32>
    %jit3A_1266 = arith.constant 6 : i32
    %jit3A_1267 = arith.constant 2147483647 : i32
    %broadcast_in_dim3A_1268 = vector.broadcast %jit3A_1266 : i32 to vector<200x256xi32>
    %broadcast_in_dim3A_1269 = vector.broadcast %jit3A_1267 : i32 to vector<200x256xi32>
    %select_n3A_1270 = arith.select %eq3A_1193, %broadcast_in_dim3A_1268, %broadcast_in_dim3A_1269 : vector<200x256xi1>, vector<200x256xi32>
    %jit3A_1271 = arith.constant 7 : i32
    %jit3A_1272 = arith.constant 2147483647 : i32
    %broadcast_in_dim3A_1273 = vector.broadcast %jit3A_1271 : i32 to vector<200x256xi32>
    %broadcast_in_dim3A_1274 = vector.broadcast %jit3A_1272 : i32 to vector<200x256xi32>
    %select_n3A_1275 = arith.select %eq3A_1194, %broadcast_in_dim3A_1273, %broadcast_in_dim3A_1274 : vector<200x256xi1>, vector<200x256xi32>
    %jit3A_1276 = arith.constant 8 : i32
    %jit3A_1277 = arith.constant 2147483647 : i32
    %broadcast_in_dim3A_1278 = vector.broadcast %jit3A_1276 : i32 to vector<200x256xi32>
    %broadcast_in_dim3A_1279 = vector.broadcast %jit3A_1277 : i32 to vector<200x256xi32>
    %select_n3A_1280 = arith.select %eq3A_1195, %broadcast_in_dim3A_1278, %broadcast_in_dim3A_1279 : vector<200x256xi1>, vector<200x256xi32>
    %jit3A_1281 = arith.constant 9 : i32
    %jit3A_1282 = arith.constant 2147483647 : i32
    %broadcast_in_dim3A_1283 = vector.broadcast %jit3A_1281 : i32 to vector<200x256xi32>
    %broadcast_in_dim3A_1284 = vector.broadcast %jit3A_1282 : i32 to vector<200x256xi32>
    %select_n3A_1285 = arith.select %eq3A_1196, %broadcast_in_dim3A_1283, %broadcast_in_dim3A_1284 : vector<200x256xi1>, vector<200x256xi32>
    %jit3A_1286 = arith.constant 10 : i32
    %jit3A_1287 = arith.constant 2147483647 : i32
    %broadcast_in_dim3A_1288 = vector.broadcast %jit3A_1286 : i32 to vector<200x256xi32>
    %broadcast_in_dim3A_1289 = vector.broadcast %jit3A_1287 : i32 to vector<200x256xi32>
    %select_n3A_1290 = arith.select %eq3A_1197, %broadcast_in_dim3A_1288, %broadcast_in_dim3A_1289 : vector<200x256xi1>, vector<200x256xi32>
    %jit3A_1291 = arith.constant 11 : i32
    %jit3A_1292 = arith.constant 2147483647 : i32
    %broadcast_in_dim3A_1293 = vector.broadcast %jit3A_1291 : i32 to vector<200x256xi32>
    %broadcast_in_dim3A_1294 = vector.broadcast %jit3A_1292 : i32 to vector<200x256xi32>
    %select_n3A_1295 = arith.select %eq3A_1198, %broadcast_in_dim3A_1293, %broadcast_in_dim3A_1294 : vector<200x256xi1>, vector<200x256xi32>
    %jit3A_1296 = arith.constant 12 : i32
    %jit3A_1297 = arith.constant 2147483647 : i32
    %broadcast_in_dim3A_1298 = vector.broadcast %jit3A_1296 : i32 to vector<200x256xi32>
    %broadcast_in_dim3A_1299 = vector.broadcast %jit3A_1297 : i32 to vector<200x256xi32>
    %select_n3A_1300 = arith.select %eq3A_1199, %broadcast_in_dim3A_1298, %broadcast_in_dim3A_1299 : vector<200x256xi1>, vector<200x256xi32>
    %jit3A_1301 = arith.constant 13 : i32
    %jit3A_1302 = arith.constant 2147483647 : i32
    %broadcast_in_dim3A_1303 = vector.broadcast %jit3A_1301 : i32 to vector<200x256xi32>
    %broadcast_in_dim3A_1304 = vector.broadcast %jit3A_1302 : i32 to vector<200x256xi32>
    %select_n3A_1305 = arith.select %eq3A_1200, %broadcast_in_dim3A_1303, %broadcast_in_dim3A_1304 : vector<200x256xi1>, vector<200x256xi32>
    %jit3A_1306 = arith.constant 14 : i32
    %jit3A_1307 = arith.constant 2147483647 : i32
    %broadcast_in_dim3A_1308 = vector.broadcast %jit3A_1306 : i32 to vector<200x256xi32>
    %broadcast_in_dim3A_1309 = vector.broadcast %jit3A_1307 : i32 to vector<200x256xi32>
    %select_n3A_1310 = arith.select %eq3A_1201, %broadcast_in_dim3A_1308, %broadcast_in_dim3A_1309 : vector<200x256xi1>, vector<200x256xi32>
    %jit3A_1311 = arith.constant 15 : i32
    %jit3A_1312 = arith.constant 2147483647 : i32
    %broadcast_in_dim3A_1313 = vector.broadcast %jit3A_1311 : i32 to vector<200x256xi32>
    %broadcast_in_dim3A_1314 = vector.broadcast %jit3A_1312 : i32 to vector<200x256xi32>
    %select_n3A_1315 = arith.select %eq3A_1202, %broadcast_in_dim3A_1313, %broadcast_in_dim3A_1314 : vector<200x256xi1>, vector<200x256xi32>
    %jit3A_1316 = arith.constant 16 : i32
    %jit3A_1317 = arith.constant 2147483647 : i32
    %broadcast_in_dim3A_1318 = vector.broadcast %jit3A_1316 : i32 to vector<200x256xi32>
    %broadcast_in_dim3A_1319 = vector.broadcast %jit3A_1317 : i32 to vector<200x256xi32>
    %select_n3A_1320 = arith.select %eq3A_1203, %broadcast_in_dim3A_1318, %broadcast_in_dim3A_1319 : vector<200x256xi1>, vector<200x256xi32>
    %jit3A_1321 = arith.constant 17 : i32
    %jit3A_1322 = arith.constant 2147483647 : i32
    %broadcast_in_dim3A_1323 = vector.broadcast %jit3A_1321 : i32 to vector<200x256xi32>
    %broadcast_in_dim3A_1324 = vector.broadcast %jit3A_1322 : i32 to vector<200x256xi32>
    %select_n3A_1325 = arith.select %eq3A_1204, %broadcast_in_dim3A_1323, %broadcast_in_dim3A_1324 : vector<200x256xi1>, vector<200x256xi32>
    %jit3A_1326 = arith.constant 18 : i32
    %jit3A_1327 = arith.constant 2147483647 : i32
    %broadcast_in_dim3A_1328 = vector.broadcast %jit3A_1326 : i32 to vector<200x256xi32>
    %broadcast_in_dim3A_1329 = vector.broadcast %jit3A_1327 : i32 to vector<200x256xi32>
    %select_n3A_1330 = arith.select %eq3A_1205, %broadcast_in_dim3A_1328, %broadcast_in_dim3A_1329 : vector<200x256xi1>, vector<200x256xi32>
    %jit3A_1331 = arith.constant 19 : i32
    %jit3A_1332 = arith.constant 2147483647 : i32
    %broadcast_in_dim3A_1333 = vector.broadcast %jit3A_1331 : i32 to vector<200x256xi32>
    %broadcast_in_dim3A_1334 = vector.broadcast %jit3A_1332 : i32 to vector<200x256xi32>
    %select_n3A_1335 = arith.select %eq3A_1206, %broadcast_in_dim3A_1333, %broadcast_in_dim3A_1334 : vector<200x256xi1>, vector<200x256xi32>
    %jit3A_1336 = arith.constant 20 : i32
    %jit3A_1337 = arith.constant 2147483647 : i32
    %broadcast_in_dim3A_1338 = vector.broadcast %jit3A_1336 : i32 to vector<200x256xi32>
    %broadcast_in_dim3A_1339 = vector.broadcast %jit3A_1337 : i32 to vector<200x256xi32>
    %select_n3A_1340 = arith.select %eq3A_1207, %broadcast_in_dim3A_1338, %broadcast_in_dim3A_1339 : vector<200x256xi1>, vector<200x256xi32>
    %jit3A_1341 = arith.constant 21 : i32
    %jit3A_1342 = arith.constant 2147483647 : i32
    %broadcast_in_dim3A_1343 = vector.broadcast %jit3A_1341 : i32 to vector<200x256xi32>
    %broadcast_in_dim3A_1344 = vector.broadcast %jit3A_1342 : i32 to vector<200x256xi32>
    %select_n3A_1345 = arith.select %eq3A_1208, %broadcast_in_dim3A_1343, %broadcast_in_dim3A_1344 : vector<200x256xi1>, vector<200x256xi32>
    %jit3A_1346 = arith.constant 22 : i32
    %jit3A_1347 = arith.constant 2147483647 : i32
    %broadcast_in_dim3A_1348 = vector.broadcast %jit3A_1346 : i32 to vector<200x256xi32>
    %broadcast_in_dim3A_1349 = vector.broadcast %jit3A_1347 : i32 to vector<200x256xi32>
    %select_n3A_1350 = arith.select %eq3A_1209, %broadcast_in_dim3A_1348, %broadcast_in_dim3A_1349 : vector<200x256xi1>, vector<200x256xi32>
    %jit3A_1351 = arith.constant 23 : i32
    %jit3A_1352 = arith.constant 2147483647 : i32
    %broadcast_in_dim3A_1353 = vector.broadcast %jit3A_1351 : i32 to vector<200x256xi32>
    %broadcast_in_dim3A_1354 = vector.broadcast %jit3A_1352 : i32 to vector<200x256xi32>
    %select_n3A_1355 = arith.select %eq3A_1210, %broadcast_in_dim3A_1353, %broadcast_in_dim3A_1354 : vector<200x256xi1>, vector<200x256xi32>
    %jit3A_1356 = arith.constant 24 : i32
    %jit3A_1357 = arith.constant 2147483647 : i32
    %broadcast_in_dim3A_1358 = vector.broadcast %jit3A_1356 : i32 to vector<200x256xi32>
    %broadcast_in_dim3A_1359 = vector.broadcast %jit3A_1357 : i32 to vector<200x256xi32>
    %select_n3A_1360 = arith.select %eq3A_1211, %broadcast_in_dim3A_1358, %broadcast_in_dim3A_1359 : vector<200x256xi1>, vector<200x256xi32>
    %jit3A_1361 = arith.constant 25 : i32
    %jit3A_1362 = arith.constant 2147483647 : i32
    %broadcast_in_dim3A_1363 = vector.broadcast %jit3A_1361 : i32 to vector<200x256xi32>
    %broadcast_in_dim3A_1364 = vector.broadcast %jit3A_1362 : i32 to vector<200x256xi32>
    %select_n3A_1365 = arith.select %eq3A_1212, %broadcast_in_dim3A_1363, %broadcast_in_dim3A_1364 : vector<200x256xi1>, vector<200x256xi32>
    %jit3A_1366 = arith.constant 26 : i32
    %jit3A_1367 = arith.constant 2147483647 : i32
    %broadcast_in_dim3A_1368 = vector.broadcast %jit3A_1366 : i32 to vector<200x256xi32>
    %broadcast_in_dim3A_1369 = vector.broadcast %jit3A_1367 : i32 to vector<200x256xi32>
    %select_n3A_1370 = arith.select %eq3A_1213, %broadcast_in_dim3A_1368, %broadcast_in_dim3A_1369 : vector<200x256xi1>, vector<200x256xi32>
    %jit3A_1371 = arith.constant 27 : i32
    %jit3A_1372 = arith.constant 2147483647 : i32
    %broadcast_in_dim3A_1373 = vector.broadcast %jit3A_1371 : i32 to vector<200x256xi32>
    %broadcast_in_dim3A_1374 = vector.broadcast %jit3A_1372 : i32 to vector<200x256xi32>
    %select_n3A_1375 = arith.select %eq3A_1214, %broadcast_in_dim3A_1373, %broadcast_in_dim3A_1374 : vector<200x256xi1>, vector<200x256xi32>
    %jit3A_1376 = arith.constant 28 : i32
    %jit3A_1377 = arith.constant 2147483647 : i32
    %broadcast_in_dim3A_1378 = vector.broadcast %jit3A_1376 : i32 to vector<200x256xi32>
    %broadcast_in_dim3A_1379 = vector.broadcast %jit3A_1377 : i32 to vector<200x256xi32>
    %select_n3A_1380 = arith.select %eq3A_1215, %broadcast_in_dim3A_1378, %broadcast_in_dim3A_1379 : vector<200x256xi1>, vector<200x256xi32>
    %jit3A_1381 = arith.constant 29 : i32
    %jit3A_1382 = arith.constant 2147483647 : i32
    %broadcast_in_dim3A_1383 = vector.broadcast %jit3A_1381 : i32 to vector<200x256xi32>
    %broadcast_in_dim3A_1384 = vector.broadcast %jit3A_1382 : i32 to vector<200x256xi32>
    %select_n3A_1385 = arith.select %eq3A_1216, %broadcast_in_dim3A_1383, %broadcast_in_dim3A_1384 : vector<200x256xi1>, vector<200x256xi32>
    %jit3A_1386 = arith.constant 30 : i32
    %jit3A_1387 = arith.constant 2147483647 : i32
    %broadcast_in_dim3A_1388 = vector.broadcast %jit3A_1386 : i32 to vector<200x256xi32>
    %broadcast_in_dim3A_1389 = vector.broadcast %jit3A_1387 : i32 to vector<200x256xi32>
    %select_n3A_1390 = arith.select %eq3A_1217, %broadcast_in_dim3A_1388, %broadcast_in_dim3A_1389 : vector<200x256xi1>, vector<200x256xi32>
    %jit3A_1391 = arith.constant 31 : i32
    %jit3A_1392 = arith.constant 2147483647 : i32
    %broadcast_in_dim3A_1393 = vector.broadcast %jit3A_1391 : i32 to vector<200x256xi32>
    %broadcast_in_dim3A_1394 = vector.broadcast %jit3A_1392 : i32 to vector<200x256xi32>
    %select_n3A_1395 = arith.select %eq3A_1218, %broadcast_in_dim3A_1393, %broadcast_in_dim3A_1394 : vector<200x256xi1>, vector<200x256xi32>
    %jit3A_1396 = arith.constant 32 : i32
    %jit3A_1397 = arith.constant 2147483647 : i32
    %broadcast_in_dim3A_1398 = vector.broadcast %jit3A_1396 : i32 to vector<200x256xi32>
    %broadcast_in_dim3A_1399 = vector.broadcast %jit3A_1397 : i32 to vector<200x256xi32>
    %select_n3A_1400 = arith.select %eq3A_1219, %broadcast_in_dim3A_1398, %broadcast_in_dim3A_1399 : vector<200x256xi1>, vector<200x256xi32>
    %jit3A_1401 = arith.constant 33 : i32
    %jit3A_1402 = arith.constant 2147483647 : i32
    %broadcast_in_dim3A_1403 = vector.broadcast %jit3A_1401 : i32 to vector<200x256xi32>
    %broadcast_in_dim3A_1404 = vector.broadcast %jit3A_1402 : i32 to vector<200x256xi32>
    %select_n3A_1405 = arith.select %eq3A_1220, %broadcast_in_dim3A_1403, %broadcast_in_dim3A_1404 : vector<200x256xi1>, vector<200x256xi32>
    %jit3A_1406 = arith.constant 34 : i32
    %jit3A_1407 = arith.constant 2147483647 : i32
    %broadcast_in_dim3A_1408 = vector.broadcast %jit3A_1406 : i32 to vector<200x256xi32>
    %broadcast_in_dim3A_1409 = vector.broadcast %jit3A_1407 : i32 to vector<200x256xi32>
    %select_n3A_1410 = arith.select %eq3A_1221, %broadcast_in_dim3A_1408, %broadcast_in_dim3A_1409 : vector<200x256xi1>, vector<200x256xi32>
    %jit3A_1411 = arith.constant 35 : i32
    %jit3A_1412 = arith.constant 2147483647 : i32
    %broadcast_in_dim3A_1413 = vector.broadcast %jit3A_1411 : i32 to vector<200x256xi32>
    %broadcast_in_dim3A_1414 = vector.broadcast %jit3A_1412 : i32 to vector<200x256xi32>
    %select_n3A_1415 = arith.select %eq3A_1222, %broadcast_in_dim3A_1413, %broadcast_in_dim3A_1414 : vector<200x256xi1>, vector<200x256xi32>
    %jit3A_1416 = arith.constant 36 : i32
    %jit3A_1417 = arith.constant 2147483647 : i32
    %broadcast_in_dim3A_1418 = vector.broadcast %jit3A_1416 : i32 to vector<200x256xi32>
    %broadcast_in_dim3A_1419 = vector.broadcast %jit3A_1417 : i32 to vector<200x256xi32>
    %select_n3A_1420 = arith.select %eq3A_1223, %broadcast_in_dim3A_1418, %broadcast_in_dim3A_1419 : vector<200x256xi1>, vector<200x256xi32>
    %jit3A_1421 = arith.constant 37 : i32
    %jit3A_1422 = arith.constant 2147483647 : i32
    %broadcast_in_dim3A_1423 = vector.broadcast %jit3A_1421 : i32 to vector<200x256xi32>
    %broadcast_in_dim3A_1424 = vector.broadcast %jit3A_1422 : i32 to vector<200x256xi32>
    %select_n3A_1425 = arith.select %eq3A_1224, %broadcast_in_dim3A_1423, %broadcast_in_dim3A_1424 : vector<200x256xi1>, vector<200x256xi32>
    %jit3A_1426 = arith.constant 38 : i32
    %jit3A_1427 = arith.constant 2147483647 : i32
    %broadcast_in_dim3A_1428 = vector.broadcast %jit3A_1426 : i32 to vector<200x256xi32>
    %broadcast_in_dim3A_1429 = vector.broadcast %jit3A_1427 : i32 to vector<200x256xi32>
    %select_n3A_1430 = arith.select %eq3A_1225, %broadcast_in_dim3A_1428, %broadcast_in_dim3A_1429 : vector<200x256xi1>, vector<200x256xi32>
    %jit3A_1431 = arith.constant 39 : i32
    %jit3A_1432 = arith.constant 2147483647 : i32
    %broadcast_in_dim3A_1433 = vector.broadcast %jit3A_1431 : i32 to vector<200x256xi32>
    %broadcast_in_dim3A_1434 = vector.broadcast %jit3A_1432 : i32 to vector<200x256xi32>
    %select_n3A_1435 = arith.select %eq3A_1226, %broadcast_in_dim3A_1433, %broadcast_in_dim3A_1434 : vector<200x256xi1>, vector<200x256xi32>
    %jit3A_1436 = arith.constant 40 : i32
    %jit3A_1437 = arith.constant 2147483647 : i32
    %broadcast_in_dim3A_1438 = vector.broadcast %jit3A_1436 : i32 to vector<200x256xi32>
    %broadcast_in_dim3A_1439 = vector.broadcast %jit3A_1437 : i32 to vector<200x256xi32>
    %select_n3A_1440 = arith.select %eq3A_1227, %broadcast_in_dim3A_1438, %broadcast_in_dim3A_1439 : vector<200x256xi1>, vector<200x256xi32>
    %jit3A_1441 = arith.constant 41 : i32
    %jit3A_1442 = arith.constant 2147483647 : i32
    %broadcast_in_dim3A_1443 = vector.broadcast %jit3A_1441 : i32 to vector<200x256xi32>
    %broadcast_in_dim3A_1444 = vector.broadcast %jit3A_1442 : i32 to vector<200x256xi32>
    %select_n3A_1445 = arith.select %eq3A_1228, %broadcast_in_dim3A_1443, %broadcast_in_dim3A_1444 : vector<200x256xi1>, vector<200x256xi32>
    %jit3A_1446 = arith.constant 42 : i32
    %jit3A_1447 = arith.constant 2147483647 : i32
    %broadcast_in_dim3A_1448 = vector.broadcast %jit3A_1446 : i32 to vector<200x256xi32>
    %broadcast_in_dim3A_1449 = vector.broadcast %jit3A_1447 : i32 to vector<200x256xi32>
    %select_n3A_1450 = arith.select %eq3A_1229, %broadcast_in_dim3A_1448, %broadcast_in_dim3A_1449 : vector<200x256xi1>, vector<200x256xi32>
    %jit3A_1451 = arith.constant 43 : i32
    %jit3A_1452 = arith.constant 2147483647 : i32
    %broadcast_in_dim3A_1453 = vector.broadcast %jit3A_1451 : i32 to vector<200x256xi32>
    %broadcast_in_dim3A_1454 = vector.broadcast %jit3A_1452 : i32 to vector<200x256xi32>
    %select_n3A_1455 = arith.select %eq3A_1230, %broadcast_in_dim3A_1453, %broadcast_in_dim3A_1454 : vector<200x256xi1>, vector<200x256xi32>
    %jit3A_1456 = arith.constant 44 : i32
    %jit3A_1457 = arith.constant 2147483647 : i32
    %broadcast_in_dim3A_1458 = vector.broadcast %jit3A_1456 : i32 to vector<200x256xi32>
    %broadcast_in_dim3A_1459 = vector.broadcast %jit3A_1457 : i32 to vector<200x256xi32>
    %select_n3A_1460 = arith.select %eq3A_1231, %broadcast_in_dim3A_1458, %broadcast_in_dim3A_1459 : vector<200x256xi1>, vector<200x256xi32>
    %jit3A_1461 = arith.constant 45 : i32
    %jit3A_1462 = arith.constant 2147483647 : i32
    %broadcast_in_dim3A_1463 = vector.broadcast %jit3A_1461 : i32 to vector<200x256xi32>
    %broadcast_in_dim3A_1464 = vector.broadcast %jit3A_1462 : i32 to vector<200x256xi32>
    %select_n3A_1465 = arith.select %eq3A_1232, %broadcast_in_dim3A_1463, %broadcast_in_dim3A_1464 : vector<200x256xi1>, vector<200x256xi32>
    %jit3A_1466 = arith.constant 46 : i32
    %jit3A_1467 = arith.constant 2147483647 : i32
    %broadcast_in_dim3A_1468 = vector.broadcast %jit3A_1466 : i32 to vector<200x256xi32>
    %broadcast_in_dim3A_1469 = vector.broadcast %jit3A_1467 : i32 to vector<200x256xi32>
    %select_n3A_1470 = arith.select %eq3A_1233, %broadcast_in_dim3A_1468, %broadcast_in_dim3A_1469 : vector<200x256xi1>, vector<200x256xi32>
    %jit3A_1471 = arith.constant 47 : i32
    %jit3A_1472 = arith.constant 2147483647 : i32
    %broadcast_in_dim3A_1473 = vector.broadcast %jit3A_1471 : i32 to vector<200x256xi32>
    %broadcast_in_dim3A_1474 = vector.broadcast %jit3A_1472 : i32 to vector<200x256xi32>
    %select_n3A_1475 = arith.select %eq3A_1234, %broadcast_in_dim3A_1473, %broadcast_in_dim3A_1474 : vector<200x256xi1>, vector<200x256xi32>
    %jit3A_1476 = arith.constant 48 : i32
    %jit3A_1477 = arith.constant 2147483647 : i32
    %broadcast_in_dim3A_1478 = vector.broadcast %jit3A_1476 : i32 to vector<200x256xi32>
    %broadcast_in_dim3A_1479 = vector.broadcast %jit3A_1477 : i32 to vector<200x256xi32>
    %select_n3A_1480 = arith.select %eq3A_1235, %broadcast_in_dim3A_1478, %broadcast_in_dim3A_1479 : vector<200x256xi1>, vector<200x256xi32>
    %min3A_1481 = arith.minsi %select_n3A_1240, %select_n3A_1245 : vector<200x256xi32>
    %min3A_1482 = arith.minsi %select_n3A_1250, %select_n3A_1255 : vector<200x256xi32>
    %min3A_1483 = arith.minsi %select_n3A_1260, %select_n3A_1265 : vector<200x256xi32>
    %min3A_1484 = arith.minsi %select_n3A_1270, %select_n3A_1275 : vector<200x256xi32>
    %min3A_1485 = arith.minsi %select_n3A_1280, %select_n3A_1285 : vector<200x256xi32>
    %min3A_1486 = arith.minsi %select_n3A_1290, %select_n3A_1295 : vector<200x256xi32>
    %min3A_1487 = arith.minsi %select_n3A_1300, %select_n3A_1305 : vector<200x256xi32>
    %min3A_1488 = arith.minsi %select_n3A_1310, %select_n3A_1315 : vector<200x256xi32>
    %min3A_1489 = arith.minsi %select_n3A_1320, %select_n3A_1325 : vector<200x256xi32>
    %min3A_1490 = arith.minsi %select_n3A_1330, %select_n3A_1335 : vector<200x256xi32>
    %min3A_1491 = arith.minsi %select_n3A_1340, %select_n3A_1345 : vector<200x256xi32>
    %min3A_1492 = arith.minsi %select_n3A_1350, %select_n3A_1355 : vector<200x256xi32>
    %min3A_1493 = arith.minsi %select_n3A_1360, %select_n3A_1365 : vector<200x256xi32>
    %min3A_1494 = arith.minsi %select_n3A_1370, %select_n3A_1375 : vector<200x256xi32>
    %min3A_1495 = arith.minsi %select_n3A_1380, %select_n3A_1385 : vector<200x256xi32>
    %min3A_1496 = arith.minsi %select_n3A_1390, %select_n3A_1395 : vector<200x256xi32>
    %min3A_1497 = arith.minsi %select_n3A_1400, %select_n3A_1405 : vector<200x256xi32>
    %min3A_1498 = arith.minsi %select_n3A_1410, %select_n3A_1415 : vector<200x256xi32>
    %min3A_1499 = arith.minsi %select_n3A_1420, %select_n3A_1425 : vector<200x256xi32>
    %min3A_1500 = arith.minsi %select_n3A_1430, %select_n3A_1435 : vector<200x256xi32>
    %min3A_1501 = arith.minsi %select_n3A_1440, %select_n3A_1445 : vector<200x256xi32>
    %min3A_1502 = arith.minsi %select_n3A_1450, %select_n3A_1455 : vector<200x256xi32>
    %min3A_1503 = arith.minsi %select_n3A_1460, %select_n3A_1465 : vector<200x256xi32>
    %min3A_1504 = arith.minsi %select_n3A_1470, %select_n3A_1475 : vector<200x256xi32>
    %min3A_1505 = arith.minsi %min3A_1481, %min3A_1482 : vector<200x256xi32>
    %min3A_1506 = arith.minsi %min3A_1483, %min3A_1484 : vector<200x256xi32>
    %min3A_1507 = arith.minsi %min3A_1485, %min3A_1486 : vector<200x256xi32>
    %min3A_1508 = arith.minsi %min3A_1487, %min3A_1488 : vector<200x256xi32>
    %min3A_1509 = arith.minsi %min3A_1489, %min3A_1490 : vector<200x256xi32>
    %min3A_1510 = arith.minsi %min3A_1491, %min3A_1492 : vector<200x256xi32>
    %min3A_1511 = arith.minsi %min3A_1493, %min3A_1494 : vector<200x256xi32>
    %min3A_1512 = arith.minsi %min3A_1495, %min3A_1496 : vector<200x256xi32>
    %min3A_1513 = arith.minsi %min3A_1497, %min3A_1498 : vector<200x256xi32>
    %min3A_1514 = arith.minsi %min3A_1499, %min3A_1500 : vector<200x256xi32>
    %min3A_1515 = arith.minsi %min3A_1501, %min3A_1502 : vector<200x256xi32>
    %min3A_1516 = arith.minsi %min3A_1503, %min3A_1504 : vector<200x256xi32>
    %min3A_1517 = arith.minsi %min3A_1505, %min3A_1506 : vector<200x256xi32>
    %min3A_1518 = arith.minsi %min3A_1507, %min3A_1508 : vector<200x256xi32>
    %min3A_1519 = arith.minsi %min3A_1509, %min3A_1510 : vector<200x256xi32>
    %min3A_1520 = arith.minsi %min3A_1511, %min3A_1512 : vector<200x256xi32>
    %min3A_1521 = arith.minsi %min3A_1513, %min3A_1514 : vector<200x256xi32>
    %min3A_1522 = arith.minsi %min3A_1515, %min3A_1516 : vector<200x256xi32>
    %min3A_1523 = arith.minsi %min3A_1517, %min3A_1518 : vector<200x256xi32>
    %min3A_1524 = arith.minsi %min3A_1519, %min3A_1520 : vector<200x256xi32>
    %min3A_1525 = arith.minsi %min3A_1521, %min3A_1522 : vector<200x256xi32>
    %min3A_1526 = arith.minsi %min3A_1523, %min3A_1524 : vector<200x256xi32>
    %min3A_1527 = arith.minsi %min3A_1525, %select_n3A_1480 : vector<200x256xi32>
    %min3A_1528 = arith.minsi %min3A_1526, %min3A_1527 : vector<200x256xi32>
    %concatenate3A = tpu.concatenate %min3A_116, %min3A_649, %min3A_1186 in 1 : vector<200x256xi32>, vector<200x256xi32>, vector<200x256xi32> -> vector<200x768xi32>
    %concatenate3A_1529 = tpu.concatenate %min3A_454, %min3A_991, %min3A_1528 in 1 : vector<200x256xi32>, vector<200x256xi32>, vector<200x256xi32> -> vector<200x768xi32>
    %iota3A = tpu.iota {dimensions = array<i32: 1>} : vector<200x768xi32>
    %reduce_min3A = arith.constant dense<2147483647> : vector<200xi32>
    %reduce_min3A_1530 = vector.multi_reduction <minsi>, %concatenate3A, %reduce_min3A [1] : vector<200x768xi32> to vector<200xi32>
    %broadcast_in_dim3A_1531 = vector.shape_cast %reduce_min3A_1530 : vector<200xi32> to vector<200x1xi32>
    %eq3A_1532 = vector.broadcast %broadcast_in_dim3A_1531 : vector<200x1xi32> to vector<200x768xi32>
    %eq3A_1533 = arith.cmpi eq, %concatenate3A, %eq3A_1532 : vector<200x768xi32>
    %jit3A_1534 = arith.constant 2147483647 : i32
    %broadcast_in_dim3A_1535 = vector.broadcast %jit3A_1534 : i32 to vector<200x768xi32>
    %select_n3A_1536 = arith.select %eq3A_1533, %iota3A, %broadcast_in_dim3A_1535 : vector<200x768xi1>, vector<200x768xi32>
    %reduce_min3A_1537 = arith.constant dense<2147483647> : vector<200xi32>
    %reduce_min3A_1538 = vector.multi_reduction <minsi>, %select_n3A_1536, %reduce_min3A_1537 [1] : vector<200x768xi32> to vector<200xi32>
    %broadcast_in_dim3A_1539 = vector.shape_cast %reduce_min3A_1538 : vector<200xi32> to vector<200x1xi32>
    %eq3A_1540 = vector.broadcast %broadcast_in_dim3A_1539 : vector<200x1xi32> to vector<200x768xi32>
    %eq3A_1541 = arith.cmpi eq, %iota3A, %eq3A_1540 : vector<200x768xi32>
    %jit3A_1542 = arith.constant 2147483647 : i32
    %broadcast_in_dim3A_1543 = vector.broadcast %jit3A_1542 : i32 to vector<200x768xi32>
    %select_n3A_1544 = arith.select %eq3A_1541, %concatenate3A_1529, %broadcast_in_dim3A_1543 : vector<200x768xi1>, vector<200x768xi32>
    %reduce_min3A_1545 = arith.constant dense<2147483647> : vector<200xi32>
    %reduce_min3A_1546 = vector.multi_reduction <minsi>, %select_n3A_1544, %reduce_min3A_1545 [1] : vector<200x768xi32> to vector<200xi32>
    %broadcast_in_dim3A_1547 = vector.shape_cast %reduce_min3A_1546 : vector<200xi32> to vector<200x1xi32>
    %jit3A_1548 = arith.constant 2147483647 : i32
    %broadcast_in_dim3A_1549 = vector.broadcast %jit3A_1548 : i32 to vector<200x768xi32>
    %select_n3A_1550 = arith.select %eq3A_1541, %broadcast_in_dim3A_1549, %concatenate3A : vector<200x768xi1>, vector<200x768xi32>
    %mul3A_1551 = arith.constant 256 : i32
    %mul3A_1552 = vector.broadcast %mul3A_1551 : i32 to vector<200x1xi32>
    %mul3A_1553 = arith.muli %broadcast_in_dim3A_1547, %mul3A_1552 : vector<200x1xi32>
    %and3A = arith.constant 255 : i32
    %and3A_1554 = vector.broadcast %and3A : i32 to vector<200x1xi32>
    %and3A_1555 = arith.andi %broadcast_in_dim3A_1539, %and3A_1554 : vector<200x1xi32>
    %add3A_1556 = arith.addi %mul3A_1553, %and3A_1555 : vector<200x1xi32>
    %reduce_min3A_1557 = arith.constant dense<2147483647> : vector<200xi32>
    %reduce_min3A_1558 = vector.multi_reduction <minsi>, %select_n3A_1550, %reduce_min3A_1557 [1] : vector<200x768xi32> to vector<200xi32>
    %broadcast_in_dim3A_1559 = vector.shape_cast %reduce_min3A_1558 : vector<200xi32> to vector<200x1xi32>
    %eq3A_1560 = vector.broadcast %broadcast_in_dim3A_1559 : vector<200x1xi32> to vector<200x768xi32>
    %eq3A_1561 = arith.cmpi eq, %select_n3A_1550, %eq3A_1560 : vector<200x768xi32>
    %jit3A_1562 = arith.constant 2147483647 : i32
    %broadcast_in_dim3A_1563 = vector.broadcast %jit3A_1562 : i32 to vector<200x768xi32>
    %select_n3A_1564 = arith.select %eq3A_1561, %iota3A, %broadcast_in_dim3A_1563 : vector<200x768xi1>, vector<200x768xi32>
    %reduce_min3A_1565 = arith.constant dense<2147483647> : vector<200xi32>
    %reduce_min3A_1566 = vector.multi_reduction <minsi>, %select_n3A_1564, %reduce_min3A_1565 [1] : vector<200x768xi32> to vector<200xi32>
    %broadcast_in_dim3A_1567 = vector.shape_cast %reduce_min3A_1566 : vector<200xi32> to vector<200x1xi32>
    %eq3A_1568 = vector.broadcast %broadcast_in_dim3A_1567 : vector<200x1xi32> to vector<200x768xi32>
    %eq3A_1569 = arith.cmpi eq, %iota3A, %eq3A_1568 : vector<200x768xi32>
    %jit3A_1570 = arith.constant 2147483647 : i32
    %broadcast_in_dim3A_1571 = vector.broadcast %jit3A_1570 : i32 to vector<200x768xi32>
    %select_n3A_1572 = arith.select %eq3A_1569, %concatenate3A_1529, %broadcast_in_dim3A_1571 : vector<200x768xi1>, vector<200x768xi32>
    %reduce_min3A_1573 = arith.constant dense<2147483647> : vector<200xi32>
    %reduce_min3A_1574 = vector.multi_reduction <minsi>, %select_n3A_1572, %reduce_min3A_1573 [1] : vector<200x768xi32> to vector<200xi32>
    %broadcast_in_dim3A_1575 = vector.shape_cast %reduce_min3A_1574 : vector<200xi32> to vector<200x1xi32>
    %jit3A_1576 = arith.constant 2147483647 : i32
    %broadcast_in_dim3A_1577 = vector.broadcast %jit3A_1576 : i32 to vector<200x768xi32>
    %select_n3A_1578 = arith.select %eq3A_1569, %broadcast_in_dim3A_1577, %select_n3A_1550 : vector<200x768xi1>, vector<200x768xi32>
    %mul3A_1579 = arith.constant 256 : i32
    %mul3A_1580 = vector.broadcast %mul3A_1579 : i32 to vector<200x1xi32>
    %mul3A_1581 = arith.muli %broadcast_in_dim3A_1575, %mul3A_1580 : vector<200x1xi32>
    %and3A_1582 = arith.constant 255 : i32
    %and3A_1583 = vector.broadcast %and3A_1582 : i32 to vector<200x1xi32>
    %and3A_1584 = arith.andi %broadcast_in_dim3A_1567, %and3A_1583 : vector<200x1xi32>
    %add3A_1585 = arith.addi %mul3A_1581, %and3A_1584 : vector<200x1xi32>
    %reduce_min3A_1586 = arith.constant dense<2147483647> : vector<200xi32>
    %reduce_min3A_1587 = vector.multi_reduction <minsi>, %select_n3A_1578, %reduce_min3A_1586 [1] : vector<200x768xi32> to vector<200xi32>
    %broadcast_in_dim3A_1588 = vector.shape_cast %reduce_min3A_1587 : vector<200xi32> to vector<200x1xi32>
    %eq3A_1589 = vector.broadcast %broadcast_in_dim3A_1588 : vector<200x1xi32> to vector<200x768xi32>
    %eq3A_1590 = arith.cmpi eq, %select_n3A_1578, %eq3A_1589 : vector<200x768xi32>
    %jit3A_1591 = arith.constant 2147483647 : i32
    %broadcast_in_dim3A_1592 = vector.broadcast %jit3A_1591 : i32 to vector<200x768xi32>
    %select_n3A_1593 = arith.select %eq3A_1590, %iota3A, %broadcast_in_dim3A_1592 : vector<200x768xi1>, vector<200x768xi32>
    %reduce_min3A_1594 = arith.constant dense<2147483647> : vector<200xi32>
    %reduce_min3A_1595 = vector.multi_reduction <minsi>, %select_n3A_1593, %reduce_min3A_1594 [1] : vector<200x768xi32> to vector<200xi32>
    %broadcast_in_dim3A_1596 = vector.shape_cast %reduce_min3A_1595 : vector<200xi32> to vector<200x1xi32>
    %eq3A_1597 = vector.broadcast %broadcast_in_dim3A_1596 : vector<200x1xi32> to vector<200x768xi32>
    %eq3A_1598 = arith.cmpi eq, %iota3A, %eq3A_1597 : vector<200x768xi32>
    %jit3A_1599 = arith.constant 2147483647 : i32
    %broadcast_in_dim3A_1600 = vector.broadcast %jit3A_1599 : i32 to vector<200x768xi32>
    %select_n3A_1601 = arith.select %eq3A_1598, %concatenate3A_1529, %broadcast_in_dim3A_1600 : vector<200x768xi1>, vector<200x768xi32>
    %reduce_min3A_1602 = arith.constant dense<2147483647> : vector<200xi32>
    %reduce_min3A_1603 = vector.multi_reduction <minsi>, %select_n3A_1601, %reduce_min3A_1602 [1] : vector<200x768xi32> to vector<200xi32>
    %broadcast_in_dim3A_1604 = vector.shape_cast %reduce_min3A_1603 : vector<200xi32> to vector<200x1xi32>
    %jit3A_1605 = arith.constant 2147483647 : i32
    %broadcast_in_dim3A_1606 = vector.broadcast %jit3A_1605 : i32 to vector<200x768xi32>
    %select_n3A_1607 = arith.select %eq3A_1598, %broadcast_in_dim3A_1606, %select_n3A_1578 : vector<200x768xi1>, vector<200x768xi32>
    %mul3A_1608 = arith.constant 256 : i32
    %mul3A_1609 = vector.broadcast %mul3A_1608 : i32 to vector<200x1xi32>
    %mul3A_1610 = arith.muli %broadcast_in_dim3A_1604, %mul3A_1609 : vector<200x1xi32>
    %and3A_1611 = arith.constant 255 : i32
    %and3A_1612 = vector.broadcast %and3A_1611 : i32 to vector<200x1xi32>
    %and3A_1613 = arith.andi %broadcast_in_dim3A_1596, %and3A_1612 : vector<200x1xi32>
    %add3A_1614 = arith.addi %mul3A_1610, %and3A_1613 : vector<200x1xi32>
    %reduce_min3A_1615 = arith.constant dense<2147483647> : vector<200xi32>
    %reduce_min3A_1616 = vector.multi_reduction <minsi>, %select_n3A_1607, %reduce_min3A_1615 [1] : vector<200x768xi32> to vector<200xi32>
    %broadcast_in_dim3A_1617 = vector.shape_cast %reduce_min3A_1616 : vector<200xi32> to vector<200x1xi32>
    %eq3A_1618 = vector.broadcast %broadcast_in_dim3A_1617 : vector<200x1xi32> to vector<200x768xi32>
    %eq3A_1619 = arith.cmpi eq, %select_n3A_1607, %eq3A_1618 : vector<200x768xi32>
    %jit3A_1620 = arith.constant 2147483647 : i32
    %broadcast_in_dim3A_1621 = vector.broadcast %jit3A_1620 : i32 to vector<200x768xi32>
    %select_n3A_1622 = arith.select %eq3A_1619, %iota3A, %broadcast_in_dim3A_1621 : vector<200x768xi1>, vector<200x768xi32>
    %reduce_min3A_1623 = arith.constant dense<2147483647> : vector<200xi32>
    %reduce_min3A_1624 = vector.multi_reduction <minsi>, %select_n3A_1622, %reduce_min3A_1623 [1] : vector<200x768xi32> to vector<200xi32>
    %broadcast_in_dim3A_1625 = vector.shape_cast %reduce_min3A_1624 : vector<200xi32> to vector<200x1xi32>
    %eq3A_1626 = vector.broadcast %broadcast_in_dim3A_1625 : vector<200x1xi32> to vector<200x768xi32>
    %eq3A_1627 = arith.cmpi eq, %iota3A, %eq3A_1626 : vector<200x768xi32>
    %jit3A_1628 = arith.constant 2147483647 : i32
    %broadcast_in_dim3A_1629 = vector.broadcast %jit3A_1628 : i32 to vector<200x768xi32>
    %select_n3A_1630 = arith.select %eq3A_1627, %concatenate3A_1529, %broadcast_in_dim3A_1629 : vector<200x768xi1>, vector<200x768xi32>
    %reduce_min3A_1631 = arith.constant dense<2147483647> : vector<200xi32>
    %reduce_min3A_1632 = vector.multi_reduction <minsi>, %select_n3A_1630, %reduce_min3A_1631 [1] : vector<200x768xi32> to vector<200xi32>
    %broadcast_in_dim3A_1633 = vector.shape_cast %reduce_min3A_1632 : vector<200xi32> to vector<200x1xi32>
    %jit3A_1634 = arith.constant 2147483647 : i32
    %broadcast_in_dim3A_1635 = vector.broadcast %jit3A_1634 : i32 to vector<200x768xi32>
    %select_n3A_1636 = arith.select %eq3A_1627, %broadcast_in_dim3A_1635, %select_n3A_1607 : vector<200x768xi1>, vector<200x768xi32>
    %mul3A_1637 = arith.constant 256 : i32
    %mul3A_1638 = vector.broadcast %mul3A_1637 : i32 to vector<200x1xi32>
    %mul3A_1639 = arith.muli %broadcast_in_dim3A_1633, %mul3A_1638 : vector<200x1xi32>
    %and3A_1640 = arith.constant 255 : i32
    %and3A_1641 = vector.broadcast %and3A_1640 : i32 to vector<200x1xi32>
    %and3A_1642 = arith.andi %broadcast_in_dim3A_1625, %and3A_1641 : vector<200x1xi32>
    %add3A_1643 = arith.addi %mul3A_1639, %and3A_1642 : vector<200x1xi32>
    %reduce_min3A_1644 = arith.constant dense<2147483647> : vector<200xi32>
    %reduce_min3A_1645 = vector.multi_reduction <minsi>, %select_n3A_1636, %reduce_min3A_1644 [1] : vector<200x768xi32> to vector<200xi32>
    %broadcast_in_dim3A_1646 = vector.shape_cast %reduce_min3A_1645 : vector<200xi32> to vector<200x1xi32>
    %eq3A_1647 = vector.broadcast %broadcast_in_dim3A_1646 : vector<200x1xi32> to vector<200x768xi32>
    %eq3A_1648 = arith.cmpi eq, %select_n3A_1636, %eq3A_1647 : vector<200x768xi32>
    %jit3A_1649 = arith.constant 2147483647 : i32
    %broadcast_in_dim3A_1650 = vector.broadcast %jit3A_1649 : i32 to vector<200x768xi32>
    %select_n3A_1651 = arith.select %eq3A_1648, %iota3A, %broadcast_in_dim3A_1650 : vector<200x768xi1>, vector<200x768xi32>
    %reduce_min3A_1652 = arith.constant dense<2147483647> : vector<200xi32>
    %reduce_min3A_1653 = vector.multi_reduction <minsi>, %select_n3A_1651, %reduce_min3A_1652 [1] : vector<200x768xi32> to vector<200xi32>
    %broadcast_in_dim3A_1654 = vector.shape_cast %reduce_min3A_1653 : vector<200xi32> to vector<200x1xi32>
    %eq3A_1655 = vector.broadcast %broadcast_in_dim3A_1654 : vector<200x1xi32> to vector<200x768xi32>
    %eq3A_1656 = arith.cmpi eq, %iota3A, %eq3A_1655 : vector<200x768xi32>
    %jit3A_1657 = arith.constant 2147483647 : i32
    %broadcast_in_dim3A_1658 = vector.broadcast %jit3A_1657 : i32 to vector<200x768xi32>
    %select_n3A_1659 = arith.select %eq3A_1656, %concatenate3A_1529, %broadcast_in_dim3A_1658 : vector<200x768xi1>, vector<200x768xi32>
    %reduce_min3A_1660 = arith.constant dense<2147483647> : vector<200xi32>
    %reduce_min3A_1661 = vector.multi_reduction <minsi>, %select_n3A_1659, %reduce_min3A_1660 [1] : vector<200x768xi32> to vector<200xi32>
    %broadcast_in_dim3A_1662 = vector.shape_cast %reduce_min3A_1661 : vector<200xi32> to vector<200x1xi32>
    %jit3A_1663 = arith.constant 2147483647 : i32
    %broadcast_in_dim3A_1664 = vector.broadcast %jit3A_1663 : i32 to vector<200x768xi32>
    %select_n3A_1665 = arith.select %eq3A_1656, %broadcast_in_dim3A_1664, %select_n3A_1636 : vector<200x768xi1>, vector<200x768xi32>
    %mul3A_1666 = arith.constant 256 : i32
    %mul3A_1667 = vector.broadcast %mul3A_1666 : i32 to vector<200x1xi32>
    %mul3A_1668 = arith.muli %broadcast_in_dim3A_1662, %mul3A_1667 : vector<200x1xi32>
    %and3A_1669 = arith.constant 255 : i32
    %and3A_1670 = vector.broadcast %and3A_1669 : i32 to vector<200x1xi32>
    %and3A_1671 = arith.andi %broadcast_in_dim3A_1654, %and3A_1670 : vector<200x1xi32>
    %add3A_1672 = arith.addi %mul3A_1668, %and3A_1671 : vector<200x1xi32>
    %reduce_min3A_1673 = arith.constant dense<2147483647> : vector<200xi32>
    %reduce_min3A_1674 = vector.multi_reduction <minsi>, %select_n3A_1665, %reduce_min3A_1673 [1] : vector<200x768xi32> to vector<200xi32>
    %broadcast_in_dim3A_1675 = vector.shape_cast %reduce_min3A_1674 : vector<200xi32> to vector<200x1xi32>
    %eq3A_1676 = vector.broadcast %broadcast_in_dim3A_1675 : vector<200x1xi32> to vector<200x768xi32>
    %eq3A_1677 = arith.cmpi eq, %select_n3A_1665, %eq3A_1676 : vector<200x768xi32>
    %jit3A_1678 = arith.constant 2147483647 : i32
    %broadcast_in_dim3A_1679 = vector.broadcast %jit3A_1678 : i32 to vector<200x768xi32>
    %select_n3A_1680 = arith.select %eq3A_1677, %iota3A, %broadcast_in_dim3A_1679 : vector<200x768xi1>, vector<200x768xi32>
    %reduce_min3A_1681 = arith.constant dense<2147483647> : vector<200xi32>
    %reduce_min3A_1682 = vector.multi_reduction <minsi>, %select_n3A_1680, %reduce_min3A_1681 [1] : vector<200x768xi32> to vector<200xi32>
    %broadcast_in_dim3A_1683 = vector.shape_cast %reduce_min3A_1682 : vector<200xi32> to vector<200x1xi32>
    %eq3A_1684 = vector.broadcast %broadcast_in_dim3A_1683 : vector<200x1xi32> to vector<200x768xi32>
    %eq3A_1685 = arith.cmpi eq, %iota3A, %eq3A_1684 : vector<200x768xi32>
    %jit3A_1686 = arith.constant 2147483647 : i32
    %broadcast_in_dim3A_1687 = vector.broadcast %jit3A_1686 : i32 to vector<200x768xi32>
    %select_n3A_1688 = arith.select %eq3A_1685, %concatenate3A_1529, %broadcast_in_dim3A_1687 : vector<200x768xi1>, vector<200x768xi32>
    %reduce_min3A_1689 = arith.constant dense<2147483647> : vector<200xi32>
    %reduce_min3A_1690 = vector.multi_reduction <minsi>, %select_n3A_1688, %reduce_min3A_1689 [1] : vector<200x768xi32> to vector<200xi32>
    %broadcast_in_dim3A_1691 = vector.shape_cast %reduce_min3A_1690 : vector<200xi32> to vector<200x1xi32>
    %jit3A_1692 = arith.constant 2147483647 : i32
    %broadcast_in_dim3A_1693 = vector.broadcast %jit3A_1692 : i32 to vector<200x768xi32>
    %select_n3A_1694 = arith.select %eq3A_1685, %broadcast_in_dim3A_1693, %select_n3A_1665 : vector<200x768xi1>, vector<200x768xi32>
    %mul3A_1695 = arith.constant 256 : i32
    %mul3A_1696 = vector.broadcast %mul3A_1695 : i32 to vector<200x1xi32>
    %mul3A_1697 = arith.muli %broadcast_in_dim3A_1691, %mul3A_1696 : vector<200x1xi32>
    %and3A_1698 = arith.constant 255 : i32
    %and3A_1699 = vector.broadcast %and3A_1698 : i32 to vector<200x1xi32>
    %and3A_1700 = arith.andi %broadcast_in_dim3A_1683, %and3A_1699 : vector<200x1xi32>
    %add3A_1701 = arith.addi %mul3A_1697, %and3A_1700 : vector<200x1xi32>
    %reduce_min3A_1702 = arith.constant dense<2147483647> : vector<200xi32>
    %reduce_min3A_1703 = vector.multi_reduction <minsi>, %select_n3A_1694, %reduce_min3A_1702 [1] : vector<200x768xi32> to vector<200xi32>
    %broadcast_in_dim3A_1704 = vector.shape_cast %reduce_min3A_1703 : vector<200xi32> to vector<200x1xi32>
    %eq3A_1705 = vector.broadcast %broadcast_in_dim3A_1704 : vector<200x1xi32> to vector<200x768xi32>
    %eq3A_1706 = arith.cmpi eq, %select_n3A_1694, %eq3A_1705 : vector<200x768xi32>
    %jit3A_1707 = arith.constant 2147483647 : i32
    %broadcast_in_dim3A_1708 = vector.broadcast %jit3A_1707 : i32 to vector<200x768xi32>
    %select_n3A_1709 = arith.select %eq3A_1706, %iota3A, %broadcast_in_dim3A_1708 : vector<200x768xi1>, vector<200x768xi32>
    %reduce_min3A_1710 = arith.constant dense<2147483647> : vector<200xi32>
    %reduce_min3A_1711 = vector.multi_reduction <minsi>, %select_n3A_1709, %reduce_min3A_1710 [1] : vector<200x768xi32> to vector<200xi32>
    %broadcast_in_dim3A_1712 = vector.shape_cast %reduce_min3A_1711 : vector<200xi32> to vector<200x1xi32>
    %eq3A_1713 = vector.broadcast %broadcast_in_dim3A_1712 : vector<200x1xi32> to vector<200x768xi32>
    %eq3A_1714 = arith.cmpi eq, %iota3A, %eq3A_1713 : vector<200x768xi32>
    %jit3A_1715 = arith.constant 2147483647 : i32
    %broadcast_in_dim3A_1716 = vector.broadcast %jit3A_1715 : i32 to vector<200x768xi32>
    %select_n3A_1717 = arith.select %eq3A_1714, %concatenate3A_1529, %broadcast_in_dim3A_1716 : vector<200x768xi1>, vector<200x768xi32>
    %reduce_min3A_1718 = arith.constant dense<2147483647> : vector<200xi32>
    %reduce_min3A_1719 = vector.multi_reduction <minsi>, %select_n3A_1717, %reduce_min3A_1718 [1] : vector<200x768xi32> to vector<200xi32>
    %broadcast_in_dim3A_1720 = vector.shape_cast %reduce_min3A_1719 : vector<200xi32> to vector<200x1xi32>
    %jit3A_1721 = arith.constant 2147483647 : i32
    %broadcast_in_dim3A_1722 = vector.broadcast %jit3A_1721 : i32 to vector<200x768xi32>
    %select_n3A_1723 = arith.select %eq3A_1714, %broadcast_in_dim3A_1722, %select_n3A_1694 : vector<200x768xi1>, vector<200x768xi32>
    %mul3A_1724 = arith.constant 256 : i32
    %mul3A_1725 = vector.broadcast %mul3A_1724 : i32 to vector<200x1xi32>
    %mul3A_1726 = arith.muli %broadcast_in_dim3A_1720, %mul3A_1725 : vector<200x1xi32>
    %and3A_1727 = arith.constant 255 : i32
    %and3A_1728 = vector.broadcast %and3A_1727 : i32 to vector<200x1xi32>
    %and3A_1729 = arith.andi %broadcast_in_dim3A_1712, %and3A_1728 : vector<200x1xi32>
    %add3A_1730 = arith.addi %mul3A_1726, %and3A_1729 : vector<200x1xi32>
    %reduce_min3A_1731 = arith.constant dense<2147483647> : vector<200xi32>
    %reduce_min3A_1732 = vector.multi_reduction <minsi>, %select_n3A_1723, %reduce_min3A_1731 [1] : vector<200x768xi32> to vector<200xi32>
    %broadcast_in_dim3A_1733 = vector.shape_cast %reduce_min3A_1732 : vector<200xi32> to vector<200x1xi32>
    %eq3A_1734 = vector.broadcast %broadcast_in_dim3A_1733 : vector<200x1xi32> to vector<200x768xi32>
    %eq3A_1735 = arith.cmpi eq, %select_n3A_1723, %eq3A_1734 : vector<200x768xi32>
    %jit3A_1736 = arith.constant 2147483647 : i32
    %broadcast_in_dim3A_1737 = vector.broadcast %jit3A_1736 : i32 to vector<200x768xi32>
    %select_n3A_1738 = arith.select %eq3A_1735, %iota3A, %broadcast_in_dim3A_1737 : vector<200x768xi1>, vector<200x768xi32>
    %reduce_min3A_1739 = arith.constant dense<2147483647> : vector<200xi32>
    %reduce_min3A_1740 = vector.multi_reduction <minsi>, %select_n3A_1738, %reduce_min3A_1739 [1] : vector<200x768xi32> to vector<200xi32>
    %broadcast_in_dim3A_1741 = vector.shape_cast %reduce_min3A_1740 : vector<200xi32> to vector<200x1xi32>
    %eq3A_1742 = vector.broadcast %broadcast_in_dim3A_1741 : vector<200x1xi32> to vector<200x768xi32>
    %eq3A_1743 = arith.cmpi eq, %iota3A, %eq3A_1742 : vector<200x768xi32>
    %jit3A_1744 = arith.constant 2147483647 : i32
    %broadcast_in_dim3A_1745 = vector.broadcast %jit3A_1744 : i32 to vector<200x768xi32>
    %select_n3A_1746 = arith.select %eq3A_1743, %concatenate3A_1529, %broadcast_in_dim3A_1745 : vector<200x768xi1>, vector<200x768xi32>
    %reduce_min3A_1747 = arith.constant dense<2147483647> : vector<200xi32>
    %reduce_min3A_1748 = vector.multi_reduction <minsi>, %select_n3A_1746, %reduce_min3A_1747 [1] : vector<200x768xi32> to vector<200xi32>
    %broadcast_in_dim3A_1749 = vector.shape_cast %reduce_min3A_1748 : vector<200xi32> to vector<200x1xi32>
    %mul3A_1750 = arith.constant 256 : i32
    %mul3A_1751 = vector.broadcast %mul3A_1750 : i32 to vector<200x1xi32>
    %mul3A_1752 = arith.muli %broadcast_in_dim3A_1749, %mul3A_1751 : vector<200x1xi32>
    %and3A_1753 = arith.constant 255 : i32
    %and3A_1754 = vector.broadcast %and3A_1753 : i32 to vector<200x1xi32>
    %and3A_1755 = arith.andi %broadcast_in_dim3A_1741, %and3A_1754 : vector<200x1xi32>
    %add3A_1756 = arith.addi %mul3A_1752, %and3A_1755 : vector<200x1xi32>
    %concatenate3A_1757 = tpu.concatenate %add3A_1556, %add3A_1585, %add3A_1614, %add3A_1643, %add3A_1672, %add3A_1701, %add3A_1730, %add3A_1756 in 1 : vector<200x1xi32>, vector<200x1xi32>, vector<200x1xi32>, vector<200x1xi32>, vector<200x1xi32>, vector<200x1xi32>, vector<200x1xi32>, vector<200x1xi32> -> vector<200x8xi32>
    %swap3A = arith.constant 0 : index
    %swap3A_1758 = arith.constant 0 : index
    %swap3A_1759 = vector.load %arg3[%swap3A, %swap3A_1758] : memref<200x8xi32, #tpu.memory_space<vmem>>, vector<200x8xi32>
    tpu.vector_store %arg3[%swap3A, %swap3A_1758], %concatenate3A_1757 {strides = array<i32>} : memref<200x8xi32, #tpu.memory_space<vmem>>, vector<200x8xi32>,
    return
  }
  func.func @transform_0(%arg0: i32) -> (i32, i32) {
    %c0_i32 = arith.constant 0 : i32
    %c0_i32_0 = arith.constant 0 : i32
    return %arg0, %c0_i32 : i32, i32
  }
  func.func @transform_1(%arg0: i32) -> (i32, i32) {
    %c0_i32 = arith.constant 0 : i32
    %c0_i32_0 = arith.constant 0 : i32
    %c0_i32_1 = arith.constant 0 : i32
    return %c0_i32, %c0_i32_0 : i32, i32
  }
  func.func @transform_2(%arg0: i32) -> (i32, i32) {
    %c0_i32 = arith.constant 0 : i32
    %c0_i32_0 = arith.constant 0 : i32
    return %arg0, %c0_i32 : i32, i32
  }
}

module attributes {stable_mosaic.version = 14 : i64} {
  func.func @_tbl_body(%arg0: i32, %arg1: memref<1568x128xf32, #tpu.memory_space<vmem>>, %arg2: memref<1568x8xf32, #tpu.memory_space<vmem>>, %arg3: memref<8x128xf32, #tpu.memory_space<vmem>>, %arg4: memref<1568x256xf32, #tpu.memory_space<vmem>>) attributes {dimension_semantics = [#tpu.dimension_semantics<arbitrary>], iteration_bounds = array<i64: 8>, scalar_prefetch = 0 : i64, scratch_operands = 0 : i64, tpu.core_type = #tpu.core_type<tc>, window_params = [{transform_indices = @transform_0, window_bounds = array<i64: 1568, 128>}, {transform_indices = @transform_1, window_bounds = array<i64: 1568, 8>}, {pipeline_mode = #tpu.pipeline_mode<synchronous>, transform_indices = @transform_2, window_bounds = array<i64: 8, 128>}, {transform_indices = @transform_3, window_bounds = array<i64: 1568, 256>}]} {
    %get3A = arith.constant 0 : index
    %get3A_0 = arith.constant 0 : index
    %get3A_1 = vector.load %arg1[%get3A, %get3A_0] : memref<1568x128xf32, #tpu.memory_space<vmem>>, vector<1568x128xf32>
    %swap3A = arith.constant 0 : index
    %swap3A_2 = arith.constant 0 : index
    %swap3A_3 = vector.load %arg4[%swap3A, %swap3A_2] : memref<1568x256xf32, #tpu.memory_space<vmem>>, vector<1568x128xf32>
    tpu.vector_store %arg4[%swap3A, %swap3A_2], %get3A_1 {strides = array<i32>} : memref<1568x256xf32, #tpu.memory_space<vmem>>, vector<1568x128xf32>,
    %get3A_4 = arith.constant 0 : index
    %get3A_5 = arith.constant 0 : index
    %get3A_6 = vector.load %arg2[%get3A_4, %get3A_5] : memref<1568x8xf32, #tpu.memory_space<vmem>>, vector<1568x8xf32>
    %get3A_7 = arith.constant 0 : index
    %get3A_8 = arith.constant 0 : index
    %get3A_9 = vector.load %arg3[%get3A_7, %get3A_8] : memref<8x128xf32, #tpu.memory_space<vmem>>, vector<8x128xf32>
    %dot_general3A = arith.constant dense<0.000000e+00> : vector<1568x128xf32>
    %dot_general3A_10 = tpu.matmul %get3A_6, %get3A_9, %dot_general3A {dimension_numbers = #tpu.dot_dimension_numbers<[1], [0], [0], [1], [0, 0, 1, 1], [], []>, transpose_lhs_hint = false} : vector<1568x8xf32>, vector<8x128xf32>, vector<1568x128xf32> -> vector<1568x128xf32>
    %swap3A_11 = arith.constant 0 : index
    %swap3A_12 = arith.constant 128 : index
    %swap3A_13 = vector.load %arg4[%swap3A_11, %swap3A_12] : memref<1568x256xf32, #tpu.memory_space<vmem>>, vector<1568x128xf32>
    tpu.vector_store %arg4[%swap3A_11, %swap3A_12], %dot_general3A_10 {strides = array<i32>} : memref<1568x256xf32, #tpu.memory_space<vmem>>, vector<1568x128xf32>,
    return
  }
  func.func @transform_0(%arg0: i32) -> (i32, i32) {
    %c0_i32 = arith.constant 0 : i32
    %c0_i32_0 = arith.constant 0 : i32
    return %arg0, %c0_i32 : i32, i32
  }
  func.func @transform_1(%arg0: i32) -> (i32, i32) {
    %c0_i32 = arith.constant 0 : i32
    %c0_i32_0 = arith.constant 0 : i32
    return %arg0, %c0_i32 : i32, i32
  }
  func.func @transform_2(%arg0: i32) -> (i32, i32) {
    %c0_i32 = arith.constant 0 : i32
    %c0_i32_0 = arith.constant 0 : i32
    %c0_i32_1 = arith.constant 0 : i32
    return %c0_i32, %c0_i32_0 : i32, i32
  }
  func.func @transform_3(%arg0: i32) -> (i32, i32) {
    %c0_i32 = arith.constant 0 : i32
    %c0_i32_0 = arith.constant 0 : i32
    return %arg0, %c0_i32 : i32, i32
  }
}

module attributes {stable_mosaic.version = 14 : i64} {
  func.func @_mom_body(%arg0: i32, %arg1: memref<10000x128xf32, #tpu.memory_space<vmem>>, %arg2: memref<128x128xf32, #tpu.memory_space<vmem>>, %arg3: memref<8x128xf32, #tpu.memory_space<vmem>>, %arg4: memref<8x128xf32, #tpu.memory_space<vmem>>) attributes {dimension_semantics = [#tpu.dimension_semantics<arbitrary>], iteration_bounds = array<i64: 5>, scalar_prefetch = 0 : i64, scratch_operands = 0 : i64, tpu.core_type = #tpu.core_type<tc>, window_params = [{transform_indices = @transform_0, window_bounds = array<i64: 10000, 128>}, {pipeline_mode = #tpu.pipeline_mode<synchronous>, transform_indices = @transform_1, window_bounds = array<i64: 128, 128>}, {pipeline_mode = #tpu.pipeline_mode<synchronous>, transform_indices = @transform_2, window_bounds = array<i64: 8, 128>}, {pipeline_mode = #tpu.pipeline_mode<synchronous>, transform_indices = @transform_3, window_bounds = array<i64: 8, 128>}]} {
    %get3A = arith.constant 0 : index
    %get3A_0 = arith.constant 0 : index
    %get3A_1 = vector.load %arg1[%get3A, %get3A_0] : memref<10000x128xf32, #tpu.memory_space<vmem>>, vector<10000x128xf32>
    %get3A_2 = arith.constant 0 : index
    %get3A_3 = arith.constant 0 : index
    %get3A_4 = vector.load %arg2[%get3A_2, %get3A_3] : memref<128x128xf32, #tpu.memory_space<vmem>>, vector<128x128xf32>
    %dot_general3A = arith.constant dense<0.000000e+00> : vector<10000x128xf32>
    %dot_general3A_5 = tpu.matmul %get3A_1, %get3A_4, %dot_general3A {dimension_numbers = #tpu.dot_dimension_numbers<[1], [0], [0], [1], [0, 0, 1, 1], [], []>, transpose_lhs_hint = false} : vector<10000x128xf32>, vector<128x128xf32>, vector<10000x128xf32> -> vector<10000x128xf32>
    %get3A_6 = arith.constant 0 : index
    %get3A_7 = arith.constant 0 : index
    %get3A_8 = vector.load %arg3[%get3A_6, %get3A_7] : memref<8x128xf32, #tpu.memory_space<vmem>>, vector<1x128xf32>
    %add3A = vector.broadcast %get3A_8 : vector<1x128xf32> to vector<10000x128xf32>
    %add3A_9 = arith.addf %dot_general3A_5, %add3A : vector<10000x128xf32>
    %reduce_sum3A = arith.constant dense<0.000000e+00> : vector<128xf32>
    %reduce_sum3A_10 = vector.multi_reduction <add>, %add3A_9, %reduce_sum3A [0] : vector<10000x128xf32> to vector<128xf32>
    %broadcast_in_dim3A = vector.shape_cast %reduce_sum3A_10 : vector<128xf32> to vector<1x128xf32>
    %mul3A = arith.mulf %add3A_9, %add3A_9 : vector<10000x128xf32>
    %reduce_sum3A_11 = arith.constant dense<0.000000e+00> : vector<128xf32>
    %reduce_sum3A_12 = vector.multi_reduction <add>, %mul3A, %reduce_sum3A_11 [0] : vector<10000x128xf32> to vector<128xf32>
    %broadcast_in_dim3A_13 = vector.shape_cast %reduce_sum3A_12 : vector<128xf32> to vector<1x128xf32>
    %eq3A = arith.constant 0 : i32
    %eq3A_14 = arith.cmpi eq, %arg0, %eq3A : i32
    %convert_element_type3A = arith.extui %eq3A_14 : i1 to i32
    %cond3A = arith.constant 0 : i32
    %cond3A_15 = arith.cmpi ne, %convert_element_type3A, %cond3A : i32
    scf.if %cond3A_15 {
      %broadcast_in_dim3A_34 = arith.constant 0.000000e+00 : f32
      %broadcast_in_dim3A_35 = vector.broadcast %broadcast_in_dim3A_34 : f32 to vector<8x128xf32>
      %swap3A_36 = arith.constant 0 : index
      %swap3A_37 = arith.constant 0 : index
      %swap3A_38 = vector.load %arg4[%swap3A_36, %swap3A_37] : memref<8x128xf32, #tpu.memory_space<vmem>>, vector<8x128xf32>
      tpu.vector_store %arg4[%swap3A_36, %swap3A_37], %broadcast_in_dim3A_35 {strides = array<i32>} : memref<8x128xf32, #tpu.memory_space<vmem>>, vector<8x128xf32>,
    } else {
    }
    %get3A_16 = arith.constant 0 : index
    %get3A_17 = arith.constant 0 : index
    %get3A_18 = vector.load %arg4[%get3A_16, %get3A_17] : memref<8x128xf32, #tpu.memory_space<vmem>>, vector<1x128xf32>
    %add3A_19 = arith.addf %get3A_18, %broadcast_in_dim3A : vector<1x128xf32>
    %swap3A = arith.constant 0 : index
    %swap3A_20 = arith.constant 0 : index
    %swap3A_21 = vector.load %arg4[%swap3A, %swap3A_20] : memref<8x128xf32, #tpu.memory_space<vmem>>, vector<1x128xf32>
    tpu.vector_store %arg4[%swap3A, %swap3A_20], %add3A_19 {strides = array<i32>} : memref<8x128xf32, #tpu.memory_space<vmem>>, vector<1x128xf32>,
    %get3A_22 = arith.constant 1 : index
    %get3A_23 = arith.constant 0 : index
    %get3A_24 = vector.load %arg4[%get3A_22, %get3A_23] : memref<8x128xf32, #tpu.memory_space<vmem>>, vector<1x128xf32>
    %add3A_25 = arith.addf %get3A_24, %broadcast_in_dim3A_13 : vector<1x128xf32>
    %swap3A_26 = arith.constant 1 : index
    %swap3A_27 = arith.constant 0 : index
    %swap3A_28 = vector.load %arg4[%swap3A_26, %swap3A_27] : memref<8x128xf32, #tpu.memory_space<vmem>>, vector<1x128xf32>
    tpu.vector_store %arg4[%swap3A_26, %swap3A_27], %add3A_25 {strides = array<i32>} : memref<8x128xf32, #tpu.memory_space<vmem>>, vector<1x128xf32>,
    %eq3A_29 = arith.constant 4 : i32
    %eq3A_30 = arith.cmpi eq, %arg0, %eq3A_29 : i32
    %convert_element_type3A_31 = arith.extui %eq3A_30 : i1 to i32
    %cond3A_32 = arith.constant 0 : i32
    %cond3A_33 = arith.cmpi ne, %convert_element_type3A_31, %cond3A_32 : i32
    scf.if %cond3A_33 {
      %get3A_34 = arith.constant 0 : index
      %get3A_35 = arith.constant 0 : index
      %get3A_36 = vector.load %arg4[%get3A_34, %get3A_35] : memref<8x128xf32, #tpu.memory_space<vmem>>, vector<1x128xf32>
      %div3A = arith.constant 5.000000e+04 : f32
      %div3A_37 = vector.broadcast %div3A : f32 to vector<1x128xf32>
      %div3A_38 = arith.divf %get3A_36, %div3A_37 : vector<1x128xf32>
      %get3A_39 = arith.constant 1 : index
      %get3A_40 = arith.constant 0 : index
      %get3A_41 = vector.load %arg4[%get3A_39, %get3A_40] : memref<8x128xf32, #tpu.memory_space<vmem>>, vector<1x128xf32>
      %div3A_42 = arith.constant 5.000000e+04 : f32
      %div3A_43 = vector.broadcast %div3A_42 : f32 to vector<1x128xf32>
      %div3A_44 = arith.divf %get3A_41, %div3A_43 : vector<1x128xf32>
      %mul3A_45 = arith.mulf %div3A_38, %div3A_38 : vector<1x128xf32>
      %sub3A = arith.subf %div3A_44, %mul3A_45 : vector<1x128xf32>
      %swap3A_46 = arith.constant 0 : index
      %swap3A_47 = arith.constant 0 : index
      %swap3A_48 = vector.load %arg4[%swap3A_46, %swap3A_47] : memref<8x128xf32, #tpu.memory_space<vmem>>, vector<1x128xf32>
      tpu.vector_store %arg4[%swap3A_46, %swap3A_47], %div3A_38 {strides = array<i32>} : memref<8x128xf32, #tpu.memory_space<vmem>>, vector<1x128xf32>,
      %add3A_49 = arith.constant 9.99999974E-6 : f32
      %add3A_50 = vector.broadcast %add3A_49 : f32 to vector<1x128xf32>
      %add3A_51 = arith.addf %sub3A, %add3A_50 : vector<1x128xf32>
      %rsqrt3A = math.rsqrt %add3A_51 : vector<1x128xf32>
      %swap3A_52 = arith.constant 1 : index
      %swap3A_53 = arith.constant 0 : index
      %swap3A_54 = vector.load %arg4[%swap3A_52, %swap3A_53] : memref<8x128xf32, #tpu.memory_space<vmem>>, vector<1x128xf32>
      tpu.vector_store %arg4[%swap3A_52, %swap3A_53], %rsqrt3A {strides = array<i32>} : memref<8x128xf32, #tpu.memory_space<vmem>>, vector<1x128xf32>,
    } else {
    }
    return
  }
  func.func @transform_0(%arg0: i32) -> (i32, i32) {
    %c0_i32 = arith.constant 0 : i32
    %c0_i32_0 = arith.constant 0 : i32
    return %arg0, %c0_i32 : i32, i32
  }
  func.func @transform_1(%arg0: i32) -> (i32, i32) {
    %c0_i32 = arith.constant 0 : i32
    %c0_i32_0 = arith.constant 0 : i32
    %c0_i32_1 = arith.constant 0 : i32
    return %c0_i32, %c0_i32_0 : i32, i32
  }
  func.func @transform_2(%arg0: i32) -> (i32, i32) {
    %c0_i32 = arith.constant 0 : i32
    %c0_i32_0 = arith.constant 0 : i32
    %c0_i32_1 = arith.constant 0 : i32
    return %c0_i32, %c0_i32_0 : i32, i32
  }
  func.func @transform_3(%arg0: i32) -> (i32, i32) {
    %c0_i32 = arith.constant 0 : i32
    %c0_i32_0 = arith.constant 0 : i32
    %c0_i32_1 = arith.constant 0 : i32
    return %c0_i32, %c0_i32_0 : i32, i32
  }
}

module attributes {stable_mosaic.version = 14 : i64} {
  func.func @_att_body(%arg0: i32, %arg1: memref<1000x128xf32, #tpu.memory_space<vmem>>, %arg2: memref<1000x8xf32, #tpu.memory_space<vmem>>, %arg3: memref<8000x256xf32, #tpu.memory_space<vmem>>, %arg4: memref<128x128xf32, #tpu.memory_space<vmem>>, %arg5: memref<128x128xf32, #tpu.memory_space<vmem>>, %arg6: memref<128x128xf32, #tpu.memory_space<vmem>>, %arg7: memref<8x128xf32, #tpu.memory_space<vmem>>, %arg8: memref<128x128xf32, #tpu.memory_space<vmem>>, %arg9: memref<128x128xf32, #tpu.memory_space<vmem>>, %arg10: memref<8x128xf32, #tpu.memory_space<vmem>>, %arg11: memref<8x128xf32, #tpu.memory_space<vmem>>, %arg12: memref<1000x128xf32, #tpu.memory_space<vmem>>) attributes {dimension_semantics = [#tpu.dimension_semantics<arbitrary>], iteration_bounds = array<i64: 50>, scalar_prefetch = 0 : i64, scratch_operands = 0 : i64, tpu.core_type = #tpu.core_type<tc>, window_params = [{transform_indices = @transform_0, window_bounds = array<i64: 1000, 128>}, {transform_indices = @transform_1, window_bounds = array<i64: 1000, 8>}, {transform_indices = @transform_2, window_bounds = array<i64: 8000, 256>}, {pipeline_mode = #tpu.pipeline_mode<synchronous>, transform_indices = @transform_3, window_bounds = array<i64: 128, 128>}, {pipeline_mode = #tpu.pipeline_mode<synchronous>, transform_indices = @transform_4, window_bounds = array<i64: 128, 128>}, {pipeline_mode = #tpu.pipeline_mode<synchronous>, transform_indices = @transform_5, window_bounds = array<i64: 128, 128>}, {pipeline_mode = #tpu.pipeline_mode<synchronous>, transform_indices = @transform_6, window_bounds = array<i64: 8, 128>}, {pipeline_mode = #tpu.pipeline_mode<synchronous>, transform_indices = @transform_7, window_bounds = array<i64: 128, 128>}, {pipeline_mode = #tpu.pipeline_mode<synchronous>, transform_indices = @transform_8, window_bounds = array<i64: 128, 128>}, {pipeline_mode = #tpu.pipeline_mode<synchronous>, transform_indices = @transform_9, window_bounds = array<i64: 8, 128>}, {pipeline_mode = #tpu.pipeline_mode<synchronous>, transform_indices = @transform_10, window_bounds = array<i64: 8, 128>}, {transform_indices = @transform_11, window_bounds = array<i64: 1000, 128>}]} {
    %get3A = arith.constant 0 : index
    %get3A_0 = arith.constant 0 : index
    %get3A_1 = vector.load %arg1[%get3A, %get3A_0] : memref<1000x128xf32, #tpu.memory_space<vmem>>, vector<1000x128xf32>
    %get3A_2 = arith.constant 0 : index
    %get3A_3 = arith.constant 0 : index
    %get3A_4 = vector.load %arg3[%get3A_2, %get3A_3] : memref<8000x256xf32, #tpu.memory_space<vmem>>, vector<8000x128xf32>
    %get3A_5 = arith.constant 0 : index
    %get3A_6 = arith.constant 128 : index
    %get3A_7 = vector.load %arg3[%get3A_5, %get3A_6] : memref<8000x256xf32, #tpu.memory_space<vmem>>, vector<8000x128xf32>
    %get3A_8 = arith.constant 0 : index
    %get3A_9 = arith.constant 0 : index
    %get3A_10 = vector.load %arg6[%get3A_8, %get3A_9] : memref<128x128xf32, #tpu.memory_space<vmem>>, vector<128x128xf32>
    %dot_general3A = arith.constant dense<0.000000e+00> : vector<1000x128xf32>
    %dot_general3A_11 = tpu.matmul %get3A_1, %get3A_10, %dot_general3A {dimension_numbers = #tpu.dot_dimension_numbers<[1], [0], [0], [1], [0, 0, 1, 1], [], []>, transpose_lhs_hint = false} : vector<1000x128xf32>, vector<128x128xf32>, vector<1000x128xf32> -> vector<1000x128xf32>
    %reshape3A = vector.shape_cast %dot_general3A_11 : vector<1000x128xf32> to vector<1000x1x128xf32>
    %broadcast_in_dim3A = vector.shape_cast %reshape3A : vector<1000x1x128xf32> to vector<1000x1x128xf32>
    %broadcast_in_dim3A_12 = vector.broadcast %broadcast_in_dim3A : vector<1000x1x128xf32> to vector<1000x8x128xf32>
    %reshape3A_13 = vector.shape_cast %broadcast_in_dim3A_12 : vector<1000x8x128xf32> to vector<8000x128xf32>
    %get3A_14 = arith.constant 0 : index
    %get3A_15 = arith.constant 0 : index
    %get3A_16 = vector.load %arg4[%get3A_14, %get3A_15] : memref<128x128xf32, #tpu.memory_space<vmem>>, vector<128x128xf32>
    %dot_general3A_17 = arith.constant dense<0.000000e+00> : vector<8000x128xf32>
    %dot_general3A_18 = tpu.matmul %get3A_4, %get3A_16, %dot_general3A_17 {dimension_numbers = #tpu.dot_dimension_numbers<[1], [0], [0], [1], [0, 0, 1, 1], [], []>, transpose_lhs_hint = false} : vector<8000x128xf32>, vector<128x128xf32>, vector<8000x128xf32> -> vector<8000x128xf32>
    %get3A_19 = arith.constant 0 : index
    %get3A_20 = arith.constant 0 : index
    %get3A_21 = vector.load %arg5[%get3A_19, %get3A_20] : memref<128x128xf32, #tpu.memory_space<vmem>>, vector<128x128xf32>
    %dot_general3A_22 = arith.constant dense<0.000000e+00> : vector<8000x128xf32>
    %dot_general3A_23 = tpu.matmul %get3A_4, %get3A_21, %dot_general3A_22 {dimension_numbers = #tpu.dot_dimension_numbers<[1], [0], [0], [1], [0, 0, 1, 1], [], []>, transpose_lhs_hint = false} : vector<8000x128xf32>, vector<128x128xf32>, vector<8000x128xf32> -> vector<8000x128xf32>
    %get3A_24 = arith.constant 0 : index
    %get3A_25 = arith.constant 0 : index
    %get3A_26 = vector.load %arg2[%get3A_24, %get3A_25] : memref<1000x8xf32, #tpu.memory_space<vmem>>, vector<1000x8xf32>
    %get3A_27 = arith.constant 0 : index
    %get3A_28 = arith.constant 0 : index
    %get3A_29 = vector.load %arg7[%get3A_27, %get3A_28] : memref<8x128xf32, #tpu.memory_space<vmem>>, vector<8x128xf32>
    %dot_general3A_30 = arith.constant dense<0.000000e+00> : vector<1000x128xf32>
    %dot_general3A_31 = tpu.matmul %get3A_26, %get3A_29, %dot_general3A_30 {dimension_numbers = #tpu.dot_dimension_numbers<[1], [0], [0], [1], [0, 0, 1, 1], [], []>, transpose_lhs_hint = false} : vector<1000x8xf32>, vector<8x128xf32>, vector<1000x128xf32> -> vector<1000x128xf32>
    %reshape3A_32 = vector.shape_cast %dot_general3A_31 : vector<1000x128xf32> to vector<1000x1x128xf32>
    %broadcast_in_dim3A_33 = vector.shape_cast %reshape3A_32 : vector<1000x1x128xf32> to vector<1000x1x128xf32>
    %broadcast_in_dim3A_34 = vector.broadcast %broadcast_in_dim3A_33 : vector<1000x1x128xf32> to vector<1000x8x128xf32>
    %reshape3A_35 = vector.shape_cast %broadcast_in_dim3A_34 : vector<1000x8x128xf32> to vector<8000x128xf32>
    %sub3A = arith.subf %reshape3A_35, %get3A_7 : vector<8000x128xf32>
    %get3A_36 = arith.constant 0 : index
    %get3A_37 = arith.constant 0 : index
    %get3A_38 = vector.load %arg10[%get3A_36, %get3A_37] : memref<8x128xf32, #tpu.memory_space<vmem>>, vector<1x128xf32>
    %add3A = vector.broadcast %get3A_38 : vector<1x128xf32> to vector<8000x128xf32>
    %add3A_39 = arith.addf %sub3A, %add3A : vector<8000x128xf32>
    %logistic3A = arith.negf %add3A_39 : vector<8000x128xf32>
    %logistic3A_40 = math.exp %logistic3A : vector<8000x128xf32>
    %logistic3A_41 = arith.constant 1.000000e+00 : f32
    %logistic3A_42 = vector.broadcast %logistic3A_41 : f32 to vector<8000x128xf32>
    %logistic3A_43 = arith.addf %logistic3A_42, %logistic3A_40 : vector<8000x128xf32>
    %logistic3A_44 = arith.divf %logistic3A_42, %logistic3A_43 : vector<8000x128xf32>
    %mul3A = arith.mulf %add3A_39, %logistic3A_44 : vector<8000x128xf32>
    %sub3A_45 = arith.subf %reshape3A_13, %dot_general3A_18 : vector<8000x128xf32>
    %add3A_46 = arith.addf %sub3A_45, %mul3A : vector<8000x128xf32>
    %get3A_47 = arith.constant 0 : index
    %get3A_48 = arith.constant 0 : index
    %get3A_49 = vector.load %arg8[%get3A_47, %get3A_48] : memref<128x128xf32, #tpu.memory_space<vmem>>, vector<128x128xf32>
    %dot_general3A_50 = arith.constant dense<0.000000e+00> : vector<8000x128xf32>
    %dot_general3A_51 = tpu.matmul %add3A_46, %get3A_49, %dot_general3A_50 {dimension_numbers = #tpu.dot_dimension_numbers<[1], [0], [0], [1], [0, 0, 1, 1], [], []>, transpose_lhs_hint = false} : vector<8000x128xf32>, vector<128x128xf32>, vector<8000x128xf32> -> vector<8000x128xf32>
    %get3A_52 = arith.constant 1 : index
    %get3A_53 = arith.constant 0 : index
    %get3A_54 = vector.load %arg10[%get3A_52, %get3A_53] : memref<8x128xf32, #tpu.memory_space<vmem>>, vector<1x128xf32>
    %add3A_55 = vector.broadcast %get3A_54 : vector<1x128xf32> to vector<8000x128xf32>
    %add3A_56 = arith.addf %dot_general3A_51, %add3A_55 : vector<8000x128xf32>
    %logistic3A_57 = arith.negf %add3A_56 : vector<8000x128xf32>
    %logistic3A_58 = math.exp %logistic3A_57 : vector<8000x128xf32>
    %logistic3A_59 = arith.constant 1.000000e+00 : f32
    %logistic3A_60 = vector.broadcast %logistic3A_59 : f32 to vector<8000x128xf32>
    %logistic3A_61 = arith.addf %logistic3A_60, %logistic3A_58 : vector<8000x128xf32>
    %logistic3A_62 = arith.divf %logistic3A_60, %logistic3A_61 : vector<8000x128xf32>
    %mul3A_63 = arith.mulf %add3A_56, %logistic3A_62 : vector<8000x128xf32>
    %reshape3A_64 = vector.shape_cast %mul3A_63 : vector<8000x128xf32> to vector<1000x8x128xf32>
    %reduce_max3A = arith.constant dense<0xFF800000> : vector<1000x128xf32>
    %reduce_max3A_65 = vector.multi_reduction <maximumf>, %reshape3A_64, %reduce_max3A [1] : vector<1000x8x128xf32> to vector<1000x128xf32>
    %broadcast_in_dim3A_66 = vector.shape_cast %reduce_max3A_65 : vector<1000x128xf32> to vector<1000x1x128xf32>
    %sub3A_67 = vector.broadcast %broadcast_in_dim3A_66 : vector<1000x1x128xf32> to vector<1000x8x128xf32>
    %sub3A_68 = arith.subf %reshape3A_64, %sub3A_67 : vector<1000x8x128xf32>
    %exp3A = math.exp %sub3A_68 : vector<1000x8x128xf32>
    %reduce_sum3A = arith.constant dense<0.000000e+00> : vector<1000x128xf32>
    %reduce_sum3A_69 = vector.multi_reduction <add>, %exp3A, %reduce_sum3A [1] : vector<1000x8x128xf32> to vector<1000x128xf32>
    %broadcast_in_dim3A_70 = vector.shape_cast %reduce_sum3A_69 : vector<1000x128xf32> to vector<1000x1x128xf32>
    %add3A_71 = arith.constant 1.000000e-16 : f32
    %add3A_72 = vector.broadcast %add3A_71 : f32 to vector<1000x1x128xf32>
    %add3A_73 = arith.addf %broadcast_in_dim3A_70, %add3A_72 : vector<1000x1x128xf32>
    %div3A = vector.broadcast %add3A_73 : vector<1000x1x128xf32> to vector<1000x8x128xf32>
    %div3A_74 = arith.divf %exp3A, %div3A : vector<1000x8x128xf32>
    %add3A_75 = arith.addf %dot_general3A_23, %mul3A : vector<8000x128xf32>
    %reshape3A_76 = vector.shape_cast %add3A_75 : vector<8000x128xf32> to vector<1000x8x128xf32>
    %mul3A_77 = arith.mulf %div3A_74, %reshape3A_76 : vector<1000x8x128xf32>
    %reduce_sum3A_78 = arith.constant dense<0.000000e+00> : vector<1000x128xf32>
    %reduce_sum3A_79 = vector.multi_reduction <add>, %mul3A_77, %reduce_sum3A_78 [1] : vector<1000x8x128xf32> to vector<1000x128xf32>
    %get3A_80 = arith.constant 0 : index
    %get3A_81 = arith.constant 0 : index
    %get3A_82 = vector.load %arg9[%get3A_80, %get3A_81] : memref<128x128xf32, #tpu.memory_space<vmem>>, vector<128x128xf32>
    %dot_general3A_83 = arith.constant dense<0.000000e+00> : vector<1000x128xf32>
    %dot_general3A_84 = tpu.matmul %get3A_1, %get3A_82, %dot_general3A_83 {dimension_numbers = #tpu.dot_dimension_numbers<[1], [0], [0], [1], [0, 0, 1, 1], [], []>, transpose_lhs_hint = false} : vector<1000x128xf32>, vector<128x128xf32>, vector<1000x128xf32> -> vector<1000x128xf32>
    %get3A_85 = arith.constant 2 : index
    %get3A_86 = arith.constant 0 : index
    %get3A_87 = vector.load %arg10[%get3A_85, %get3A_86] : memref<8x128xf32, #tpu.memory_space<vmem>>, vector<1x128xf32>
    %add3A_88 = vector.broadcast %get3A_87 : vector<1x128xf32> to vector<1000x128xf32>
    %add3A_89 = arith.addf %dot_general3A_84, %add3A_88 : vector<1000x128xf32>
    %get3A_90 = arith.constant 0 : index
    %get3A_91 = arith.constant 0 : index
    %get3A_92 = vector.load %arg11[%get3A_90, %get3A_91] : memref<8x128xf32, #tpu.memory_space<vmem>>, vector<1x128xf32>
    %sub3A_93 = vector.broadcast %get3A_92 : vector<1x128xf32> to vector<1000x128xf32>
    %sub3A_94 = arith.subf %add3A_89, %sub3A_93 : vector<1000x128xf32>
    %get3A_95 = arith.constant 1 : index
    %get3A_96 = arith.constant 0 : index
    %get3A_97 = vector.load %arg11[%get3A_95, %get3A_96] : memref<8x128xf32, #tpu.memory_space<vmem>>, vector<1x128xf32>
    %mul3A_98 = vector.broadcast %get3A_97 : vector<1x128xf32> to vector<1000x128xf32>
    %mul3A_99 = arith.mulf %sub3A_94, %mul3A_98 : vector<1000x128xf32>
    %get3A_100 = arith.constant 3 : index
    %get3A_101 = arith.constant 0 : index
    %get3A_102 = vector.load %arg10[%get3A_100, %get3A_101] : memref<8x128xf32, #tpu.memory_space<vmem>>, vector<1x128xf32>
    %mul3A_103 = vector.broadcast %get3A_102 : vector<1x128xf32> to vector<1000x128xf32>
    %mul3A_104 = arith.mulf %mul3A_99, %mul3A_103 : vector<1000x128xf32>
    %get3A_105 = arith.constant 4 : index
    %get3A_106 = arith.constant 0 : index
    %get3A_107 = vector.load %arg10[%get3A_105, %get3A_106] : memref<8x128xf32, #tpu.memory_space<vmem>>, vector<1x128xf32>
    %add3A_108 = vector.broadcast %get3A_107 : vector<1x128xf32> to vector<1000x128xf32>
    %add3A_109 = arith.addf %mul3A_104, %add3A_108 : vector<1000x128xf32>
    %logistic3A_110 = arith.negf %add3A_109 : vector<1000x128xf32>
    %logistic3A_111 = math.exp %logistic3A_110 : vector<1000x128xf32>
    %logistic3A_112 = arith.constant 1.000000e+00 : f32
    %logistic3A_113 = vector.broadcast %logistic3A_112 : f32 to vector<1000x128xf32>
    %logistic3A_114 = arith.addf %logistic3A_113, %logistic3A_111 : vector<1000x128xf32>
    %logistic3A_115 = arith.divf %logistic3A_113, %logistic3A_114 : vector<1000x128xf32>
    %mul3A_116 = arith.mulf %add3A_109, %logistic3A_115 : vector<1000x128xf32>
    %add3A_117 = arith.addf %mul3A_116, %reduce_sum3A_79 : vector<1000x128xf32>
    %swap3A = arith.constant 0 : index
    %swap3A_118 = arith.constant 0 : index
    %swap3A_119 = vector.load %arg12[%swap3A, %swap3A_118] : memref<1000x128xf32, #tpu.memory_space<vmem>>, vector<1000x128xf32>
    tpu.vector_store %arg12[%swap3A, %swap3A_118], %add3A_117 {strides = array<i32>} : memref<1000x128xf32, #tpu.memory_space<vmem>>, vector<1000x128xf32>,
    return
  }
  func.func @transform_0(%arg0: i32) -> (i32, i32) {
    %c0_i32 = arith.constant 0 : i32
    %c0_i32_0 = arith.constant 0 : i32
    return %arg0, %c0_i32 : i32, i32
  }
  func.func @transform_1(%arg0: i32) -> (i32, i32) {
    %c0_i32 = arith.constant 0 : i32
    %c0_i32_0 = arith.constant 0 : i32
    return %arg0, %c0_i32 : i32, i32
  }
  func.func @transform_2(%arg0: i32) -> (i32, i32) {
    %c0_i32 = arith.constant 0 : i32
    %c0_i32_0 = arith.constant 0 : i32
    return %arg0, %c0_i32 : i32, i32
  }
  func.func @transform_3(%arg0: i32) -> (i32, i32) {
    %c0_i32 = arith.constant 0 : i32
    %c0_i32_0 = arith.constant 0 : i32
    %c0_i32_1 = arith.constant 0 : i32
    return %c0_i32, %c0_i32_0 : i32, i32
  }
  func.func @transform_4(%arg0: i32) -> (i32, i32) {
    %c0_i32 = arith.constant 0 : i32
    %c0_i32_0 = arith.constant 0 : i32
    %c0_i32_1 = arith.constant 0 : i32
    return %c0_i32, %c0_i32_0 : i32, i32
  }
  func.func @transform_5(%arg0: i32) -> (i32, i32) {
    %c0_i32 = arith.constant 0 : i32
    %c0_i32_0 = arith.constant 0 : i32
    %c0_i32_1 = arith.constant 0 : i32
    return %c0_i32, %c0_i32_0 : i32, i32
  }
  func.func @transform_6(%arg0: i32) -> (i32, i32) {
    %c0_i32 = arith.constant 0 : i32
    %c0_i32_0 = arith.constant 0 : i32
    %c0_i32_1 = arith.constant 0 : i32
    return %c0_i32, %c0_i32_0 : i32, i32
  }
  func.func @transform_7(%arg0: i32) -> (i32, i32) {
    %c0_i32 = arith.constant 0 : i32
    %c0_i32_0 = arith.constant 0 : i32
    %c0_i32_1 = arith.constant 0 : i32
    return %c0_i32, %c0_i32_0 : i32, i32
  }
  func.func @transform_8(%arg0: i32) -> (i32, i32) {
    %c0_i32 = arith.constant 0 : i32
    %c0_i32_0 = arith.constant 0 : i32
    %c0_i32_1 = arith.constant 0 : i32
    return %c0_i32, %c0_i32_0 : i32, i32
  }
  func.func @transform_9(%arg0: i32) -> (i32, i32) {
    %c0_i32 = arith.constant 0 : i32
    %c0_i32_0 = arith.constant 0 : i32
    %c0_i32_1 = arith.constant 0 : i32
    return %c0_i32, %c0_i32_0 : i32, i32
  }
  func.func @transform_10(%arg0: i32) -> (i32, i32) {
    %c0_i32 = arith.constant 0 : i32
    %c0_i32_0 = arith.constant 0 : i32
    %c0_i32_1 = arith.constant 0 : i32
    return %c0_i32, %c0_i32_0 : i32, i32
  }
  func.func @transform_11(%arg0: i32) -> (i32, i32) {
    %c0_i32 = arith.constant 0 : i32
    %c0_i32_0 = arith.constant 0 : i32
    return %arg0, %c0_i32 : i32, i32
  }
}

</mosaic_0001>

<sc_bundles>
// kernel: kernel.7.cloned.1.call-start
scs
__scs_entry_jumppad:
0x0: {  	(pc) =	sbr.rel $0x88, $3  }
0x1: {  	(tag) =	ssettag $0x0;
	lr =	simm.s32 $0x1  }
0x2: {  	[smem:$0x3F92] =	sst lr;
	_ =	strace $0xD0000000  }
0x3: {  	_ = 	snop  }
0x4: {  	_ = 	snop  }
0x5: {  	_ = 	snop  }
0x6: {  	_ = 	snop  }
0x7: {  	_ = 	snop  }
__scs_overlays_trampoline_lowered:
0x8: {  	[smem:$0x3FA1] =	sst s0  }
0x9: {  	[smem:$0x3FA2] =	sst s1  }
0xa: {  	[smem:$0x3FA3] =	sst s2  }
0xb: {  	[smem:$0x3FA4] =	sst s3  }
0xc: {  	[smem:$0x3FA5] =	sst s4  }
0xd: {  	[smem:$0x3FA6] =	sst s5  }
0xe: {  	[smem:$0x3FA7] =	sst s6  }
0xf: {  	[smem:$0x3FA8] =	sst s7  }
0x10: {  	[smem:$0x3FA9] =	sst s8  }
0x11: {  	[smem:$0x3FAA] =	sst s9;
	s0 =	simm.s32 @!p0 $0x0  }
0x12: {  	s1 =	sld [smem:$0x3F90];
	s0 =	simm.s32 @p0 $0x1  }
0x13: {  	[smem:$0x3FAB] =	sst s0;
	s0 =	simm.s32 @!p1 $0x0  }
0x14: {  	s2 =	sld [smem:$0x3F8F];
	s0 =	simm.s32 @p1 $0x1  }
0x15: {  	[smem:$0x3FAC] =	sst s0;
	s0 =	simm.s32 @!p2 $0x0  }
0x16: {  	s3 =	sld [smem:$0x3FDB];
	s0 =	simm.s32 @p2 $0x1  }
0x17: {  	s4 =	simm.s32 $0x1BF5;
	[smem:$0x3FAE] =	sst s0  }
0x18: {  	s0 =	sld [smem:$0x3F91];
	_ =	swait.ge [sflag:s4], $0x0  }
0x19: {  	s7 =	sld [smem:$0x3F92]  }
0x1a: {  	s8 =	sadd.s32 $0xFFFFE003, lr  }
0x1b: {  	s9 =	sadd.s32 $0xFFFFFEF7, lr;
	s5 =	simm.s32 $0xFFFFFFFF;
	p2 =	slt.u32 s8, $0xFFFFF086  }
0x1c: {  	p1 =	slt.u32 s9, $0xF7A;
	s5 =	simm.s32 @!p2 $0x0  }
0x1d: {  	s5 =	simm.s32 @p1 $0x1;
	p0 =	seq.s32 s7, s2  }
0x1e: {  	s7 =	smul.u32 @!p0 $0xF7A, s2;
	p2 =	seq.s32 @!p0 s5, $0x0  }
0x1f: {  	s9 =	smul.u32 $0xF7A, s1;
	s8 =	simm.s32 @!p0 $0x1BF5;
	p2 =	por !p2, p0  }
0x20: {  	[sflag:s8] =	ssyncset.s32 @!p0 $0xFFFFF086;
	s6 =	sadd.s32 @!p0 s3, s7;
	s7 =	simm.s32 @!p0 $0x108  }
0x21: {  	s3 =	sadd.s32 s3, s9;
	s6 =	sadd.s32 @!p0 $0x88, s6;
	s7 =	simm.s32 @p2 $0x1082  }
0x22: {  	[simem:s7], [sflag:s8] =	dma.local @!p0 [hbm:s6], $0xF7A  }
0x23: {  	s9 =	sor.u32 $0xD0000000, s2;
	s6 =	simm.s32 $0x108;
	_ =	swait.ge @!p0 [sflag:s8], $0x0  }
0x24: {  	s3 =	sadd.s32 $0x88, s3;
	s6 =	simm.s32 @!p1 $0x1082;
	[sflag:s4] =	ssyncset.s32 $0xFFFFF086  }
0x25: {  	[simem:s6], [sflag:s4] =	dma.local [hbm:s3], $0xF7A  }
0x26: {  	[smem:$0x3F92] =	sst s1;
	(tag) =	ssettag s2;
	_ =	strace s9  }
0x27: {  	s1 =	sld [smem:$0x3FA2]  }
0x28: {  	s2 =	sld [smem:$0x3FA3]  }
0x29: {  	s4 =	sld [smem:$0x3FA5]  }
0x2a: {  	p0 =	seq.s32 s5, $0x0;
	s5 =	sld [smem:$0x3FA6]  }
0x2b: {  	s6 =	sld [smem:$0x3FA7]  }
0x2c: {  	s7 =	sld [smem:$0x3FA8]  }
0x2d: {  	s3 =	simm.s32 $0x108;
	s8 =	sld [smem:$0x3FA9]  }
0x2e: {  	s3 =	simm.s32 @!p0 $0x1082;
	s9 =	sld [smem:$0x3FAA]  }
0x2f: {  	lr =	sadd.s32 s0, s3;
	s0 =	sld [smem:$0x3FA1]  }
0x30: {  	s3 =	sld [smem:$0x3FA4]  }
0x31: {  	[smem:$0x3FAD] =	sst s10  }
0x32: {  	s10 =	sld [smem:$0x3FAB];
	_ =	sdelay $0x3  }
0x33: {  	p0 =	seq.s32 s10, $0x1;
	s10 =	sld [smem:$0x3FAD];
	_ =	sdelay $0x3  }
0x34: {  	[smem:$0x3FAD] =	sst s10  }
0x35: {  	s10 =	sld [smem:$0x3FAC];
	_ =	sdelay $0x3  }
0x36: {  	p1 =	seq.s32 s10, $0x1;
	s10 =	sld [smem:$0x3FAD];
	_ =	sdelay $0x3  }
0x37: {  	[smem:$0x3FAD] =	sst s10  }
0x38: {  	s10 =	sld [smem:$0x3FAE]  }
0x39: {  	_ = 	snop;
	(pc) =	sbr.ind lr, $3  }
0x3a: {  	_ = 	snop  }
0x3b: {  	_ = 	snop  }
0x3c: {  	p2 =	seq.s32 s10, $0x1;
	s10 =	sld [smem:$0x3FAD]  }
0x3d: {  	_ =	shalt  }
0x3e: {  	_ =	shalt  }
0x3f: {  	_ =	shalt  }
0x40: {  	_ =	shalt  }
0x41: {  	_ =	shalt  }
0x42: {  	_ =	shalt  }
0x43: {  	_ =	shalt  }
0x44: {  	_ =	shalt  }
0x45: {  	_ =	shalt  }
0x46: {  	_ =	shalt  }
0x47: {  	_ =	shalt  }
0x48: {  	_ =	shalt  }
0x49: {  	_ =	shalt  }
0x4a: {  	_ =	shalt  }
0x4b: {  	_ =	shalt  }
0x4c: {  	_ =	shalt  }
0x4d: {  	_ =	shalt  }
0x4e: {  	_ =	shalt  }
0x4f: {  	_ =	shalt  }
0x50: {  	_ =	shalt  }
0x51: {  	_ =	shalt  }
0x52: {  	_ =	shalt  }
0x53: {  	_ =	shalt  }
0x54: {  	_ =	shalt  }
0x55: {  	_ =	shalt  }
0x56: {  	_ =	shalt  }
0x57: {  	_ =	shalt  }
0x58: {  	_ =	shalt  }
0x59: {  	_ =	shalt  }
0x5a: {  	_ =	shalt  }
0x5b: {  	_ =	shalt  }
0x5c: {  	_ =	shalt  }
0x5d: {  	_ =	shalt  }
0x5e: {  	_ =	shalt  }
0x5f: {  	_ =	shalt  }
0x60: {  	_ =	shalt  }
0x61: {  	_ =	shalt  }
0x62: {  	_ =	shalt  }
0x63: {  	_ =	shalt  }
0x64: {  	_ =	shalt  }
0x65: {  	_ =	shalt  }
0x66: {  	_ =	shalt  }
0x67: {  	_ =	shalt  }
0x68: {  	_ =	shalt  }
0x69: {  	_ =	shalt  }
0x6a: {  	_ =	shalt  }
0x6b: {  	_ =	shalt  }
0x6c: {  	_ =	shalt  }
0x6d: {  	_ =	shalt  }
0x6e: {  	_ =	shalt  }
0x6f: {  	_ =	shalt  }
0x70: {  	_ =	shalt  }
0x71: {  	_ =	shalt  }
0x72: {  	_ =	shalt  }
0x73: {  	_ =	shalt  }
0x74: {  	_ =	shalt  }
0x75: {  	_ =	shalt  }
0x76: {  	_ =	shalt  }
0x77: {  	_ =	shalt  }
0x78: {  	_ =	shalt  }
0x79: {  	_ =	shalt  }
0x7a: {  	_ =	shalt  }
0x7b: {  	_ =	shalt  }
0x7c: {  	_ =	shalt  }
0x7d: {  	_ =	shalt  }
0x7e: {  	_ =	shalt  }
0x7f: {  	_ =	shalt  }
0x80: {  	_ =	shalt  }
0x81: {  	_ =	shalt  }
0x82: {  	_ =	shalt  }
0x83: {  	_ =	shalt  }
0x84: {  	_ =	shalt  }
0x85: {  	_ =	shalt  }
0x86: {  	_ =	shalt  }
0x87: {  	_ =	shalt  }
.Lfunc_end0:
.L_simem_size_0:
called_computation_lowered:
.L_overlay_start_0:
0x88: {  	s2 =	sld [smem:$0x3FD9]  }
0x89: {  	s3 =	sld [smem:$0x3FFE];
	_ =	sdelay $0x1  }
0x8a: {  	s1 =	srdreg.scid  }
0x8b: {  	s0 =	sand.u32 $0x1, s1  }
0x8c: {  	s17 =	sshll.u32 s0, $0xA;
	s2 =	sadd.s32 s3, s2  }
0x8d: {  	s2 =	sadd.s32 s2, s17  }
0x8e: {  	[smem:$0x3FB9] =	sst s2  }
0x8f: {  	_ = 	snop  }
0x90: {  	s2 =	sld [smem:$0x3FD0];
	(tm) =	ssettm $0x1  }
0x91: {  	s18 =	sld [smem:$0x3FFB];
	_ =	sdelay $0x3  }
0x92: {  	_ =	strace s18  }
0x93: {  	s3 =	sld [smem:$0x3FFC];
	_ =	sdelay $0x3  }
0x94: {  	_ =	strace s3  }
0x95: {  	s3 =	sld [smem:$0x3FFD];
	_ =	sdelay $0x3  }
0x96: {  	_ =	strace s3  }
0x97: {  	_ =	strace $0x8FFFFFFF  }
0x98: {  	s19 =	sld [smem:$0x3FDB];
	_ =	sdelay $0x1  }
0x99: {  	s4 =	simm.s32 $_scs_section_size  }
0x9a: {  	s5 =	simm.s32 $_size__tile_overlayer_lowered;
	s6 =	simm.s32 $_tile_overlayer_lowered  }
0x9b: {  	s22 =	simm.s32 $0x1BFF;
	s21 =	sshll.u32 s6, $0x1;
	s3 =	sadd.s32 s4, s19  }
0x9c: {  	s7 =	simm.s32 $0x0;
	s20 =	sshll.u32 s5, $0x1;
	s5 =	sadd.s32 s21, s3  }
0x9d: {  	[timem:s7], [sflag:s22] =	dma.local [hbm:s5], s20  }
0x9e: {  	_ =	swait.ge [sflag:s22], s20  }
0x9f: {  	s4 =	ssub.s32 $0x0, s20;
	[sflag:s22] =	ssyncset.done $0x0  }
0xa0: {  	[sflag:s22] =	ssyncadd.s32 s4;
	_ =	sdelay $0x1  }
0xa1: {  	s23 =	simm.s32 $0x1B8B  }
0xa2: {  	_ =	swait.ge [sflag:s23], $0x1  }
0xa3: {  	[sflag:s23] =	ssyncset.done $0x0  }
0xa4: {  	s25 =	simm.s32 $0x1B8E;
	s24 =	sld [smem:$0x3FFE];
	[sflag:s23] =	ssyncadd.s32 $0xFFFFFFFF  }
0xa5: {  	s26 =	simm.s32 $execute0_lowered;
	[smem:$0x3FD2] =	sst s25  }
0xa6: {  	s5 =	sshll.u32 s26, $0x1;
	_ =	strace $0x80000046;
	[dreg:$0x1] =	wrdreg $0xFFFFFFFF  }
0xa7: {  	s28 =	simm.s32 $_size_execute0_lowered;
	s3 =	sadd.s32 s3, s5;
	[dreg:$0x0] =	wrdreg $0x0  }
0xa8: {  	s5 =	sshll.u32 s28, $0x1;
	[dreg:$0x2] =	wrdreg s3  }
0xa9: {  	[dreg:$0x3] =	wrdreg s5  }
0xaa: {  	[dreg:$0x4] =	wrdreg $0xC0  }
0xab: {  	_ =	task [dreg:s7], $0x5FFFF  }
0xac: {  	[dreg:$0x1] =	wrdreg $0xFFFFFFFF  }
0xad: {  	[dreg:$0x0] =	wrdreg $0x60  }
0xae: {  	[dreg:$0x2] =	wrdreg s2  }
0xaf: {  	[dreg:$0x3] =	wrdreg s24  }
0xb0: {  	[dreg:$0x4] =	wrdreg $0x9  }
0xb1: {  	_ =	task.clear_ibuf [dreg:s7], $0x5FFFF;
	_ =	strace $0x90000046  }
0xb2: {  	s29 =	simm.s32 $0x9;
	_ =	strace $0x80000048  }
0xb3: {  	_ =	swait.ge [sflag:s29], $0x1  }
0xb4: {  	[sflag:s29] =	ssyncadd.s32 $0xFFFFFFFF  }
0xb5: {  	_ =	strace $0x90000048  }
0xb6: {  	_ =	sfence  }
0xb7: {  	s30 =	sld [smem:$0x0];
	_ =	sdelay $0x2  }
0xb8: {  	s31 =	sshll.u32 s1, $0xD;
	s1 =	sshrl.u32 s1, $0x2  }
0xb9: {  	s3 =	sand.u32 $0x4000, s31;
	s1 =	sadd.s32 s1, s30  }
0xba: {  	s0 =	sor.u32 s3, s0;
	s1 =	sshll.u32 s1, $0x11  }
0xbb: {  	s0 =	sor.u32 s1, s0  }
0xbc: {  	s0 =	sadd.s32 $0x8F2B, s0  }
0xbd: {  	[sflag:s0] =	ssyncadd.remote.s32 $0x1  }
0xbe: {  	_ =	sfence.sel $0xFFFF  }
0xbf: {  	[dreg:$0x0] =	wrdreg $0xFFFFFFFF;
	(pc) =	sbr.abs _section_cstart, $3  }
0xc0: {  	[dreg:$0x1] =	wrdreg $0xFFFFFFFF  }
0xc1: {  	_ =	task.clear_ibuf [dreg:s7], $0x2FFFF;
	_ =	strace $0x9FFFFFFF  }
0xc2: {  	(tm) =	ssettm $0x7FFFFFFF  }
0xc3: {  	_ =	shalt  }
tec
execute0_lowered:
.L_overlay_start_1:
0x0: {  	(tag) =	ssettag $0x1  }
0x1: {  	s0 =	srdreg.scid  }
0x2: {  	s6 =	stileid.u32;
	s2 =	rddreg [dreg:$0x0]  }
0x3: {  	s4 =	rddreg [dreg:$0x1];
	s3 =	simm.s32 $0x0;
	s21 =	simm.s32 $0x9100  }
0x4: {  	s22 =	simm.s32 $0x9900;
	s23 =	simm.s32 $0xA100;
	s24 =	simm.s32 $0xA900  }
0x5: {  	s28 =	simm.s32 $0xC100;
	s29 =	simm.s32 $0xC900;
	s30 =	simm.s32 $0xD100  }
0x6: {  	s31 =	simm.s32 $0xD900;
	s10 =	simm.s32 $0x10100;
	s11 =	simm.s32 $0x10900  }
0x7: {  	s12 =	simm.s32 $0x11100;
	s13 =	simm.s32 $0x11900;
	s14 =	simm.s32 $0x12100  }
0x8: {  	s15 =	simm.s32 $0x12900;
	s16 =	simm.s32 $0x1;
	s17 =	simm.s32 $0x2  }
0x9: {  	s19 =	simm.s32 $0x0;
	s0 =	sand.u32 $0x1, s0;
	s5 =	smul.u32 $0xC4000, s6  }
0xa: {  	s1 =	sshll.u32 s6, $0x1;
	[smem:$0x7FF] =	sst s3;
	s6 =	smul.u32 $0x620000, s6  }
0xb: {  	s1 =	sor.u32 s0, s1;
	s7 =	ssub.s32 $0x2, s0;
	s8 =	smul.u32 $0x310000, s0  }
0xc: {  	_ =	strace $0x80000047;
	s1 =	smul.u32 $0x3100, s1;
	s9 =	sshrl.u32 s7, $0x1  }
0xd: {  	s0 =	smul.u32 $0x62000, s0;
	s7 =	ssub.s32 s7, s9;
	s6 =	sadd.s32 s8, s6  }
0xe: {  	s8 =	simm.s32 $0x3;
	s9 =	simm.s32 $0x3100;
	s1 =	sshrl.u32 s1, $0x3  }
0xf: {  	s25 =	sshrl.u32 s6, $0x3;
	s26 =	smax.u32 s7, $0x1;
	s1 =	sadd.s32 s1, s4  }
.Ltmp0:
0x10: {  	s4 =	sadd.s32 $0xD2400, s4;
	[dreg:$0x4] =	wrdreg s26;
	(pc) =	sbr.rel .LBB2_1-.Ltmp0, $4  }
0x11: {  	s26 =	simm.s32 $0xB900;
	s5 =	sadd.s32 s5, s4;
	s1 =	sadd.s32 $0xC6000, s1  }
0x12: {  	v2 =	vlaneseq.u32;
	s7 =	sadd.s32 s25, s4;
	s25 =	simm.s32 $0xB100;
	s4 =	simm.s32 $0xF100  }
0x13: {  	vm0 =	vmmov $0xffff;
	v1 =	vshrl.u32 v2, $0x3;
	[dreg:$0x3] =	wrdreg s1;
	s0 =	sadd.s32 s0, s5;
	s1 =	simm.s32 $0xE100  }
0x14: {  	v0 =	vand.u32 $0x7, v2;
	v2 =	vor.u32 $0x8, v2;
	v1 =	vmul.u32 $0x8, v1;
	s5 =	simm.s32 $0xF900;
	s6 =	sadd.s32 $0x1000, s0;
	s0 =	simm.s32 $0xE900  }
.LBB2_5:
0x15: {  	s19 =	rddreg [dreg:$0x5]  }
0x16: {  	s18 =	rddreg [dreg:$0x4];
	s19 =	sadd.s32 $0x1, s19  }
0x17: {  	p0 =	sne.s32 s19, s18  }
.Ltmp1:
0x18: {  	_ = 	snop;
	(pc) =	sbr.rel @!p0 .LBB2_6-.Ltmp1, $1  }
0x19: {  	_ =	sdelay $0x3  }
.LBB2_1:
0x1a: {  	[dreg:$0x5] =	wrdreg s19  }
0x1b: {  	s18 =	rddreg [dreg:$0x3]  }
0x1c: {  	[tilespmem:s3], [sflag:$0x3] =	stream.linear.gather [hbm4b:s18+s3], $0x3100, $0x38;
	[tilespmem:$0x13100] =	vst v63  }
0x1d: {  	_ =	swait.ge [sflag:s8], $0x3100  }
0x1e: {  	[sflag:s8] =	ssyncset.done $0x0  }
0x1f: {  	[sflag:s8] =	ssyncadd.s32 $0xFFFFCF00  }
0x20: {  	v3 =	vld [tilespmem:$0x0];
	_ =	sdelay $0x4  }
0x21: {  	v4 =	vshll.u32 v3, $0x1  }
0x22: {  	v3 =	vand.u32 $0x7, v3;
	v4 =	vand.u32 $0xFFFFFFF0, v4  }
0x23: {  	v3 =	vor.u32 v3, v4  }
0x24: {  	v4 =	vperm.xlane v3, v0;
	_ =	sdelay $0x1  }
0x25: {  	v3 =	vperm.xlane v3, v2;
	v4 =	vadd.s32 v1, v4;
	_ =	sdelay $0x1  }
0x26: {  	v3 =	vadd.s32 v1, v3;
	_ =	sdelay $0x2  }
0x27: {  	[tilespmem:s9], [sflag:$0x1] =	stream.indirect_vreg.gather [hbm4b:s2+s3], $0x80, v4, vm0, $0xb8;
	[tilespmem:$0x13100] =	vst v63  }
0x28: {  	s20 =	simm.s32 $0x3900  }
0x29: {  	[tilespmem:s20], [sflag:$0x1] =	stream.indirect_vreg.gather [hbm4b:s2+s3], $0x80, v3, vm0, $0xb8;
	[tilespmem:$0x13100] =	vst v63  }
0x2a: {  	v3 =	vld [tilespmem:$0x10];
	_ =	sdelay $0x4  }
0x2b: {  	v57 =	vshll.u32 v3, $0x1  }
0x2c: {  	v3 =	vand.u32 $0x7, v3;
	v4 =	vand.u32 $0xFFFFFFF0, v57  }
0x2d: {  	v3 =	vor.u32 v3, v4  }
0x2e: {  	v4 =	vperm.xlane v3, v0;
	_ =	sdelay $0x1  }
0x2f: {  	v3 =	vperm.xlane v3, v2;
	v4 =	vadd.s32 v1, v4;
	_ =	sdelay $0x1  }
0x30: {  	v3 =	vadd.s32 v1, v3;
	_ =	sdelay $0x1  }
0x31: {  	s19 =	simm.s32 $0x4100  }
0x32: {  	[tilespmem:s19], [sflag:$0x1] =	stream.indirect_vreg.gather [hbm4b:s2+s3], $0x80, v4, vm0, $0xb8;
	[tilespmem:$0x13100] =	vst v63  }
0x33: {  	s20 =	simm.s32 $0x4900  }
0x34: {  	[tilespmem:s20], [sflag:$0x1] =	stream.indirect_vreg.gather [hbm4b:s2+s3], $0x80, v3, vm0, $0xb8;
	[tilespmem:$0x13100] =	vst v63  }
0x35: {  	v3 =	vld [tilespmem:$0x20];
	_ =	sdelay $0x4  }
0x36: {  	v58 =	vshll.u32 v3, $0x1  }
0x37: {  	v3 =	vand.u32 $0x7, v3;
	v4 =	vand.u32 $0xFFFFFFF0, v58  }
0x38: {  	v3 =	vor.u32 v3, v4  }
0x39: {  	v4 =	vperm.xlane v3, v0;
	_ =	sdelay $0x1  }
0x3a: {  	v3 =	vperm.xlane v3, v2;
	v4 =	vadd.s32 v1, v4;
	_ =	sdelay $0x1  }
0x3b: {  	v3 =	vadd.s32 v1, v3;
	_ =	sdelay $0x1  }
0x3c: {  	s19 =	simm.s32 $0x5100  }
0x3d: {  	[tilespmem:s19], [sflag:$0x1] =	stream.indirect_vreg.gather [hbm4b:s2+s3], $0x80, v4, vm0, $0xb8;
	[tilespmem:$0x13100] =	vst v63  }
0x3e: {  	s20 =	simm.s32 $0x5900  }
0x3f: {  	[tilespmem:s20], [sflag:$0x1] =	stream.indirect_vreg.gather [hbm4b:s2+s3], $0x80, v3, vm0, $0xb8;
	[tilespmem:$0x13100] =	vst v63  }
0x40: {  	v3 =	vld [tilespmem:$0x30];
	_ =	sdelay $0x4  }
0x41: {  	v59 =	vshll.u32 v3, $0x1  }
0x42: {  	v3 =	vand.u32 $0x7, v3;
	v4 =	vand.u32 $0xFFFFFFF0, v59  }
0x43: {  	v3 =	vor.u32 v3, v4  }
0x44: {  	v4 =	vperm.xlane v3, v0;
	_ =	sdelay $0x1  }
0x45: {  	v3 =	vperm.xlane v3, v2;
	v4 =	vadd.s32 v1, v4;
	_ =	sdelay $0x1  }
0x46: {  	v3 =	vadd.s32 v1, v3;
	_ =	sdelay $0x1  }
0x47: {  	s19 =	simm.s32 $0x6100  }
0x48: {  	[tilespmem:s19], [sflag:$0x1] =	stream.indirect_vreg.gather [hbm4b:s2+s3], $0x80, v4, vm0, $0xb8;
	[tilespmem:$0x13100] =	vst v63  }
0x49: {  	s20 =	simm.s32 $0x6900  }
0x4a: {  	[tilespmem:s20], [sflag:$0x1] =	stream.indirect_vreg.gather [hbm4b:s2+s3], $0x80, v3, vm0, $0xb8;
	[tilespmem:$0x13100] =	vst v63  }
0x4b: {  	v3 =	vld [tilespmem:$0x40];
	_ =	sdelay $0x4  }
0x4c: {  	v60 =	vshll.u32 v3, $0x1  }
0x4d: {  	v3 =	vand.u32 $0x7, v3;
	v4 =	vand.u32 $0xFFFFFFF0, v60  }
0x4e: {  	v3 =	vor.u32 v3, v4  }
0x4f: {  	v4 =	vperm.xlane v3, v0;
	_ =	sdelay $0x1  }
0x50: {  	v3 =	vperm.xlane v3, v2;
	v4 =	vadd.s32 v1, v4;
	_ =	sdelay $0x1  }
0x51: {  	v3 =	vadd.s32 v1, v3;
	_ =	sdelay $0x1  }
0x52: {  	s19 =	simm.s32 $0x7100  }
0x53: {  	[tilespmem:s19], [sflag:$0x1] =	stream.indirect_vreg.gather [hbm4b:s2+s3], $0x80, v4, vm0, $0xb8;
	[tilespmem:$0x13100] =	vst v63  }
0x54: {  	s20 =	simm.s32 $0x7900  }
0x55: {  	[tilespmem:s20], [sflag:$0x1] =	stream.indirect_vreg.gather [hbm4b:s2+s3], $0x80, v3, vm0, $0xb8;
	[tilespmem:$0x13100] =	vst v63  }
0x56: {  	v3 =	vld [tilespmem:$0x50];
	_ =	sdelay $0x4  }
0x57: {  	v61 =	vshll.u32 v3, $0x1  }
0x58: {  	v3 =	vand.u32 $0x7, v3;
	v4 =	vand.u32 $0xFFFFFFF0, v61  }
0x59: {  	v3 =	vor.u32 v3, v4  }
0x5a: {  	v4 =	vperm.xlane v3, v0;
	_ =	sdelay $0x1  }
0x5b: {  	v3 =	vperm.xlane v3, v2;
	v4 =	vadd.s32 v1, v4;
	_ =	sdelay $0x1  }
0x5c: {  	v3 =	vadd.s32 v1, v3;
	_ =	sdelay $0x1  }
0x5d: {  	s19 =	simm.s32 $0x8100  }
0x5e: {  	[tilespmem:s19], [sflag:$0x1] =	stream.indirect_vreg.gather [hbm4b:s2+s3], $0x80, v4, vm0, $0xb8;
	[tilespmem:$0x13100] =	vst v63  }
0x5f: {  	s20 =	simm.s32 $0x8900  }
0x60: {  	[tilespmem:s20], [sflag:$0x1] =	stream.indirect_vreg.gather [hbm4b:s2+s3], $0x80, v3, vm0, $0xb8;
	[tilespmem:$0x13100] =	vst v63  }
0x61: {  	v3 =	vld [tilespmem:$0x60];
	_ =	sdelay $0x4  }
0x62: {  	v62 =	vshll.u32 v3, $0x1  }
0x63: {  	v3 =	vand.u32 $0x7, v3;
	v4 =	vand.u32 $0xFFFFFFF0, v62  }
0x64: {  	v3 =	vor.u32 v3, v4  }
0x65: {  	v4 =	vperm.xlane v3, v0;
	_ =	sdelay $0x1  }
0x66: {  	v3 =	vperm.xlane v3, v2;
	v4 =	vadd.s32 v1, v4;
	_ =	sdelay $0x1  }
0x67: {  	v3 =	vadd.s32 v1, v3;
	_ =	sdelay $0x2  }
0x68: {  	[tilespmem:s21], [sflag:$0x1] =	stream.indirect_vreg.gather [hbm4b:s2+s3], $0x80, v4, vm0, $0xb8;
	[tilespmem:$0x13100] =	vst v63  }
0x69: {  	_ = 	snop  }
0x6a: {  	[tilespmem:s22], [sflag:$0x1] =	stream.indirect_vreg.gather [hbm4b:s2+s3], $0x80, v3, vm0, $0xb8;
	[tilespmem:$0x13100] =	vst v63  }
0x6b: {  	v3 =	vld [tilespmem:$0x70];
	_ =	sdelay $0x4  }
0x6c: {  	v63 =	vshll.u32 v3, $0x1  }
0x6d: {  	v3 =	vand.u32 $0x7, v3;
	v4 =	vand.u32 $0xFFFFFFF0, v63  }
0x6e: {  	v3 =	vor.u32 v3, v4  }
0x6f: {  	v4 =	vperm.xlane v3, v0;
	_ =	sdelay $0x1  }
0x70: {  	v3 =	vperm.xlane v3, v2;
	v4 =	vadd.s32 v1, v4;
	_ =	sdelay $0x1  }
0x71: {  	v3 =	vadd.s32 v1, v3  }
.Ltmp2:
0x72: {  	_ = 	snop;
	(pc) =	sbr.rel .LBB2_2-.Ltmp2, $4  }
0x73: {  	_ = 	snop  }
0x74: {  	[tilespmem:s23], [sflag:$0x1] =	stream.indirect_vreg.gather [hbm4b:s2+s3], $0x80, v4, vm0, $0xb8;
	[tilespmem:$0x13100] =	vst v63  }
0x75: {  	s18 =	simm.s32 $0xC0;
	s19 =	simm.s32 $0x0  }
0x76: {  	[tilespmem:s24], [sflag:$0x1] =	stream.indirect_vreg.gather [hbm4b:s2+s3], $0x80, v3, vm0, $0xb8;
	[tilespmem:$0x13100] =	vst v63  }
.LBB2_4:
0x77: {  	_ =	swait.ge [sflag:s17], $0x8000;
	s20 =	sadd.s32 s19, s6;
	s19 =	sadd.s32 $0x2000, s19  }
0x78: {  	[sflag:s17] =	ssyncset.done $0x0;
	p0 =	sne.s32 s19, $0x62000  }
.Ltmp3:
0x79: {  	[sflag:s17] =	ssyncadd.s32 $0xFFFF8000;
	(pc) =	sbr.rel @!p0 .LBB2_5-.Ltmp3, $4  }
0x7a: {  	[hbm4b:s20+s3] =	stream.linear.scatter [tilespmem:s25], [sflag:$0x3], $0x8000, $0x38;
	[tilespmem:$0x13100] =	vst v63  }
0x7b: {  	_ =	swait.ge [sflag:s8], $0x8000  }
0x7c: {  	[sflag:s8] =	ssyncset.done $0x0  }
0x7d: {  	s18 =	sadd.s32 $0x100, s18;
	[sflag:s8] =	ssyncadd.s32 $0xFFFF8000  }
.LBB2_2:
0x7e: {  	v3 =	vld [tilespmem:s18+$0xFFFFFFC0];
	_ =	sdelay $0x4  }
0x7f: {  	v4 =	vshll.u32 v3, $0x1  }
0x80: {  	v3 =	vand.u32 $0x7, v3;
	v4 =	vand.u32 $0xFFFFFFF0, v4  }
0x81: {  	v3 =	vor.u32 v3, v4  }
0x82: {  	v4 =	vperm.xlane v3, v0;
	_ =	sdelay $0x1  }
0x83: {  	v3 =	vperm.xlane v3, v2;
	v4 =	vadd.s32 v1, v4;
	_ =	sdelay $0x1  }
0x84: {  	v3 =	vadd.s32 v1, v3;
	_ =	sdelay $0x2  }
0x85: {  	[tilespmem:s25], [sflag:$0x2] =	stream.indirect_vreg.gather [hbm4b:s2+s3], $0x80, v4, vm0, $0xb8;
	[tilespmem:$0x13100] =	vst v63  }
0x86: {  	_ = 	snop  }
0x87: {  	[tilespmem:s26], [sflag:$0x2] =	stream.indirect_vreg.gather [hbm4b:s2+s3], $0x80, v3, vm0, $0xb8;
	[tilespmem:$0x13100] =	vst v63  }
0x88: {  	v3 =	vld [tilespmem:s18+$0xFFFFFFD0];
	_ =	sdelay $0x4  }
0x89: {  	v57 =	vshll.u32 v3, $0x1  }
0x8a: {  	v3 =	vand.u32 $0x7, v3;
	v4 =	vand.u32 $0xFFFFFFF0, v57  }
0x8b: {  	v3 =	vor.u32 v3, v4  }
0x8c: {  	v4 =	vperm.xlane v3, v0;
	_ =	sdelay $0x1  }
0x8d: {  	v3 =	vperm.xlane v3, v2;
	v4 =	vadd.s32 v1, v4;
	_ =	sdelay $0x1  }
0x8e: {  	v3 =	vadd.s32 v1, v3;
	_ =	sdelay $0x2  }
0x8f: {  	[tilespmem:s28], [sflag:$0x2] =	stream.indirect_vreg.gather [hbm4b:s2+s3], $0x80, v4, vm0, $0xb8;
	[tilespmem:$0x13100] =	vst v63  }
0x90: {  	_ = 	snop  }
0x91: {  	[tilespmem:s29], [sflag:$0x2] =	stream.indirect_vreg.gather [hbm4b:s2+s3], $0x80, v3, vm0, $0xb8;
	[tilespmem:$0x13100] =	vst v63  }
0x92: {  	v3 =	vld [tilespmem:s18+$0xFFFFFFE0];
	_ =	sdelay $0x4  }
0x93: {  	v58 =	vshll.u32 v3, $0x1  }
0x94: {  	v3 =	vand.u32 $0x7, v3;
	v4 =	vand.u32 $0xFFFFFFF0, v58  }
0x95: {  	v3 =	vor.u32 v3, v4  }
0x96: {  	v4 =	vperm.xlane v3, v0;
	_ =	sdelay $0x1  }
0x97: {  	v3 =	vperm.xlane v3, v2;
	v4 =	vadd.s32 v1, v4;
	_ =	sdelay $0x1  }
0x98: {  	v3 =	vadd.s32 v1, v3;
	_ =	sdelay $0x2  }
0x99: {  	[tilespmem:s30], [sflag:$0x2] =	stream.indirect_vreg.gather [hbm4b:s2+s3], $0x80, v4, vm0, $0xb8;
	[tilespmem:$0x13100] =	vst v63  }
0x9a: {  	_ = 	snop  }
0x9b: {  	[tilespmem:s31], [sflag:$0x2] =	stream.indirect_vreg.gather [hbm4b:s2+s3], $0x80, v3, vm0, $0xb8;
	[tilespmem:$0x13100] =	vst v63  }
0x9c: {  	v3 =	vld [tilespmem:s18+$0xFFFFFFF0];
	_ =	sdelay $0x4  }
0x9d: {  	v59 =	vshll.u32 v3, $0x1  }
0x9e: {  	v3 =	vand.u32 $0x7, v3;
	v4 =	vand.u32 $0xFFFFFFF0, v59  }
0x9f: {  	v3 =	vor.u32 v3, v4  }
0xa0: {  	v4 =	vperm.xlane v3, v0;
	_ =	sdelay $0x1  }
0xa1: {  	v3 =	vperm.xlane v3, v2;
	v4 =	vadd.s32 v1, v4;
	_ =	sdelay $0x1  }
0xa2: {  	v3 =	vadd.s32 v1, v3;
	_ =	sdelay $0x2  }
0xa3: {  	[tilespmem:s1], [sflag:$0x2] =	stream.indirect_vreg.gather [hbm4b:s2+s3], $0x80, v4, vm0, $0xb8;
	[tilespmem:$0x13100] =	vst v63  }
0xa4: {  	_ = 	snop  }
0xa5: {  	[tilespmem:s0], [sflag:$0x2] =	stream.indirect_vreg.gather [hbm4b:s2+s3], $0x80, v3, vm0, $0xb8;
	[tilespmem:$0x13100] =	vst v63  }
0xa6: {  	v3 =	vld [tilespmem:s18+$0x0];
	_ =	sdelay $0x4  }
0xa7: {  	v60 =	vshll.u32 v3, $0x1  }
0xa8: {  	v3 =	vand.u32 $0x7, v3;
	v4 =	vand.u32 $0xFFFFFFF0, v60  }
0xa9: {  	v3 =	vor.u32 v3, v4  }
0xaa: {  	v4 =	vperm.xlane v3, v0;
	_ =	sdelay $0x1  }
0xab: {  	v3 =	vperm.xlane v3, v2;
	v4 =	vadd.s32 v1, v4;
	_ =	sdelay $0x1  }
0xac: {  	v3 =	vadd.s32 v1, v3;
	_ =	sdelay $0x2  }
0xad: {  	[tilespmem:s4], [sflag:$0x2] =	stream.indirect_vreg.gather [hbm4b:s2+s3], $0x80, v4, vm0, $0xb8;
	[tilespmem:$0x13100] =	vst v63  }
0xae: {  	_ = 	snop  }
0xaf: {  	[tilespmem:s5], [sflag:$0x2] =	stream.indirect_vreg.gather [hbm4b:s2+s3], $0x80, v3, vm0, $0xb8;
	[tilespmem:$0x13100] =	vst v63  }
0xb0: {  	v3 =	vld [tilespmem:s18+$0x10];
	_ =	sdelay $0x4  }
0xb1: {  	v61 =	vshll.u32 v3, $0x1  }
0xb2: {  	v3 =	vand.u32 $0x7, v3;
	v4 =	vand.u32 $0xFFFFFFF0, v61  }
0xb3: {  	v3 =	vor.u32 v3, v4  }
0xb4: {  	v4 =	vperm.xlane v3, v0;
	_ =	sdelay $0x1  }
0xb5: {  	v3 =	vperm.xlane v3, v2;
	v4 =	vadd.s32 v1, v4;
	_ =	sdelay $0x1  }
0xb6: {  	v3 =	vadd.s32 v1, v3;
	_ =	sdelay $0x2  }
0xb7: {  	[tilespmem:s10], [sflag:$0x2] =	stream.indirect_vreg.gather [hbm4b:s2+s3], $0x80, v4, vm0, $0xb8;
	[tilespmem:$0x13100] =	vst v63  }
0xb8: {  	_ = 	snop  }
0xb9: {  	[tilespmem:s11], [sflag:$0x2] =	stream.indirect_vreg.gather [hbm4b:s2+s3], $0x80, v3, vm0, $0xb8;
	[tilespmem:$0x13100] =	vst v63  }
0xba: {  	v3 =	vld [tilespmem:s18+$0x20];
	_ =	sdelay $0x4  }
0xbb: {  	v62 =	vshll.u32 v3, $0x1  }
0xbc: {  	v3 =	vand.u32 $0x7, v3;
	v4 =	vand.u32 $0xFFFFFFF0, v62  }
0xbd: {  	v3 =	vor.u32 v3, v4  }
0xbe: {  	v4 =	vperm.xlane v3, v0;
	_ =	sdelay $0x1  }
0xbf: {  	v3 =	vperm.xlane v3, v2;
	v4 =	vadd.s32 v1, v4;
	_ =	sdelay $0x1  }
0xc0: {  	v3 =	vadd.s32 v1, v3;
	_ =	sdelay $0x2  }
0xc1: {  	[tilespmem:s12], [sflag:$0x2] =	stream.indirect_vreg.gather [hbm4b:s2+s3], $0x80, v4, vm0, $0xb8;
	[tilespmem:$0x13100] =	vst v63  }
0xc2: {  	_ = 	snop  }
0xc3: {  	[tilespmem:s13], [sflag:$0x2] =	stream.indirect_vreg.gather [hbm4b:s2+s3], $0x80, v3, vm0, $0xb8;
	[tilespmem:$0x13100] =	vst v63  }
0xc4: {  	v3 =	vld [tilespmem:s18+$0x30];
	_ =	sdelay $0x4  }
0xc5: {  	v63 =	vshll.u32 v3, $0x1  }
0xc6: {  	v3 =	vand.u32 $0x7, v3;
	v4 =	vand.u32 $0xFFFFFFF0, v63  }
0xc7: {  	v3 =	vor.u32 v3, v4  }
0xc8: {  	v4 =	vperm.xlane v3, v0;
	_ =	sdelay $0x1  }
0xc9: {  	v3 =	vperm.xlane v3, v2;
	v4 =	vadd.s32 v1, v4;
	_ =	sdelay $0x1  }
0xca: {  	v3 =	vadd.s32 v1, v3;
	_ =	sdelay $0x2  }
0xcb: {  	[tilespmem:s14], [sflag:$0x2] =	stream.indirect_vreg.gather [hbm4b:s2+s3], $0x80, v4, vm0, $0xb8;
	[tilespmem:$0x13100] =	vst v63  }
0xcc: {  	_ = 	snop  }
0xcd: {  	[tilespmem:s15], [sflag:$0x2] =	stream.indirect_vreg.gather [hbm4b:s2+s3], $0x80, v3, vm0, $0xb8;
	[tilespmem:$0x13100] =	vst v63  }
0xce: {  	_ =	swait.ge [sflag:s16], $0x8000  }
0xcf: {  	p0 =	seq.s32 s19, $0x60000;
	[sflag:s16] =	ssyncset.done $0x0  }
.Ltmp4:
0xd0: {  	s20 =	sadd.s32 s19, s7;
	[sflag:s16] =	ssyncadd.s32 $0xFFFF8000;
	(pc) =	sbr.rel @p0 .LBB2_4-.Ltmp4, $4  }
0xd1: {  	[hbm4b:s20+s3] =	stream.linear.scatter [tilespmem:s9], [sflag:$0x3], $0x8000, $0x38;
	[tilespmem:$0x13100] =	vst v63  }
0xd2: {  	_ =	swait.ge [sflag:s8], $0x8000  }
0xd3: {  	[sflag:s8] =	ssyncset.done $0x0  }
0xd4: {  	[sflag:s8] =	ssyncadd.s32 $0xFFFF8000  }
0xd5: {  	v3 =	vld [tilespmem:s18+$0x40];
	_ =	sdelay $0x4  }
0xd6: {  	v4 =	vshll.u32 v3, $0x1  }
0xd7: {  	v3 =	vand.u32 $0x7, v3;
	v4 =	vand.u32 $0xFFFFFFF0, v4  }
0xd8: {  	v3 =	vor.u32 v3, v4  }
0xd9: {  	v4 =	vperm.xlane v3, v0;
	_ =	sdelay $0x1  }
0xda: {  	v3 =	vperm.xlane v3, v2;
	v4 =	vadd.s32 v1, v4;
	_ =	sdelay $0x1  }
0xdb: {  	v3 =	vadd.s32 v1, v3;
	_ =	sdelay $0x2  }
0xdc: {  	[tilespmem:s9], [sflag:$0x1] =	stream.indirect_vreg.gather [hbm4b:s2+s3], $0x80, v4, vm0, $0xb8;
	[tilespmem:$0x13100] =	vst v63  }
0xdd: {  	s20 =	simm.s32 $0x3900  }
0xde: {  	[tilespmem:s20], [sflag:$0x1] =	stream.indirect_vreg.gather [hbm4b:s2+s3], $0x80, v3, vm0, $0xb8;
	[tilespmem:$0x13100] =	vst v63  }
0xdf: {  	v3 =	vld [tilespmem:s18+$0x50];
	_ =	sdelay $0x4  }
0xe0: {  	v57 =	vshll.u32 v3, $0x1  }
0xe1: {  	v3 =	vand.u32 $0x7, v3;
	v4 =	vand.u32 $0xFFFFFFF0, v57  }
0xe2: {  	v3 =	vor.u32 v3, v4  }
0xe3: {  	v4 =	vperm.xlane v3, v0;
	_ =	sdelay $0x1  }
0xe4: {  	v3 =	vperm.xlane v3, v2;
	v4 =	vadd.s32 v1, v4;
	_ =	sdelay $0x1  }
0xe5: {  	v3 =	vadd.s32 v1, v3;
	_ =	sdelay $0x1  }
0xe6: {  	s20 =	simm.s32 $0x4100  }
0xe7: {  	[tilespmem:s20], [sflag:$0x1] =	stream.indirect_vreg.gather [hbm4b:s2+s3], $0x80, v4, vm0, $0xb8;
	[tilespmem:$0x13100] =	vst v63  }
0xe8: {  	s20 =	simm.s32 $0x4900  }
0xe9: {  	[tilespmem:s20], [sflag:$0x1] =	stream.indirect_vreg.gather [hbm4b:s2+s3], $0x80, v3, vm0, $0xb8;
	[tilespmem:$0x13100] =	vst v63  }
0xea: {  	v3 =	vld [tilespmem:s18+$0x60];
	_ =	sdelay $0x4  }
0xeb: {  	v58 =	vshll.u32 v3, $0x1  }
0xec: {  	v3 =	vand.u32 $0x7, v3;
	v4 =	vand.u32 $0xFFFFFFF0, v58  }
0xed: {  	v3 =	vor.u32 v3, v4  }
0xee: {  	v4 =	vperm.xlane v3, v0;
	_ =	sdelay $0x1  }
0xef: {  	v3 =	vperm.xlane v3, v2;
	v4 =	vadd.s32 v1, v4;
	_ =	sdelay $0x1  }
0xf0: {  	v3 =	vadd.s32 v1, v3;
	_ =	sdelay $0x1  }
0xf1: {  	s20 =	simm.s32 $0x5100  }
0xf2: {  	[tilespmem:s20], [sflag:$0x1] =	stream.indirect_vreg.gather [hbm4b:s2+s3], $0x80, v4, vm0, $0xb8;
	[tilespmem:$0x13100] =	vst v63  }
0xf3: {  	s20 =	simm.s32 $0x5900  }
0xf4: {  	[tilespmem:s20], [sflag:$0x1] =	stream.indirect_vreg.gather [hbm4b:s2+s3], $0x80, v3, vm0, $0xb8;
	[tilespmem:$0x13100] =	vst v63  }
0xf5: {  	v3 =	vld [tilespmem:s18+$0x70];
	_ =	sdelay $0x4  }
0xf6: {  	v59 =	vshll.u32 v3, $0x1  }
0xf7: {  	v3 =	vand.u32 $0x7, v3;
	v4 =	vand.u32 $0xFFFFFFF0, v59  }
0xf8: {  	v3 =	vor.u32 v3, v4  }
0xf9: {  	v4 =	vperm.xlane v3, v0;
	_ =	sdelay $0x1  }
0xfa: {  	v3 =	vperm.xlane v3, v2;
	v4 =	vadd.s32 v1, v4;
	_ =	sdelay $0x1  }
0xfb: {  	v3 =	vadd.s32 v1, v3;
	_ =	sdelay $0x1  }
0xfc: {  	s20 =	simm.s32 $0x6100  }
0xfd: {  	[tilespmem:s20], [sflag:$0x1] =	stream.indirect_vreg.gather [hbm4b:s2+s3], $0x80, v4, vm0, $0xb8;
	[tilespmem:$0x13100] =	vst v63  }
0xfe: {  	s20 =	simm.s32 $0x6900  }
0xff: {  	[tilespmem:s20], [sflag:$0x1] =	stream.indirect_vreg.gather [hbm4b:s2+s3], $0x80, v3, vm0, $0xb8;
	[tilespmem:$0x13100] =	vst v63  }
0x100: {  	v3 =	vld [tilespmem:s18+$0x80];
	_ =	sdelay $0x4  }
0x101: {  	v60 =	vshll.u32 v3, $0x1  }
0x102: {  	v3 =	vand.u32 $0x7, v3;
	v4 =	vand.u32 $0xFFFFFFF0, v60  }
0x103: {  	v3 =	vor.u32 v3, v4  }
0x104: {  	v4 =	vperm.xlane v3, v0;
	_ =	sdelay $0x1  }
0x105: {  	v3 =	vperm.xlane v3, v2;
	v4 =	vadd.s32 v1, v4;
	_ =	sdelay $0x1  }
0x106: {  	v3 =	vadd.s32 v1, v3;
	_ =	sdelay $0x1  }
0x107: {  	s20 =	simm.s32 $0x7100  }
0x108: {  	[tilespmem:s20], [sflag:$0x1] =	stream.indirect_vreg.gather [hbm4b:s2+s3], $0x80, v4, vm0, $0xb8;
	[tilespmem:$0x13100] =	vst v63  }
0x109: {  	s20 =	simm.s32 $0x7900  }
0x10a: {  	[tilespmem:s20], [sflag:$0x1] =	stream.indirect_vreg.gather [hbm4b:s2+s3], $0x80, v3, vm0, $0xb8;
	[tilespmem:$0x13100] =	vst v63  }
0x10b: {  	v3 =	vld [tilespmem:s18+$0x90];
	_ =	sdelay $0x4  }
0x10c: {  	v61 =	vshll.u32 v3, $0x1  }
0x10d: {  	v3 =	vand.u32 $0x7, v3;
	v4 =	vand.u32 $0xFFFFFFF0, v61  }
0x10e: {  	v3 =	vor.u32 v3, v4  }
0x10f: {  	v4 =	vperm.xlane v3, v0;
	_ =	sdelay $0x1  }
0x110: {  	v3 =	vperm.xlane v3, v2;
	v4 =	vadd.s32 v1, v4;
	_ =	sdelay $0x1  }
0x111: {  	v3 =	vadd.s32 v1, v3;
	_ =	sdelay $0x1  }
0x112: {  	s20 =	simm.s32 $0x8100  }
0x113: {  	[tilespmem:s20], [sflag:$0x1] =	stream.indirect_vreg.gather [hbm4b:s2+s3], $0x80, v4, vm0, $0xb8;
	[tilespmem:$0x13100] =	vst v63  }
0x114: {  	s20 =	simm.s32 $0x8900  }
0x115: {  	[tilespmem:s20], [sflag:$0x1] =	stream.indirect_vreg.gather [hbm4b:s2+s3], $0x80, v3, vm0, $0xb8;
	[tilespmem:$0x13100] =	vst v63  }
0x116: {  	v3 =	vld [tilespmem:s18+$0xA0];
	_ =	sdelay $0x4  }
0x117: {  	v62 =	vshll.u32 v3, $0x1  }
0x118: {  	v3 =	vand.u32 $0x7, v3;
	v4 =	vand.u32 $0xFFFFFFF0, v62  }
0x119: {  	v3 =	vor.u32 v3, v4  }
0x11a: {  	v4 =	vperm.xlane v3, v0;
	_ =	sdelay $0x1  }
0x11b: {  	v3 =	vperm.xlane v3, v2;
	v4 =	vadd.s32 v1, v4;
	_ =	sdelay $0x1  }
0x11c: {  	v3 =	vadd.s32 v1, v3;
	_ =	sdelay $0x2  }
0x11d: {  	[tilespmem:s21], [sflag:$0x1] =	stream.indirect_vreg.gather [hbm4b:s2+s3], $0x80, v4, vm0, $0xb8;
	[tilespmem:$0x13100] =	vst v63  }
0x11e: {  	_ = 	snop  }
0x11f: {  	[tilespmem:s22], [sflag:$0x1] =	stream.indirect_vreg.gather [hbm4b:s2+s3], $0x80, v3, vm0, $0xb8;
	[tilespmem:$0x13100] =	vst v63  }
0x120: {  	v3 =	vld [tilespmem:s18+$0xB0];
	_ =	sdelay $0x4  }
0x121: {  	v63 =	vshll.u32 v3, $0x1  }
0x122: {  	v3 =	vand.u32 $0x7, v3;
	v4 =	vand.u32 $0xFFFFFFF0, v63  }
0x123: {  	v3 =	vor.u32 v3, v4  }
0x124: {  	v4 =	vperm.xlane v3, v0;
	_ =	sdelay $0x1  }
0x125: {  	v3 =	vperm.xlane v3, v2;
	v4 =	vadd.s32 v1, v4;
	_ =	sdelay $0x1  }
0x126: {  	v3 =	vadd.s32 v1, v3  }
.Ltmp5:
0x127: {  	_ = 	snop;
	(pc) =	sbr.rel .LBB2_4-.Ltmp5, $4  }
0x128: {  	_ = 	snop  }
0x129: {  	[tilespmem:s23], [sflag:$0x1] =	stream.indirect_vreg.gather [hbm4b:s2+s3], $0x80, v4, vm0, $0xb8;
	[tilespmem:$0x13100] =	vst v63  }
0x12a: {  	_ = 	snop  }
0x12b: {  	[tilespmem:s24], [sflag:$0x1] =	stream.indirect_vreg.gather [hbm4b:s2+s3], $0x80, v3, vm0, $0xb8;
	[tilespmem:$0x13100] =	vst v63  }
.LBB2_6:
0x12c: {  	_ =	sfence.sel $0x180000  }
0x12d: {  	[bflag:$0x0] =	sbarrier.arrive $0xFFFF  }
0x12e: {  	_ =	strace $0x90000047  }
0x12f: {  	s0 =	stileid.u32;
	[bflag:$0x2] =	sbarrier.arrive $0xFFFF  }
0x130: {  	p0 =	sne.s32 s0, $0x0;
	s0 =	rddreg [dreg:$0x2]  }
0x131: {  	s0 =	sadd.s32 @!p0 $0x100000, s0  }
0x132: {  	[sflag:s0] =	ssyncadd.tile.s32 @!p0 $0x1;
	_ =	shalt  }
.Lfunc_end2:
_tile_overlayer_lowered:
.L_overlay_start_2:
0x133: {  	(tag) =	ssettag $0x2  }
0x134: {  	s0 =	rddreg [dreg:$0x0];
	s2 =	stileid.u32  }
0x135: {  	s1 =	rddreg [dreg:$0x1];
	p0 =	sne.s32 s2, $0x0  }
0x136: {  	s3 =	rddreg [dreg:$0x2];
	[bflag:$0x3] =	sbarrier.arrive $0xFFFF;
	s2 =	simm.s32 @!p0 $0x1C03  }
0x137: {  	[timem:s3], [sflag:s2] =	dma.local @!p0 [hbm:s0], s1  }
0x138: {  	s0 =	simm.s32 @!p0 $0x3  }
0x139: {  	_ =	swait.ge @!p0 [sflag:s0], s1  }
0x13a: {  	s1 =	ssub.s32 @!p0 $0x0, s1;
	[sflag:s0] =	ssyncset.done @!p0 $0x0  }
0x13b: {  	[sflag:s0] =	ssyncadd.s32 @!p0 s1  }
0x13c: {  	[bflag:$0x3] =	sbarrier.arrive $0xFFFF  }
0x13d: {  	_ =	shalt  }

</sc_bundles>
